<compile_context>
chip_gen: v7x
topology: tpu7x:2x2x1
jax: 0.10.2.dev20260603
libtpu: 0.0.44.dev20260713+nightly
codegen_flags: <defaults>
</compile_context>

<pallas_src>
import jax
import jax.numpy as jnp
from jax import lax
from jax.experimental import pallas as pl
from jax.experimental.pallas import tpu as pltpu
from jax.experimental.pallas import tpu_sc as plsc

_THRESHOLD = 0.5
_PAD = -1
_L = 16

_B, _C = 4096, 1000
_NFULL = _C // _L
_LASTC = _C - _L
_SKIP = _NFULL * _L - _LASTC
_NC, _NS = 2, 16
_NW = _NC * _NS
_RPW = _B // _NW
_BLK = 8
_BPW = _RPW // _BLK

_TCR = 256
_SEG = 128


def _tc_pos_body(x_ref, o_ref):
  nseg = (_C + _SEG - 1) // _SEG
  base = jnp.zeros((_TCR, 1), jnp.float32)
  for t in range(nseg):
    lo = t * _SEG
    w = min(_SEG, _C - lo)
    seg = x_ref[:, lo:lo + w] >= _THRESHOLD
    segb = seg.astype(jnp.bfloat16)
    tri = (lax.broadcasted_iota(jnp.int32, (w, w), 0)
           <= lax.broadcasted_iota(jnp.int32, (w, w), 1)).astype(jnp.bfloat16)
    within = lax.dot_general(segb, tri, (((1,), (0,)), ((), ())),
                             preferred_element_type=jnp.float32)
    pos = (within + base).astype(jnp.int32) - 1
    o_ref[:, lo:lo + w] = jnp.where(seg, pos, _PAD)
    base = base + within[:, w - 1:w]


def _tc_pos(probs):
  return pl.pallas_call(
      _tc_pos_body,
      out_shape=jax.ShapeDtypeStruct((_B, _C), jnp.int32),
      grid=(_B // _TCR,),
      in_specs=[pl.BlockSpec((_TCR, _C), lambda i: (i, 0))],
      out_specs=pl.BlockSpec((_TCR, _C), lambda i: (i, 0)),
  )(probs)


def _scatter_row(ibuf, obuf, k):
  neg1 = jnp.full((_L,), _PAD, jnp.int32)
  iota = lax.iota(jnp.int32, _L)

  for j in range(_NFULL):
    obuf[k, pl.ds(j * _L, _L)] = neg1
  obuf[k, pl.ds(_LASTC, _L)] = neg1

  rowv = jnp.zeros((_L,), jnp.int32) + k
  for c in range(_NFULL + 1):
    col = c * _L if c < _NFULL else _LASTC
    posv = ibuf[k, pl.ds(col, _L)]
    m = posv >= 0
    if c == _NFULL:
      m = m & (iota >= _SKIP)
    plsc.store_scatter(obuf, [rowv, posv], iota + col, mask=m)


def _sc_body(pos_hbm, out_hbm,
             in0, in1, ob0, ob1,
             sem_in0, sem_in1, sem_out0, sem_out1):
  wid = lax.axis_index("s") * _NC + lax.axis_index("c")
  base = wid * _RPW

  in_bufs = (in0, in1)
  out_bufs = (ob0, ob1)
  sem_in = (sem_in0, sem_in1)
  sem_out = (sem_out0, sem_out1)

  for b in range(2):
    pltpu.async_copy(pos_hbm.at[pl.ds(base + b * _BLK, _BLK), :],
                     in_bufs[b], sem_in[b])

  def block_pair(i, carry):
    for b in range(2):
      blk = 2 * i + b
      r0 = base + blk * _BLK
      ibuf, obuf = in_bufs[b], out_bufs[b]

      pltpu.make_async_copy(pos_hbm.at[pl.ds(r0, _BLK), :],
                            ibuf, sem_in[b]).wait()

      @pl.when(blk >= 2)
      def _():
        pltpu.make_async_copy(obuf,
                              out_hbm.at[pl.ds(r0 - 2 * _BLK, _BLK), :],
                              sem_out[b]).wait()

      def rowfn(k, c2):
        _scatter_row(ibuf, obuf, k)
        return c2

      lax.fori_loop(0, _BLK, rowfn, 0, unroll=False)

      pltpu.async_copy(obuf, out_hbm.at[pl.ds(r0, _BLK), :], sem_out[b])

      @pl.when(blk + 2 < _BPW)
      def _():
        pltpu.async_copy(pos_hbm.at[pl.ds(r0 + 2 * _BLK, _BLK), :],
                         ibuf, sem_in[b])
    return carry

  lax.fori_loop(0, _BPW // 2, block_pair, 0, unroll=False)

  for b in range(2):
    pltpu.make_async_copy(
        out_bufs[b],
        out_hbm.at[pl.ds(base + (_BPW - 2 + b) * _BLK, _BLK), :],
        sem_out[b]).wait()


def _sc_scatter(pos):
  return pl.kernel(
      _sc_body,
      out_type=jax.ShapeDtypeStruct((_B, _C), jnp.int32),
      mesh=plsc.VectorSubcoreMesh(core_axis_name="c", subcore_axis_name="s"),
      compiler_params=pltpu.CompilerParams(
          needs_layout_passes=False, use_tc_tiling_on_sc=True),
      scratch_types=[
          pltpu.VMEM((_BLK, _C), jnp.int32),
          pltpu.VMEM((_BLK, _C), jnp.int32),
          pltpu.VMEM((_BLK, _C), jnp.int32),
          pltpu.VMEM((_BLK, _C), jnp.int32),
          pltpu.SemaphoreType.DMA,
          pltpu.SemaphoreType.DMA,
          pltpu.SemaphoreType.DMA,
          pltpu.SemaphoreType.DMA,
      ],
  )(pos)


def kernel(probs):
  return _sc_scatter(_tc_pos(probs))

# --- scband reference (transcript-rebuilt; emitter-appended) ---
"""Pipeline reference for scband-probs-to-indices-29953101922641 (READ-ONLY COPY).

The authoritative reference and input builder live on the scoring server;
editing this copy changes nothing except your own understanding.
"""

import jax, jax.numpy as jnp
import numpy as np

THRESHOLD = 0.5
PADDING_IDX = -1


def setup_inputs(seed: int = 0) -> dict:
    key = jax.random.key(seed)
    probs = jax.random.uniform(key, (4096, 1000), dtype=jnp.float32)
    return {"probs": probs}


def reference(probs):
    # probs_to_indices with padding_idx: for each row, the sorted class indices
    # where probs >= threshold, right-padded with padding_idx to num_classes.
    C = probs.shape[-1]
    mask = probs >= THRESHOLD
    ar = jnp.arange(C, dtype=jnp.int64 if jax.config.jax_enable_x64 else jnp.int32)
    # sentinel C for entries below threshold so they sort to the end
    vals = jnp.where(mask, ar, C)
    sorted_vals = jnp.sort(vals, axis=-1)
    indices = jnp.where(sorted_vals == C, PADDING_IDX, sorted_vals)
    return indices

if __name__ == "__main__":
    import jax
    _d = setup_inputs()
    print(jax.jit(kernel)(*tuple(_d.values())))

</pallas_src>

<mosaic_0001>
#map = affine_map<(d0, d1) -> (0, 0)>
module attributes {stable_mosaic.version = 14 : i64} {
  func.func @_sc_body(%arg0: i32, %arg1: i32, %arg2: memref<4096x1000xi32, #tpu.memory_space<hbm>>, %arg3: memref<4096x1000xi32, #tpu.memory_space<hbm>>, %arg4: memref<8x1000xi32, #tpu.memory_space<vmem>>, %arg5: memref<8x1000xi32, #tpu.memory_space<vmem>>, %arg6: memref<8x1000xi32, #tpu.memory_space<vmem>>, %arg7: memref<8x1000xi32, #tpu.memory_space<vmem>>, %arg8: memref<!tpu.dma_semaphore, #tpu.memory_space<semaphore_mem>>, %arg9: memref<!tpu.dma_semaphore, #tpu.memory_space<semaphore_mem>>, %arg10: memref<!tpu.dma_semaphore, #tpu.memory_space<semaphore_mem>>, %arg11: memref<!tpu.dma_semaphore, #tpu.memory_space<semaphore_mem>>) attributes {dimension_semantics = [#tpu.dimension_semantics<core_parallel>, #tpu.dimension_semantics<subcore_parallel>], iteration_bounds = array<i64: 2, 16>, scalar_prefetch = 0 : i64, scratch_operands = 8 : i64, tpu.core_type = #tpu.core_type<sc_vector_subcore>, window_params = [{transform_indices = #map}, {transform_indices = #map}]} {
    %mul3A = arith.constant 2 : i32
    %mul3A_0 = arith.muli %arg1, %mul3A : i32
    %add3A = arith.addi %mul3A_0, %arg0 : i32
    %mul3A_1 = arith.constant 128 : i32
    %mul3A_2 = arith.muli %add3A, %mul3A_1 : i32
    %add3A_3 = arith.constant 0 : i32
    %add3A_4 = arith.addi %mul3A_2, %add3A_3 : i32
    %dma_start3A = arith.constant 0 : i32
    %dma_start3A_5 = tpu.memref_slice %arg2[%add3A_4, %dma_start3A] : memref<4096x1000xi32, #tpu.memory_space<hbm>> -> memref<8x1000xi32, #tpu.memory_space<hbm>>
    %dma_start3A_6 = arith.constant 0 : i32
    %dma_start3A_7 = tpu.memref_slice %arg2[%add3A_4, %dma_start3A_6] : memref<4096x1000xi32, #tpu.memory_space<hbm>> -> memref<8x1000xi32, #tpu.memory_space<hbm>>
    tpu.enqueue_dma source(%dma_start3A_7 : memref<8x1000xi32, #tpu.memory_space<hbm>>) target(%arg4 : memref<8x1000xi32, #tpu.memory_space<vmem>>) target_semaphore(%arg8 : memref<!tpu.dma_semaphore, #tpu.memory_space<semaphore_mem>>)
    %add3A_8 = arith.constant 8 : i32
    %add3A_9 = arith.addi %mul3A_2, %add3A_8 : i32
    %dma_start3A_10 = arith.constant 0 : i32
    %dma_start3A_11 = tpu.memref_slice %arg2[%add3A_9, %dma_start3A_10] : memref<4096x1000xi32, #tpu.memory_space<hbm>> -> memref<8x1000xi32, #tpu.memory_space<hbm>>
    %dma_start3A_12 = arith.constant 0 : i32
    %dma_start3A_13 = tpu.memref_slice %arg2[%add3A_9, %dma_start3A_12] : memref<4096x1000xi32, #tpu.memory_space<hbm>> -> memref<8x1000xi32, #tpu.memory_space<hbm>>
    tpu.enqueue_dma source(%dma_start3A_13 : memref<8x1000xi32, #tpu.memory_space<hbm>>) target(%arg5 : memref<8x1000xi32, #tpu.memory_space<vmem>>) target_semaphore(%arg9 : memref<!tpu.dma_semaphore, #tpu.memory_space<semaphore_mem>>)
    %scan3A = arith.constant 0 : i32
    %scan3A_14 = arith.constant 0 : i32
    %scan3A_15 = arith.constant 8 : i32
    %scan3A_16 = arith.addi %scan3A_14, %scan3A_15 : i32
    %scan3A_17 = arith.constant 1 : i32
    scf.for %scan3A_30 = %scan3A_14 to %scan3A_16 step %scan3A_17  : i32 {
      %mul3A_31 = arith.constant 2 : i32
      %mul3A_32 = arith.muli %mul3A_31, %scan3A_30 : i32
      %add3A_33 = arith.constant 0 : i32
      %add3A_34 = arith.addi %mul3A_32, %add3A_33 : i32
      %mul3A_35 = arith.constant 8 : i32
      %mul3A_36 = arith.muli %add3A_34, %mul3A_35 : i32
      %add3A_37 = arith.addi %mul3A_2, %mul3A_36 : i32
      %dma_wait3A_38 = arith.constant 0 : i32
      %dma_wait3A_39 = tpu.memref_slice %arg2[%add3A_37, %dma_wait3A_38] : memref<4096x1000xi32, #tpu.memory_space<hbm>> -> memref<8x1000xi32, #tpu.memory_space<hbm>>
      %dma_wait3A_40 = arith.constant 0 : i32
      %dma_wait3A_41 = tpu.memref_slice %arg2[%add3A_37, %dma_wait3A_40] : memref<4096x1000xi32, #tpu.memory_space<hbm>> -> memref<8x1000xi32, #tpu.memory_space<hbm>>
      tpu.wait_dma2 semaphore(%arg8 : memref<!tpu.dma_semaphore, #tpu.memory_space<semaphore_mem>>) src(%dma_wait3A_41 : memref<8x1000xi32, #tpu.memory_space<hbm>>) dst(%arg4 : memref<8x1000xi32, #tpu.memory_space<vmem>>)
      %ge3A = arith.constant 2 : i32
      %ge3A_42 = arith.cmpi sge, %add3A_34, %ge3A : i32
      %convert_element_type3A = arith.extui %ge3A_42 : i1 to i32
      %cond3A = arith.constant 0 : i32
      %cond3A_43 = arith.cmpi ne, %convert_element_type3A, %cond3A : i32
      scf.if %cond3A_43 {
        %sub3A = arith.constant 16 : i32
        %sub3A_93 = arith.subi %add3A_37, %sub3A : i32
        %dma_wait3A_94 = arith.constant 0 : i32
        %dma_wait3A_95 = tpu.memref_slice %arg3[%sub3A_93, %dma_wait3A_94] : memref<4096x1000xi32, #tpu.memory_space<hbm>> -> memref<8x1000xi32, #tpu.memory_space<hbm>>
        %dma_wait3A_96 = arith.constant 0 : i32
        %dma_wait3A_97 = tpu.memref_slice %arg3[%sub3A_93, %dma_wait3A_96] : memref<4096x1000xi32, #tpu.memory_space<hbm>> -> memref<8x1000xi32, #tpu.memory_space<hbm>>
        tpu.wait_dma2 semaphore(%arg10 : memref<!tpu.dma_semaphore, #tpu.memory_space<semaphore_mem>>) src(%arg6 : memref<8x1000xi32, #tpu.memory_space<vmem>>) dst(%dma_wait3A_97 : memref<8x1000xi32, #tpu.memory_space<hbm>>)
      } else {
      }
      %scan3A_44 = arith.constant 0 : i32
      %scan3A_45 = arith.constant 0 : i32
      %scan3A_46 = arith.constant 8 : i32
      %scan3A_47 = arith.addi %scan3A_45, %scan3A_46 : i32
      %scan3A_48 = arith.constant 1 : i32
      scf.for %scan3A_93 = %scan3A_45 to %scan3A_47 step %scan3A_48  : i32 {
        %broadcast_in_dim3A = arith.constant -1 : i32
        %broadcast_in_dim3A_94 = vector.broadcast %broadcast_in_dim3A : i32 to vector<16xi32>
        %iota3A = tpu.iota {dimensions = array<i32: 0>} : vector<16xi32>
        %swap3A = arith.index_cast %scan3A_93 : i32 to index
        %swap3A_95 = arith.constant 0 : index
        %swap3A_96 = tpu.vector_load %arg6[%swap3A, %swap3A_95] {strides = array<i32>} : memref<8x1000xi32, #tpu.memory_space<vmem>>, vector<16xi32>,
        tpu.vector_store %arg6[%swap3A, %swap3A_95], %broadcast_in_dim3A_94 {strides = array<i32>} : memref<8x1000xi32, #tpu.memory_space<vmem>>, vector<16xi32>,
        %swap3A_97 = arith.index_cast %scan3A_93 : i32 to index
        %swap3A_98 = arith.constant 16 : index
        %swap3A_99 = tpu.vector_load %arg6[%swap3A_97, %swap3A_98] {strides = array<i32>} : memref<8x1000xi32, #tpu.memory_space<vmem>>, vector<16xi32>,
        tpu.vector_store %arg6[%swap3A_97, %swap3A_98], %broadcast_in_dim3A_94 {strides = array<i32>} : memref<8x1000xi32, #tpu.memory_space<vmem>>, vector<16xi32>,
        %swap3A_100 = arith.index_cast %scan3A_93 : i32 to index
        %swap3A_101 = arith.constant 32 : index
        %swap3A_102 = tpu.vector_load %arg6[%swap3A_100, %swap3A_101] {strides = array<i32>} : memref<8x1000xi32, #tpu.memory_space<vmem>>, vector<16xi32>,
        tpu.vector_store %arg6[%swap3A_100, %swap3A_101], %broadcast_in_dim3A_94 {strides = array<i32>} : memref<8x1000xi32, #tpu.memory_space<vmem>>, vector<16xi32>,
        %swap3A_103 = arith.index_cast %scan3A_93 : i32 to index
        %swap3A_104 = arith.constant 48 : index
        %swap3A_105 = tpu.vector_load %arg6[%swap3A_103, %swap3A_104] {strides = array<i32>} : memref<8x1000xi32, #tpu.memory_space<vmem>>, vector<16xi32>,
        tpu.vector_store %arg6[%swap3A_103, %swap3A_104], %broadcast_in_dim3A_94 {strides = array<i32>} : memref<8x1000xi32, #tpu.memory_space<vmem>>, vector<16xi32>,
        %swap3A_106 = arith.index_cast %scan3A_93 : i32 to index
        %swap3A_107 = arith.constant 64 : index
        %swap3A_108 = tpu.vector_load %arg6[%swap3A_106, %swap3A_107] {strides = array<i32>} : memref<8x1000xi32, #tpu.memory_space<vmem>>, vector<16xi32>,
        tpu.vector_store %arg6[%swap3A_106, %swap3A_107], %broadcast_in_dim3A_94 {strides = array<i32>} : memref<8x1000xi32, #tpu.memory_space<vmem>>, vector<16xi32>,
        %swap3A_109 = arith.index_cast %scan3A_93 : i32 to index
        %swap3A_110 = arith.constant 80 : index
        %swap3A_111 = tpu.vector_load %arg6[%swap3A_109, %swap3A_110] {strides = array<i32>} : memref<8x1000xi32, #tpu.memory_space<vmem>>, vector<16xi32>,
        tpu.vector_store %arg6[%swap3A_109, %swap3A_110], %broadcast_in_dim3A_94 {strides = array<i32>} : memref<8x1000xi32, #tpu.memory_space<vmem>>, vector<16xi32>,
        %swap3A_112 = arith.index_cast %scan3A_93 : i32 to index
        %swap3A_113 = arith.constant 96 : index
        %swap3A_114 = tpu.vector_load %arg6[%swap3A_112, %swap3A_113] {strides = array<i32>} : memref<8x1000xi32, #tpu.memory_space<vmem>>, vector<16xi32>,
        tpu.vector_store %arg6[%swap3A_112, %swap3A_113], %broadcast_in_dim3A_94 {strides = array<i32>} : memref<8x1000xi32, #tpu.memory_space<vmem>>, vector<16xi32>,
        %swap3A_115 = arith.index_cast %scan3A_93 : i32 to index
        %swap3A_116 = arith.constant 112 : index
        %swap3A_117 = tpu.vector_load %arg6[%swap3A_115, %swap3A_116] {strides = array<i32>} : memref<8x1000xi32, #tpu.memory_space<vmem>>, vector<16xi32>,
        tpu.vector_store %arg6[%swap3A_115, %swap3A_116], %broadcast_in_dim3A_94 {strides = array<i32>} : memref<8x1000xi32, #tpu.memory_space<vmem>>, vector<16xi32>,
        %swap3A_118 = arith.index_cast %scan3A_93 : i32 to index
        %swap3A_119 = arith.constant 128 : index
        %swap3A_120 = tpu.vector_load %arg6[%swap3A_118, %swap3A_119] {strides = array<i32>} : memref<8x1000xi32, #tpu.memory_space<vmem>>, vector<16xi32>,
        tpu.vector_store %arg6[%swap3A_118, %swap3A_119], %broadcast_in_dim3A_94 {strides = array<i32>} : memref<8x1000xi32, #tpu.memory_space<vmem>>, vector<16xi32>,
        %swap3A_121 = arith.index_cast %scan3A_93 : i32 to index
        %swap3A_122 = arith.constant 144 : index
        %swap3A_123 = tpu.vector_load %arg6[%swap3A_121, %swap3A_122] {strides = array<i32>} : memref<8x1000xi32, #tpu.memory_space<vmem>>, vector<16xi32>,
        tpu.vector_store %arg6[%swap3A_121, %swap3A_122], %broadcast_in_dim3A_94 {strides = array<i32>} : memref<8x1000xi32, #tpu.memory_space<vmem>>, vector<16xi32>,
        %swap3A_124 = arith.index_cast %scan3A_93 : i32 to index
        %swap3A_125 = arith.constant 160 : index
        %swap3A_126 = tpu.vector_load %arg6[%swap3A_124, %swap3A_125] {strides = array<i32>} : memref<8x1000xi32, #tpu.memory_space<vmem>>, vector<16xi32>,
        tpu.vector_store %arg6[%swap3A_124, %swap3A_125], %broadcast_in_dim3A_94 {strides = array<i32>} : memref<8x1000xi32, #tpu.memory_space<vmem>>, vector<16xi32>,
        %swap3A_127 = arith.index_cast %scan3A_93 : i32 to index
        %swap3A_128 = arith.constant 176 : index
        %swap3A_129 = tpu.vector_load %arg6[%swap3A_127, %swap3A_128] {strides = array<i32>} : memref<8x1000xi32, #tpu.memory_space<vmem>>, vector<16xi32>,
        tpu.vector_store %arg6[%swap3A_127, %swap3A_128], %broadcast_in_dim3A_94 {strides = array<i32>} : memref<8x1000xi32, #tpu.memory_space<vmem>>, vector<16xi32>,
        %swap3A_130 = arith.index_cast %scan3A_93 : i32 to index
        %swap3A_131 = arith.constant 192 : index
        %swap3A_132 = tpu.vector_load %arg6[%swap3A_130, %swap3A_131] {strides = array<i32>} : memref<8x1000xi32, #tpu.memory_space<vmem>>, vector<16xi32>,
        tpu.vector_store %arg6[%swap3A_130, %swap3A_131], %broadcast_in_dim3A_94 {strides = array<i32>} : memref<8x1000xi32, #tpu.memory_space<vmem>>, vector<16xi32>,
        %swap3A_133 = arith.index_cast %scan3A_93 : i32 to index
        %swap3A_134 = arith.constant 208 : index
        %swap3A_135 = tpu.vector_load %arg6[%swap3A_133, %swap3A_134] {strides = array<i32>} : memref<8x1000xi32, #tpu.memory_space<vmem>>, vector<16xi32>,
        tpu.vector_store %arg6[%swap3A_133, %swap3A_134], %broadcast_in_dim3A_94 {strides = array<i32>} : memref<8x1000xi32, #tpu.memory_space<vmem>>, vector<16xi32>,
        %swap3A_136 = arith.index_cast %scan3A_93 : i32 to index
        %swap3A_137 = arith.constant 224 : index
        %swap3A_138 = tpu.vector_load %arg6[%swap3A_136, %swap3A_137] {strides = array<i32>} : memref<8x1000xi32, #tpu.memory_space<vmem>>, vector<16xi32>,
        tpu.vector_store %arg6[%swap3A_136, %swap3A_137], %broadcast_in_dim3A_94 {strides = array<i32>} : memref<8x1000xi32, #tpu.memory_space<vmem>>, vector<16xi32>,
        %swap3A_139 = arith.index_cast %scan3A_93 : i32 to index
        %swap3A_140 = arith.constant 240 : index
        %swap3A_141 = tpu.vector_load %arg6[%swap3A_139, %swap3A_140] {strides = array<i32>} : memref<8x1000xi32, #tpu.memory_space<vmem>>, vector<16xi32>,
        tpu.vector_store %arg6[%swap3A_139, %swap3A_140], %broadcast_in_dim3A_94 {strides = array<i32>} : memref<8x1000xi32, #tpu.memory_space<vmem>>, vector<16xi32>,
        %swap3A_142 = arith.index_cast %scan3A_93 : i32 to index
        %swap3A_143 = arith.constant 256 : index
        %swap3A_144 = tpu.vector_load %arg6[%swap3A_142, %swap3A_143] {strides = array<i32>} : memref<8x1000xi32, #tpu.memory_space<vmem>>, vector<16xi32>,
        tpu.vector_store %arg6[%swap3A_142, %swap3A_143], %broadcast_in_dim3A_94 {strides = array<i32>} : memref<8x1000xi32, #tpu.memory_space<vmem>>, vector<16xi32>,
        %swap3A_145 = arith.index_cast %scan3A_93 : i32 to index
        %swap3A_146 = arith.constant 272 : index
        %swap3A_147 = tpu.vector_load %arg6[%swap3A_145, %swap3A_146] {strides = array<i32>} : memref<8x1000xi32, #tpu.memory_space<vmem>>, vector<16xi32>,
        tpu.vector_store %arg6[%swap3A_145, %swap3A_146], %broadcast_in_dim3A_94 {strides = array<i32>} : memref<8x1000xi32, #tpu.memory_space<vmem>>, vector<16xi32>,
        %swap3A_148 = arith.index_cast %scan3A_93 : i32 to index
        %swap3A_149 = arith.constant 288 : index
        %swap3A_150 = tpu.vector_load %arg6[%swap3A_148, %swap3A_149] {strides = array<i32>} : memref<8x1000xi32, #tpu.memory_space<vmem>>, vector<16xi32>,
        tpu.vector_store %arg6[%swap3A_148, %swap3A_149], %broadcast_in_dim3A_94 {strides = array<i32>} : memref<8x1000xi32, #tpu.memory_space<vmem>>, vector<16xi32>,
        %swap3A_151 = arith.index_cast %scan3A_93 : i32 to index
        %swap3A_152 = arith.constant 304 : index
        %swap3A_153 = tpu.vector_load %arg6[%swap3A_151, %swap3A_152] {strides = array<i32>} : memref<8x1000xi32, #tpu.memory_space<vmem>>, vector<16xi32>,
        tpu.vector_store %arg6[%swap3A_151, %swap3A_152], %broadcast_in_dim3A_94 {strides = array<i32>} : memref<8x1000xi32, #tpu.memory_space<vmem>>, vector<16xi32>,
        %swap3A_154 = arith.index_cast %scan3A_93 : i32 to index
        %swap3A_155 = arith.constant 320 : index
        %swap3A_156 = tpu.vector_load %arg6[%swap3A_154, %swap3A_155] {strides = array<i32>} : memref<8x1000xi32, #tpu.memory_space<vmem>>, vector<16xi32>,
        tpu.vector_store %arg6[%swap3A_154, %swap3A_155], %broadcast_in_dim3A_94 {strides = array<i32>} : memref<8x1000xi32, #tpu.memory_space<vmem>>, vector<16xi32>,
        %swap3A_157 = arith.index_cast %scan3A_93 : i32 to index
        %swap3A_158 = arith.constant 336 : index
        %swap3A_159 = tpu.vector_load %arg6[%swap3A_157, %swap3A_158] {strides = array<i32>} : memref<8x1000xi32, #tpu.memory_space<vmem>>, vector<16xi32>,
        tpu.vector_store %arg6[%swap3A_157, %swap3A_158], %broadcast_in_dim3A_94 {strides = array<i32>} : memref<8x1000xi32, #tpu.memory_space<vmem>>, vector<16xi32>,
        %swap3A_160 = arith.index_cast %scan3A_93 : i32 to index
        %swap3A_161 = arith.constant 352 : index
        %swap3A_162 = tpu.vector_load %arg6[%swap3A_160, %swap3A_161] {strides = array<i32>} : memref<8x1000xi32, #tpu.memory_space<vmem>>, vector<16xi32>,
        tpu.vector_store %arg6[%swap3A_160, %swap3A_161], %broadcast_in_dim3A_94 {strides = array<i32>} : memref<8x1000xi32, #tpu.memory_space<vmem>>, vector<16xi32>,
        %swap3A_163 = arith.index_cast %scan3A_93 : i32 to index
        %swap3A_164 = arith.constant 368 : index
        %swap3A_165 = tpu.vector_load %arg6[%swap3A_163, %swap3A_164] {strides = array<i32>} : memref<8x1000xi32, #tpu.memory_space<vmem>>, vector<16xi32>,
        tpu.vector_store %arg6[%swap3A_163, %swap3A_164], %broadcast_in_dim3A_94 {strides = array<i32>} : memref<8x1000xi32, #tpu.memory_space<vmem>>, vector<16xi32>,
        %swap3A_166 = arith.index_cast %scan3A_93 : i32 to index
        %swap3A_167 = arith.constant 384 : index
        %swap3A_168 = tpu.vector_load %arg6[%swap3A_166, %swap3A_167] {strides = array<i32>} : memref<8x1000xi32, #tpu.memory_space<vmem>>, vector<16xi32>,
        tpu.vector_store %arg6[%swap3A_166, %swap3A_167], %broadcast_in_dim3A_94 {strides = array<i32>} : memref<8x1000xi32, #tpu.memory_space<vmem>>, vector<16xi32>,
        %swap3A_169 = arith.index_cast %scan3A_93 : i32 to index
        %swap3A_170 = arith.constant 400 : index
        %swap3A_171 = tpu.vector_load %arg6[%swap3A_169, %swap3A_170] {strides = array<i32>} : memref<8x1000xi32, #tpu.memory_space<vmem>>, vector<16xi32>,
        tpu.vector_store %arg6[%swap3A_169, %swap3A_170], %broadcast_in_dim3A_94 {strides = array<i32>} : memref<8x1000xi32, #tpu.memory_space<vmem>>, vector<16xi32>,
        %swap3A_172 = arith.index_cast %scan3A_93 : i32 to index
        %swap3A_173 = arith.constant 416 : index
        %swap3A_174 = tpu.vector_load %arg6[%swap3A_172, %swap3A_173] {strides = array<i32>} : memref<8x1000xi32, #tpu.memory_space<vmem>>, vector<16xi32>,
        tpu.vector_store %arg6[%swap3A_172, %swap3A_173], %broadcast_in_dim3A_94 {strides = array<i32>} : memref<8x1000xi32, #tpu.memory_space<vmem>>, vector<16xi32>,
        %swap3A_175 = arith.index_cast %scan3A_93 : i32 to index
        %swap3A_176 = arith.constant 432 : index
        %swap3A_177 = tpu.vector_load %arg6[%swap3A_175, %swap3A_176] {strides = array<i32>} : memref<8x1000xi32, #tpu.memory_space<vmem>>, vector<16xi32>,
        tpu.vector_store %arg6[%swap3A_175, %swap3A_176], %broadcast_in_dim3A_94 {strides = array<i32>} : memref<8x1000xi32, #tpu.memory_space<vmem>>, vector<16xi32>,
        %swap3A_178 = arith.index_cast %scan3A_93 : i32 to index
        %swap3A_179 = arith.constant 448 : index
        %swap3A_180 = tpu.vector_load %arg6[%swap3A_178, %swap3A_179] {strides = array<i32>} : memref<8x1000xi32, #tpu.memory_space<vmem>>, vector<16xi32>,
        tpu.vector_store %arg6[%swap3A_178, %swap3A_179], %broadcast_in_dim3A_94 {strides = array<i32>} : memref<8x1000xi32, #tpu.memory_space<vmem>>, vector<16xi32>,
        %swap3A_181 = arith.index_cast %scan3A_93 : i32 to index
        %swap3A_182 = arith.constant 464 : index
        %swap3A_183 = tpu.vector_load %arg6[%swap3A_181, %swap3A_182] {strides = array<i32>} : memref<8x1000xi32, #tpu.memory_space<vmem>>, vector<16xi32>,
        tpu.vector_store %arg6[%swap3A_181, %swap3A_182], %broadcast_in_dim3A_94 {strides = array<i32>} : memref<8x1000xi32, #tpu.memory_space<vmem>>, vector<16xi32>,
        %swap3A_184 = arith.index_cast %scan3A_93 : i32 to index
        %swap3A_185 = arith.constant 480 : index
        %swap3A_186 = tpu.vector_load %arg6[%swap3A_184, %swap3A_185] {strides = array<i32>} : memref<8x1000xi32, #tpu.memory_space<vmem>>, vector<16xi32>,
        tpu.vector_store %arg6[%swap3A_184, %swap3A_185], %broadcast_in_dim3A_94 {strides = array<i32>} : memref<8x1000xi32, #tpu.memory_space<vmem>>, vector<16xi32>,
        %swap3A_187 = arith.index_cast %scan3A_93 : i32 to index
        %swap3A_188 = arith.constant 496 : index
        %swap3A_189 = tpu.vector_load %arg6[%swap3A_187, %swap3A_188] {strides = array<i32>} : memref<8x1000xi32, #tpu.memory_space<vmem>>, vector<16xi32>,
        tpu.vector_store %arg6[%swap3A_187, %swap3A_188], %broadcast_in_dim3A_94 {strides = array<i32>} : memref<8x1000xi32, #tpu.memory_space<vmem>>, vector<16xi32>,
        %swap3A_190 = arith.index_cast %scan3A_93 : i32 to index
        %swap3A_191 = arith.constant 512 : index
        %swap3A_192 = tpu.vector_load %arg6[%swap3A_190, %swap3A_191] {strides = array<i32>} : memref<8x1000xi32, #tpu.memory_space<vmem>>, vector<16xi32>,
        tpu.vector_store %arg6[%swap3A_190, %swap3A_191], %broadcast_in_dim3A_94 {strides = array<i32>} : memref<8x1000xi32, #tpu.memory_space<vmem>>, vector<16xi32>,
        %swap3A_193 = arith.index_cast %scan3A_93 : i32 to index
        %swap3A_194 = arith.constant 528 : index
        %swap3A_195 = tpu.vector_load %arg6[%swap3A_193, %swap3A_194] {strides = array<i32>} : memref<8x1000xi32, #tpu.memory_space<vmem>>, vector<16xi32>,
        tpu.vector_store %arg6[%swap3A_193, %swap3A_194], %broadcast_in_dim3A_94 {strides = array<i32>} : memref<8x1000xi32, #tpu.memory_space<vmem>>, vector<16xi32>,
        %swap3A_196 = arith.index_cast %scan3A_93 : i32 to index
        %swap3A_197 = arith.constant 544 : index
        %swap3A_198 = tpu.vector_load %arg6[%swap3A_196, %swap3A_197] {strides = array<i32>} : memref<8x1000xi32, #tpu.memory_space<vmem>>, vector<16xi32>,
        tpu.vector_store %arg6[%swap3A_196, %swap3A_197], %broadcast_in_dim3A_94 {strides = array<i32>} : memref<8x1000xi32, #tpu.memory_space<vmem>>, vector<16xi32>,
        %swap3A_199 = arith.index_cast %scan3A_93 : i32 to index
        %swap3A_200 = arith.constant 560 : index
        %swap3A_201 = tpu.vector_load %arg6[%swap3A_199, %swap3A_200] {strides = array<i32>} : memref<8x1000xi32, #tpu.memory_space<vmem>>, vector<16xi32>,
        tpu.vector_store %arg6[%swap3A_199, %swap3A_200], %broadcast_in_dim3A_94 {strides = array<i32>} : memref<8x1000xi32, #tpu.memory_space<vmem>>, vector<16xi32>,
        %swap3A_202 = arith.index_cast %scan3A_93 : i32 to index
        %swap3A_203 = arith.constant 576 : index
        %swap3A_204 = tpu.vector_load %arg6[%swap3A_202, %swap3A_203] {strides = array<i32>} : memref<8x1000xi32, #tpu.memory_space<vmem>>, vector<16xi32>,
        tpu.vector_store %arg6[%swap3A_202, %swap3A_203], %broadcast_in_dim3A_94 {strides = array<i32>} : memref<8x1000xi32, #tpu.memory_space<vmem>>, vector<16xi32>,
        %swap3A_205 = arith.index_cast %scan3A_93 : i32 to index
        %swap3A_206 = arith.constant 592 : index
        %swap3A_207 = tpu.vector_load %arg6[%swap3A_205, %swap3A_206] {strides = array<i32>} : memref<8x1000xi32, #tpu.memory_space<vmem>>, vector<16xi32>,
        tpu.vector_store %arg6[%swap3A_205, %swap3A_206], %broadcast_in_dim3A_94 {strides = array<i32>} : memref<8x1000xi32, #tpu.memory_space<vmem>>, vector<16xi32>,
        %swap3A_208 = arith.index_cast %scan3A_93 : i32 to index
        %swap3A_209 = arith.constant 608 : index
        %swap3A_210 = tpu.vector_load %arg6[%swap3A_208, %swap3A_209] {strides = array<i32>} : memref<8x1000xi32, #tpu.memory_space<vmem>>, vector<16xi32>,
        tpu.vector_store %arg6[%swap3A_208, %swap3A_209], %broadcast_in_dim3A_94 {strides = array<i32>} : memref<8x1000xi32, #tpu.memory_space<vmem>>, vector<16xi32>,
        %swap3A_211 = arith.index_cast %scan3A_93 : i32 to index
        %swap3A_212 = arith.constant 624 : index
        %swap3A_213 = tpu.vector_load %arg6[%swap3A_211, %swap3A_212] {strides = array<i32>} : memref<8x1000xi32, #tpu.memory_space<vmem>>, vector<16xi32>,
        tpu.vector_store %arg6[%swap3A_211, %swap3A_212], %broadcast_in_dim3A_94 {strides = array<i32>} : memref<8x1000xi32, #tpu.memory_space<vmem>>, vector<16xi32>,
        %swap3A_214 = arith.index_cast %scan3A_93 : i32 to index
        %swap3A_215 = arith.constant 640 : index
        %swap3A_216 = tpu.vector_load %arg6[%swap3A_214, %swap3A_215] {strides = array<i32>} : memref<8x1000xi32, #tpu.memory_space<vmem>>, vector<16xi32>,
        tpu.vector_store %arg6[%swap3A_214, %swap3A_215], %broadcast_in_dim3A_94 {strides = array<i32>} : memref<8x1000xi32, #tpu.memory_space<vmem>>, vector<16xi32>,
        %swap3A_217 = arith.index_cast %scan3A_93 : i32 to index
        %swap3A_218 = arith.constant 656 : index
        %swap3A_219 = tpu.vector_load %arg6[%swap3A_217, %swap3A_218] {strides = array<i32>} : memref<8x1000xi32, #tpu.memory_space<vmem>>, vector<16xi32>,
        tpu.vector_store %arg6[%swap3A_217, %swap3A_218], %broadcast_in_dim3A_94 {strides = array<i32>} : memref<8x1000xi32, #tpu.memory_space<vmem>>, vector<16xi32>,
        %swap3A_220 = arith.index_cast %scan3A_93 : i32 to index
        %swap3A_221 = arith.constant 672 : index
        %swap3A_222 = tpu.vector_load %arg6[%swap3A_220, %swap3A_221] {strides = array<i32>} : memref<8x1000xi32, #tpu.memory_space<vmem>>, vector<16xi32>,
        tpu.vector_store %arg6[%swap3A_220, %swap3A_221], %broadcast_in_dim3A_94 {strides = array<i32>} : memref<8x1000xi32, #tpu.memory_space<vmem>>, vector<16xi32>,
        %swap3A_223 = arith.index_cast %scan3A_93 : i32 to index
        %swap3A_224 = arith.constant 688 : index
        %swap3A_225 = tpu.vector_load %arg6[%swap3A_223, %swap3A_224] {strides = array<i32>} : memref<8x1000xi32, #tpu.memory_space<vmem>>, vector<16xi32>,
        tpu.vector_store %arg6[%swap3A_223, %swap3A_224], %broadcast_in_dim3A_94 {strides = array<i32>} : memref<8x1000xi32, #tpu.memory_space<vmem>>, vector<16xi32>,
        %swap3A_226 = arith.index_cast %scan3A_93 : i32 to index
        %swap3A_227 = arith.constant 704 : index
        %swap3A_228 = tpu.vector_load %arg6[%swap3A_226, %swap3A_227] {strides = array<i32>} : memref<8x1000xi32, #tpu.memory_space<vmem>>, vector<16xi32>,
        tpu.vector_store %arg6[%swap3A_226, %swap3A_227], %broadcast_in_dim3A_94 {strides = array<i32>} : memref<8x1000xi32, #tpu.memory_space<vmem>>, vector<16xi32>,
        %swap3A_229 = arith.index_cast %scan3A_93 : i32 to index
        %swap3A_230 = arith.constant 720 : index
        %swap3A_231 = tpu.vector_load %arg6[%swap3A_229, %swap3A_230] {strides = array<i32>} : memref<8x1000xi32, #tpu.memory_space<vmem>>, vector<16xi32>,
        tpu.vector_store %arg6[%swap3A_229, %swap3A_230], %broadcast_in_dim3A_94 {strides = array<i32>} : memref<8x1000xi32, #tpu.memory_space<vmem>>, vector<16xi32>,
        %swap3A_232 = arith.index_cast %scan3A_93 : i32 to index
        %swap3A_233 = arith.constant 736 : index
        %swap3A_234 = tpu.vector_load %arg6[%swap3A_232, %swap3A_233] {strides = array<i32>} : memref<8x1000xi32, #tpu.memory_space<vmem>>, vector<16xi32>,
        tpu.vector_store %arg6[%swap3A_232, %swap3A_233], %broadcast_in_dim3A_94 {strides = array<i32>} : memref<8x1000xi32, #tpu.memory_space<vmem>>, vector<16xi32>,
        %swap3A_235 = arith.index_cast %scan3A_93 : i32 to index
        %swap3A_236 = arith.constant 752 : index
        %swap3A_237 = tpu.vector_load %arg6[%swap3A_235, %swap3A_236] {strides = array<i32>} : memref<8x1000xi32, #tpu.memory_space<vmem>>, vector<16xi32>,
        tpu.vector_store %arg6[%swap3A_235, %swap3A_236], %broadcast_in_dim3A_94 {strides = array<i32>} : memref<8x1000xi32, #tpu.memory_space<vmem>>, vector<16xi32>,
        %swap3A_238 = arith.index_cast %scan3A_93 : i32 to index
        %swap3A_239 = arith.constant 768 : index
        %swap3A_240 = tpu.vector_load %arg6[%swap3A_238, %swap3A_239] {strides = array<i32>} : memref<8x1000xi32, #tpu.memory_space<vmem>>, vector<16xi32>,
        tpu.vector_store %arg6[%swap3A_238, %swap3A_239], %broadcast_in_dim3A_94 {strides = array<i32>} : memref<8x1000xi32, #tpu.memory_space<vmem>>, vector<16xi32>,
        %swap3A_241 = arith.index_cast %scan3A_93 : i32 to index
        %swap3A_242 = arith.constant 784 : index
        %swap3A_243 = tpu.vector_load %arg6[%swap3A_241, %swap3A_242] {strides = array<i32>} : memref<8x1000xi32, #tpu.memory_space<vmem>>, vector<16xi32>,
        tpu.vector_store %arg6[%swap3A_241, %swap3A_242], %broadcast_in_dim3A_94 {strides = array<i32>} : memref<8x1000xi32, #tpu.memory_space<vmem>>, vector<16xi32>,
        %swap3A_244 = arith.index_cast %scan3A_93 : i32 to index
        %swap3A_245 = arith.constant 800 : index
        %swap3A_246 = tpu.vector_load %arg6[%swap3A_244, %swap3A_245] {strides = array<i32>} : memref<8x1000xi32, #tpu.memory_space<vmem>>, vector<16xi32>,
        tpu.vector_store %arg6[%swap3A_244, %swap3A_245], %broadcast_in_dim3A_94 {strides = array<i32>} : memref<8x1000xi32, #tpu.memory_space<vmem>>, vector<16xi32>,
        %swap3A_247 = arith.index_cast %scan3A_93 : i32 to index
        %swap3A_248 = arith.constant 816 : index
        %swap3A_249 = tpu.vector_load %arg6[%swap3A_247, %swap3A_248] {strides = array<i32>} : memref<8x1000xi32, #tpu.memory_space<vmem>>, vector<16xi32>,
        tpu.vector_store %arg6[%swap3A_247, %swap3A_248], %broadcast_in_dim3A_94 {strides = array<i32>} : memref<8x1000xi32, #tpu.memory_space<vmem>>, vector<16xi32>,
        %swap3A_250 = arith.index_cast %scan3A_93 : i32 to index
        %swap3A_251 = arith.constant 832 : index
        %swap3A_252 = tpu.vector_load %arg6[%swap3A_250, %swap3A_251] {strides = array<i32>} : memref<8x1000xi32, #tpu.memory_space<vmem>>, vector<16xi32>,
        tpu.vector_store %arg6[%swap3A_250, %swap3A_251], %broadcast_in_dim3A_94 {strides = array<i32>} : memref<8x1000xi32, #tpu.memory_space<vmem>>, vector<16xi32>,
        %swap3A_253 = arith.index_cast %scan3A_93 : i32 to index
        %swap3A_254 = arith.constant 848 : index
        %swap3A_255 = tpu.vector_load %arg6[%swap3A_253, %swap3A_254] {strides = array<i32>} : memref<8x1000xi32, #tpu.memory_space<vmem>>, vector<16xi32>,
        tpu.vector_store %arg6[%swap3A_253, %swap3A_254], %broadcast_in_dim3A_94 {strides = array<i32>} : memref<8x1000xi32, #tpu.memory_space<vmem>>, vector<16xi32>,
        %swap3A_256 = arith.index_cast %scan3A_93 : i32 to index
        %swap3A_257 = arith.constant 864 : index
        %swap3A_258 = tpu.vector_load %arg6[%swap3A_256, %swap3A_257] {strides = array<i32>} : memref<8x1000xi32, #tpu.memory_space<vmem>>, vector<16xi32>,
        tpu.vector_store %arg6[%swap3A_256, %swap3A_257], %broadcast_in_dim3A_94 {strides = array<i32>} : memref<8x1000xi32, #tpu.memory_space<vmem>>, vector<16xi32>,
        %swap3A_259 = arith.index_cast %scan3A_93 : i32 to index
        %swap3A_260 = arith.constant 880 : index
        %swap3A_261 = tpu.vector_load %arg6[%swap3A_259, %swap3A_260] {strides = array<i32>} : memref<8x1000xi32, #tpu.memory_space<vmem>>, vector<16xi32>,
        tpu.vector_store %arg6[%swap3A_259, %swap3A_260], %broadcast_in_dim3A_94 {strides = array<i32>} : memref<8x1000xi32, #tpu.memory_space<vmem>>, vector<16xi32>,
        %swap3A_262 = arith.index_cast %scan3A_93 : i32 to index
        %swap3A_263 = arith.constant 896 : index
        %swap3A_264 = tpu.vector_load %arg6[%swap3A_262, %swap3A_263] {strides = array<i32>} : memref<8x1000xi32, #tpu.memory_space<vmem>>, vector<16xi32>,
        tpu.vector_store %arg6[%swap3A_262, %swap3A_263], %broadcast_in_dim3A_94 {strides = array<i32>} : memref<8x1000xi32, #tpu.memory_space<vmem>>, vector<16xi32>,
        %swap3A_265 = arith.index_cast %scan3A_93 : i32 to index
        %swap3A_266 = arith.constant 912 : index
        %swap3A_267 = tpu.vector_load %arg6[%swap3A_265, %swap3A_266] {strides = array<i32>} : memref<8x1000xi32, #tpu.memory_space<vmem>>, vector<16xi32>,
        tpu.vector_store %arg6[%swap3A_265, %swap3A_266], %broadcast_in_dim3A_94 {strides = array<i32>} : memref<8x1000xi32, #tpu.memory_space<vmem>>, vector<16xi32>,
        %swap3A_268 = arith.index_cast %scan3A_93 : i32 to index
        %swap3A_269 = arith.constant 928 : index
        %swap3A_270 = tpu.vector_load %arg6[%swap3A_268, %swap3A_269] {strides = array<i32>} : memref<8x1000xi32, #tpu.memory_space<vmem>>, vector<16xi32>,
        tpu.vector_store %arg6[%swap3A_268, %swap3A_269], %broadcast_in_dim3A_94 {strides = array<i32>} : memref<8x1000xi32, #tpu.memory_space<vmem>>, vector<16xi32>,
        %swap3A_271 = arith.index_cast %scan3A_93 : i32 to index
        %swap3A_272 = arith.constant 944 : index
        %swap3A_273 = tpu.vector_load %arg6[%swap3A_271, %swap3A_272] {strides = array<i32>} : memref<8x1000xi32, #tpu.memory_space<vmem>>, vector<16xi32>,
        tpu.vector_store %arg6[%swap3A_271, %swap3A_272], %broadcast_in_dim3A_94 {strides = array<i32>} : memref<8x1000xi32, #tpu.memory_space<vmem>>, vector<16xi32>,
        %swap3A_274 = arith.index_cast %scan3A_93 : i32 to index
        %swap3A_275 = arith.constant 960 : index
        %swap3A_276 = tpu.vector_load %arg6[%swap3A_274, %swap3A_275] {strides = array<i32>} : memref<8x1000xi32, #tpu.memory_space<vmem>>, vector<16xi32>,
        tpu.vector_store %arg6[%swap3A_274, %swap3A_275], %broadcast_in_dim3A_94 {strides = array<i32>} : memref<8x1000xi32, #tpu.memory_space<vmem>>, vector<16xi32>,
        %swap3A_277 = arith.index_cast %scan3A_93 : i32 to index
        %swap3A_278 = arith.constant 976 : index
        %swap3A_279 = tpu.vector_load %arg6[%swap3A_277, %swap3A_278] {strides = array<i32>} : memref<8x1000xi32, #tpu.memory_space<vmem>>, vector<16xi32>,
        tpu.vector_store %arg6[%swap3A_277, %swap3A_278], %broadcast_in_dim3A_94 {strides = array<i32>} : memref<8x1000xi32, #tpu.memory_space<vmem>>, vector<16xi32>,
        %swap3A_280 = arith.index_cast %scan3A_93 : i32 to index
        %swap3A_281 = arith.constant 984 : index
        %swap3A_282 = tpu.vector_load %arg6[%swap3A_280, %swap3A_281] {strides = array<i32>} : memref<8x1000xi32, #tpu.memory_space<vmem>>, vector<16xi32>,
        tpu.vector_store %arg6[%swap3A_280, %swap3A_281], %broadcast_in_dim3A_94 {strides = array<i32>} : memref<8x1000xi32, #tpu.memory_space<vmem>>, vector<16xi32>,
        %broadcast_in_dim3A_283 = arith.constant 0 : i32
        %broadcast_in_dim3A_284 = vector.broadcast %broadcast_in_dim3A_283 : i32 to vector<16xi32>
        %add3A_285 = vector.broadcast %scan3A_93 : i32 to vector<16xi32>
        %add3A_286 = arith.addi %broadcast_in_dim3A_284, %add3A_285 : vector<16xi32>
        %get3A = arith.index_cast %scan3A_93 : i32 to index
        %get3A_287 = arith.constant 0 : index
        %get3A_288 = tpu.vector_load %arg4[%get3A, %get3A_287] {strides = array<i32>} : memref<8x1000xi32, #tpu.memory_space<vmem>>, vector<16xi32>,
        %ge3A_289 = arith.constant 0 : i32
        %ge3A_290 = vector.broadcast %ge3A_289 : i32 to vector<16xi32>
        %ge3A_291 = arith.cmpi sge, %get3A_288, %ge3A_290 : vector<16xi32>
        %add3A_292 = arith.constant 0 : i32
        %add3A_293 = vector.broadcast %add3A_292 : i32 to vector<16xi32>
        %add3A_294 = arith.addi %iota3A, %add3A_293 : vector<16xi32>
        tpu.vector_store_idx %arg6[%add3A_286, %get3A_288], %add3A_294 masked %ge3A_291 : memref<8x1000xi32, #tpu.memory_space<vmem>>[vector<16xi32>, vector<16xi32>], vector<16xi32>, vector<16xi1>
        %get3A_295 = arith.index_cast %scan3A_93 : i32 to index
        %get3A_296 = arith.constant 16 : index
        %get3A_297 = tpu.vector_load %arg4[%get3A_295, %get3A_296] {strides = array<i32>} : memref<8x1000xi32, #tpu.memory_space<vmem>>, vector<16xi32>,
        %ge3A_298 = arith.constant 0 : i32
        %ge3A_299 = vector.broadcast %ge3A_298 : i32 to vector<16xi32>
        %ge3A_300 = arith.cmpi sge, %get3A_297, %ge3A_299 : vector<16xi32>
        %add3A_301 = arith.constant 16 : i32
        %add3A_302 = vector.broadcast %add3A_301 : i32 to vector<16xi32>
        %add3A_303 = arith.addi %iota3A, %add3A_302 : vector<16xi32>
        tpu.vector_store_idx %arg6[%add3A_286, %get3A_297], %add3A_303 masked %ge3A_300 : memref<8x1000xi32, #tpu.memory_space<vmem>>[vector<16xi32>, vector<16xi32>], vector<16xi32>, vector<16xi1>
        %get3A_304 = arith.index_cast %scan3A_93 : i32 to index
        %get3A_305 = arith.constant 32 : index
        %get3A_306 = tpu.vector_load %arg4[%get3A_304, %get3A_305] {strides = array<i32>} : memref<8x1000xi32, #tpu.memory_space<vmem>>, vector<16xi32>,
        %ge3A_307 = arith.constant 0 : i32
        %ge3A_308 = vector.broadcast %ge3A_307 : i32 to vector<16xi32>
        %ge3A_309 = arith.cmpi sge, %get3A_306, %ge3A_308 : vector<16xi32>
        %add3A_310 = arith.constant 32 : i32
        %add3A_311 = vector.broadcast %add3A_310 : i32 to vector<16xi32>
        %add3A_312 = arith.addi %iota3A, %add3A_311 : vector<16xi32>
        tpu.vector_store_idx %arg6[%add3A_286, %get3A_306], %add3A_312 masked %ge3A_309 : memref<8x1000xi32, #tpu.memory_space<vmem>>[vector<16xi32>, vector<16xi32>], vector<16xi32>, vector<16xi1>
        %get3A_313 = arith.index_cast %scan3A_93 : i32 to index
        %get3A_314 = arith.constant 48 : index
        %get3A_315 = tpu.vector_load %arg4[%get3A_313, %get3A_314] {strides = array<i32>} : memref<8x1000xi32, #tpu.memory_space<vmem>>, vector<16xi32>,
        %ge3A_316 = arith.constant 0 : i32
        %ge3A_317 = vector.broadcast %ge3A_316 : i32 to vector<16xi32>
        %ge3A_318 = arith.cmpi sge, %get3A_315, %ge3A_317 : vector<16xi32>
        %add3A_319 = arith.constant 48 : i32
        %add3A_320 = vector.broadcast %add3A_319 : i32 to vector<16xi32>
        %add3A_321 = arith.addi %iota3A, %add3A_320 : vector<16xi32>
        tpu.vector_store_idx %arg6[%add3A_286, %get3A_315], %add3A_321 masked %ge3A_318 : memref<8x1000xi32, #tpu.memory_space<vmem>>[vector<16xi32>, vector<16xi32>], vector<16xi32>, vector<16xi1>
        %get3A_322 = arith.index_cast %scan3A_93 : i32 to index
        %get3A_323 = arith.constant 64 : index
        %get3A_324 = tpu.vector_load %arg4[%get3A_322, %get3A_323] {strides = array<i32>} : memref<8x1000xi32, #tpu.memory_space<vmem>>, vector<16xi32>,
        %ge3A_325 = arith.constant 0 : i32
        %ge3A_326 = vector.broadcast %ge3A_325 : i32 to vector<16xi32>
        %ge3A_327 = arith.cmpi sge, %get3A_324, %ge3A_326 : vector<16xi32>
        %add3A_328 = arith.constant 64 : i32
        %add3A_329 = vector.broadcast %add3A_328 : i32 to vector<16xi32>
        %add3A_330 = arith.addi %iota3A, %add3A_329 : vector<16xi32>
        tpu.vector_store_idx %arg6[%add3A_286, %get3A_324], %add3A_330 masked %ge3A_327 : memref<8x1000xi32, #tpu.memory_space<vmem>>[vector<16xi32>, vector<16xi32>], vector<16xi32>, vector<16xi1>
        %get3A_331 = arith.index_cast %scan3A_93 : i32 to index
        %get3A_332 = arith.constant 80 : index
        %get3A_333 = tpu.vector_load %arg4[%get3A_331, %get3A_332] {strides = array<i32>} : memref<8x1000xi32, #tpu.memory_space<vmem>>, vector<16xi32>,
        %ge3A_334 = arith.constant 0 : i32
        %ge3A_335 = vector.broadcast %ge3A_334 : i32 to vector<16xi32>
        %ge3A_336 = arith.cmpi sge, %get3A_333, %ge3A_335 : vector<16xi32>
        %add3A_337 = arith.constant 80 : i32
        %add3A_338 = vector.broadcast %add3A_337 : i32 to vector<16xi32>
        %add3A_339 = arith.addi %iota3A, %add3A_338 : vector<16xi32>
        tpu.vector_store_idx %arg6[%add3A_286, %get3A_333], %add3A_339 masked %ge3A_336 : memref<8x1000xi32, #tpu.memory_space<vmem>>[vector<16xi32>, vector<16xi32>], vector<16xi32>, vector<16xi1>
        %get3A_340 = arith.index_cast %scan3A_93 : i32 to index
        %get3A_341 = arith.constant 96 : index
        %get3A_342 = tpu.vector_load %arg4[%get3A_340, %get3A_341] {strides = array<i32>} : memref<8x1000xi32, #tpu.memory_space<vmem>>, vector<16xi32>,
        %ge3A_343 = arith.constant 0 : i32
        %ge3A_344 = vector.broadcast %ge3A_343 : i32 to vector<16xi32>
        %ge3A_345 = arith.cmpi sge, %get3A_342, %ge3A_344 : vector<16xi32>
        %add3A_346 = arith.constant 96 : i32
        %add3A_347 = vector.broadcast %add3A_346 : i32 to vector<16xi32>
        %add3A_348 = arith.addi %iota3A, %add3A_347 : vector<16xi32>
        tpu.vector_store_idx %arg6[%add3A_286, %get3A_342], %add3A_348 masked %ge3A_345 : memref<8x1000xi32, #tpu.memory_space<vmem>>[vector<16xi32>, vector<16xi32>], vector<16xi32>, vector<16xi1>
        %get3A_349 = arith.index_cast %scan3A_93 : i32 to index
        %get3A_350 = arith.constant 112 : index
        %get3A_351 = tpu.vector_load %arg4[%get3A_349, %get3A_350] {strides = array<i32>} : memref<8x1000xi32, #tpu.memory_space<vmem>>, vector<16xi32>,
        %ge3A_352 = arith.constant 0 : i32
        %ge3A_353 = vector.broadcast %ge3A_352 : i32 to vector<16xi32>
        %ge3A_354 = arith.cmpi sge, %get3A_351, %ge3A_353 : vector<16xi32>
        %add3A_355 = arith.constant 112 : i32
        %add3A_356 = vector.broadcast %add3A_355 : i32 to vector<16xi32>
        %add3A_357 = arith.addi %iota3A, %add3A_356 : vector<16xi32>
        tpu.vector_store_idx %arg6[%add3A_286, %get3A_351], %add3A_357 masked %ge3A_354 : memref<8x1000xi32, #tpu.memory_space<vmem>>[vector<16xi32>, vector<16xi32>], vector<16xi32>, vector<16xi1>
        %get3A_358 = arith.index_cast %scan3A_93 : i32 to index
        %get3A_359 = arith.constant 128 : index
        %get3A_360 = tpu.vector_load %arg4[%get3A_358, %get3A_359] {strides = array<i32>} : memref<8x1000xi32, #tpu.memory_space<vmem>>, vector<16xi32>,
        %ge3A_361 = arith.constant 0 : i32
        %ge3A_362 = vector.broadcast %ge3A_361 : i32 to vector<16xi32>
        %ge3A_363 = arith.cmpi sge, %get3A_360, %ge3A_362 : vector<16xi32>
        %add3A_364 = arith.constant 128 : i32
        %add3A_365 = vector.broadcast %add3A_364 : i32 to vector<16xi32>
        %add3A_366 = arith.addi %iota3A, %add3A_365 : vector<16xi32>
        tpu.vector_store_idx %arg6[%add3A_286, %get3A_360], %add3A_366 masked %ge3A_363 : memref<8x1000xi32, #tpu.memory_space<vmem>>[vector<16xi32>, vector<16xi32>], vector<16xi32>, vector<16xi1>
        %get3A_367 = arith.index_cast %scan3A_93 : i32 to index
        %get3A_368 = arith.constant 144 : index
        %get3A_369 = tpu.vector_load %arg4[%get3A_367, %get3A_368] {strides = array<i32>} : memref<8x1000xi32, #tpu.memory_space<vmem>>, vector<16xi32>,
        %ge3A_370 = arith.constant 0 : i32
        %ge3A_371 = vector.broadcast %ge3A_370 : i32 to vector<16xi32>
        %ge3A_372 = arith.cmpi sge, %get3A_369, %ge3A_371 : vector<16xi32>
        %add3A_373 = arith.constant 144 : i32
        %add3A_374 = vector.broadcast %add3A_373 : i32 to vector<16xi32>
        %add3A_375 = arith.addi %iota3A, %add3A_374 : vector<16xi32>
        tpu.vector_store_idx %arg6[%add3A_286, %get3A_369], %add3A_375 masked %ge3A_372 : memref<8x1000xi32, #tpu.memory_space<vmem>>[vector<16xi32>, vector<16xi32>], vector<16xi32>, vector<16xi1>
        %get3A_376 = arith.index_cast %scan3A_93 : i32 to index
        %get3A_377 = arith.constant 160 : index
        %get3A_378 = tpu.vector_load %arg4[%get3A_376, %get3A_377] {strides = array<i32>} : memref<8x1000xi32, #tpu.memory_space<vmem>>, vector<16xi32>,
        %ge3A_379 = arith.constant 0 : i32
        %ge3A_380 = vector.broadcast %ge3A_379 : i32 to vector<16xi32>
        %ge3A_381 = arith.cmpi sge, %get3A_378, %ge3A_380 : vector<16xi32>
        %add3A_382 = arith.constant 160 : i32
        %add3A_383 = vector.broadcast %add3A_382 : i32 to vector<16xi32>
        %add3A_384 = arith.addi %iota3A, %add3A_383 : vector<16xi32>
        tpu.vector_store_idx %arg6[%add3A_286, %get3A_378], %add3A_384 masked %ge3A_381 : memref<8x1000xi32, #tpu.memory_space<vmem>>[vector<16xi32>, vector<16xi32>], vector<16xi32>, vector<16xi1>
        %get3A_385 = arith.index_cast %scan3A_93 : i32 to index
        %get3A_386 = arith.constant 176 : index
        %get3A_387 = tpu.vector_load %arg4[%get3A_385, %get3A_386] {strides = array<i32>} : memref<8x1000xi32, #tpu.memory_space<vmem>>, vector<16xi32>,
        %ge3A_388 = arith.constant 0 : i32
        %ge3A_389 = vector.broadcast %ge3A_388 : i32 to vector<16xi32>
        %ge3A_390 = arith.cmpi sge, %get3A_387, %ge3A_389 : vector<16xi32>
        %add3A_391 = arith.constant 176 : i32
        %add3A_392 = vector.broadcast %add3A_391 : i32 to vector<16xi32>
        %add3A_393 = arith.addi %iota3A, %add3A_392 : vector<16xi32>
        tpu.vector_store_idx %arg6[%add3A_286, %get3A_387], %add3A_393 masked %ge3A_390 : memref<8x1000xi32, #tpu.memory_space<vmem>>[vector<16xi32>, vector<16xi32>], vector<16xi32>, vector<16xi1>
        %get3A_394 = arith.index_cast %scan3A_93 : i32 to index
        %get3A_395 = arith.constant 192 : index
        %get3A_396 = tpu.vector_load %arg4[%get3A_394, %get3A_395] {strides = array<i32>} : memref<8x1000xi32, #tpu.memory_space<vmem>>, vector<16xi32>,
        %ge3A_397 = arith.constant 0 : i32
        %ge3A_398 = vector.broadcast %ge3A_397 : i32 to vector<16xi32>
        %ge3A_399 = arith.cmpi sge, %get3A_396, %ge3A_398 : vector<16xi32>
        %add3A_400 = arith.constant 192 : i32
        %add3A_401 = vector.broadcast %add3A_400 : i32 to vector<16xi32>
        %add3A_402 = arith.addi %iota3A, %add3A_401 : vector<16xi32>
        tpu.vector_store_idx %arg6[%add3A_286, %get3A_396], %add3A_402 masked %ge3A_399 : memref<8x1000xi32, #tpu.memory_space<vmem>>[vector<16xi32>, vector<16xi32>], vector<16xi32>, vector<16xi1>
        %get3A_403 = arith.index_cast %scan3A_93 : i32 to index
        %get3A_404 = arith.constant 208 : index
        %get3A_405 = tpu.vector_load %arg4[%get3A_403, %get3A_404] {strides = array<i32>} : memref<8x1000xi32, #tpu.memory_space<vmem>>, vector<16xi32>,
        %ge3A_406 = arith.constant 0 : i32
        %ge3A_407 = vector.broadcast %ge3A_406 : i32 to vector<16xi32>
        %ge3A_408 = arith.cmpi sge, %get3A_405, %ge3A_407 : vector<16xi32>
        %add3A_409 = arith.constant 208 : i32
        %add3A_410 = vector.broadcast %add3A_409 : i32 to vector<16xi32>
        %add3A_411 = arith.addi %iota3A, %add3A_410 : vector<16xi32>
        tpu.vector_store_idx %arg6[%add3A_286, %get3A_405], %add3A_411 masked %ge3A_408 : memref<8x1000xi32, #tpu.memory_space<vmem>>[vector<16xi32>, vector<16xi32>], vector<16xi32>, vector<16xi1>
        %get3A_412 = arith.index_cast %scan3A_93 : i32 to index
        %get3A_413 = arith.constant 224 : index
        %get3A_414 = tpu.vector_load %arg4[%get3A_412, %get3A_413] {strides = array<i32>} : memref<8x1000xi32, #tpu.memory_space<vmem>>, vector<16xi32>,
        %ge3A_415 = arith.constant 0 : i32
        %ge3A_416 = vector.broadcast %ge3A_415 : i32 to vector<16xi32>
        %ge3A_417 = arith.cmpi sge, %get3A_414, %ge3A_416 : vector<16xi32>
        %add3A_418 = arith.constant 224 : i32
        %add3A_419 = vector.broadcast %add3A_418 : i32 to vector<16xi32>
        %add3A_420 = arith.addi %iota3A, %add3A_419 : vector<16xi32>
        tpu.vector_store_idx %arg6[%add3A_286, %get3A_414], %add3A_420 masked %ge3A_417 : memref<8x1000xi32, #tpu.memory_space<vmem>>[vector<16xi32>, vector<16xi32>], vector<16xi32>, vector<16xi1>
        %get3A_421 = arith.index_cast %scan3A_93 : i32 to index
        %get3A_422 = arith.constant 240 : index
        %get3A_423 = tpu.vector_load %arg4[%get3A_421, %get3A_422] {strides = array<i32>} : memref<8x1000xi32, #tpu.memory_space<vmem>>, vector<16xi32>,
        %ge3A_424 = arith.constant 0 : i32
        %ge3A_425 = vector.broadcast %ge3A_424 : i32 to vector<16xi32>
        %ge3A_426 = arith.cmpi sge, %get3A_423, %ge3A_425 : vector<16xi32>
        %add3A_427 = arith.constant 240 : i32
        %add3A_428 = vector.broadcast %add3A_427 : i32 to vector<16xi32>
        %add3A_429 = arith.addi %iota3A, %add3A_428 : vector<16xi32>
        tpu.vector_store_idx %arg6[%add3A_286, %get3A_423], %add3A_429 masked %ge3A_426 : memref<8x1000xi32, #tpu.memory_space<vmem>>[vector<16xi32>, vector<16xi32>], vector<16xi32>, vector<16xi1>
        %get3A_430 = arith.index_cast %scan3A_93 : i32 to index
        %get3A_431 = arith.constant 256 : index
        %get3A_432 = tpu.vector_load %arg4[%get3A_430, %get3A_431] {strides = array<i32>} : memref<8x1000xi32, #tpu.memory_space<vmem>>, vector<16xi32>,
        %ge3A_433 = arith.constant 0 : i32
        %ge3A_434 = vector.broadcast %ge3A_433 : i32 to vector<16xi32>
        %ge3A_435 = arith.cmpi sge, %get3A_432, %ge3A_434 : vector<16xi32>
        %add3A_436 = arith.constant 256 : i32
        %add3A_437 = vector.broadcast %add3A_436 : i32 to vector<16xi32>
        %add3A_438 = arith.addi %iota3A, %add3A_437 : vector<16xi32>
        tpu.vector_store_idx %arg6[%add3A_286, %get3A_432], %add3A_438 masked %ge3A_435 : memref<8x1000xi32, #tpu.memory_space<vmem>>[vector<16xi32>, vector<16xi32>], vector<16xi32>, vector<16xi1>
        %get3A_439 = arith.index_cast %scan3A_93 : i32 to index
        %get3A_440 = arith.constant 272 : index
        %get3A_441 = tpu.vector_load %arg4[%get3A_439, %get3A_440] {strides = array<i32>} : memref<8x1000xi32, #tpu.memory_space<vmem>>, vector<16xi32>,
        %ge3A_442 = arith.constant 0 : i32
        %ge3A_443 = vector.broadcast %ge3A_442 : i32 to vector<16xi32>
        %ge3A_444 = arith.cmpi sge, %get3A_441, %ge3A_443 : vector<16xi32>
        %add3A_445 = arith.constant 272 : i32
        %add3A_446 = vector.broadcast %add3A_445 : i32 to vector<16xi32>
        %add3A_447 = arith.addi %iota3A, %add3A_446 : vector<16xi32>
        tpu.vector_store_idx %arg6[%add3A_286, %get3A_441], %add3A_447 masked %ge3A_444 : memref<8x1000xi32, #tpu.memory_space<vmem>>[vector<16xi32>, vector<16xi32>], vector<16xi32>, vector<16xi1>
        %get3A_448 = arith.index_cast %scan3A_93 : i32 to index
        %get3A_449 = arith.constant 288 : index
        %get3A_450 = tpu.vector_load %arg4[%get3A_448, %get3A_449] {strides = array<i32>} : memref<8x1000xi32, #tpu.memory_space<vmem>>, vector<16xi32>,
        %ge3A_451 = arith.constant 0 : i32
        %ge3A_452 = vector.broadcast %ge3A_451 : i32 to vector<16xi32>
        %ge3A_453 = arith.cmpi sge, %get3A_450, %ge3A_452 : vector<16xi32>
        %add3A_454 = arith.constant 288 : i32
        %add3A_455 = vector.broadcast %add3A_454 : i32 to vector<16xi32>
        %add3A_456 = arith.addi %iota3A, %add3A_455 : vector<16xi32>
        tpu.vector_store_idx %arg6[%add3A_286, %get3A_450], %add3A_456 masked %ge3A_453 : memref<8x1000xi32, #tpu.memory_space<vmem>>[vector<16xi32>, vector<16xi32>], vector<16xi32>, vector<16xi1>
        %get3A_457 = arith.index_cast %scan3A_93 : i32 to index
        %get3A_458 = arith.constant 304 : index
        %get3A_459 = tpu.vector_load %arg4[%get3A_457, %get3A_458] {strides = array<i32>} : memref<8x1000xi32, #tpu.memory_space<vmem>>, vector<16xi32>,
        %ge3A_460 = arith.constant 0 : i32
        %ge3A_461 = vector.broadcast %ge3A_460 : i32 to vector<16xi32>
        %ge3A_462 = arith.cmpi sge, %get3A_459, %ge3A_461 : vector<16xi32>
        %add3A_463 = arith.constant 304 : i32
        %add3A_464 = vector.broadcast %add3A_463 : i32 to vector<16xi32>
        %add3A_465 = arith.addi %iota3A, %add3A_464 : vector<16xi32>
        tpu.vector_store_idx %arg6[%add3A_286, %get3A_459], %add3A_465 masked %ge3A_462 : memref<8x1000xi32, #tpu.memory_space<vmem>>[vector<16xi32>, vector<16xi32>], vector<16xi32>, vector<16xi1>
        %get3A_466 = arith.index_cast %scan3A_93 : i32 to index
        %get3A_467 = arith.constant 320 : index
        %get3A_468 = tpu.vector_load %arg4[%get3A_466, %get3A_467] {strides = array<i32>} : memref<8x1000xi32, #tpu.memory_space<vmem>>, vector<16xi32>,
        %ge3A_469 = arith.constant 0 : i32
        %ge3A_470 = vector.broadcast %ge3A_469 : i32 to vector<16xi32>
        %ge3A_471 = arith.cmpi sge, %get3A_468, %ge3A_470 : vector<16xi32>
        %add3A_472 = arith.constant 320 : i32
        %add3A_473 = vector.broadcast %add3A_472 : i32 to vector<16xi32>
        %add3A_474 = arith.addi %iota3A, %add3A_473 : vector<16xi32>
        tpu.vector_store_idx %arg6[%add3A_286, %get3A_468], %add3A_474 masked %ge3A_471 : memref<8x1000xi32, #tpu.memory_space<vmem>>[vector<16xi32>, vector<16xi32>], vector<16xi32>, vector<16xi1>
        %get3A_475 = arith.index_cast %scan3A_93 : i32 to index
        %get3A_476 = arith.constant 336 : index
        %get3A_477 = tpu.vector_load %arg4[%get3A_475, %get3A_476] {strides = array<i32>} : memref<8x1000xi32, #tpu.memory_space<vmem>>, vector<16xi32>,
        %ge3A_478 = arith.constant 0 : i32
        %ge3A_479 = vector.broadcast %ge3A_478 : i32 to vector<16xi32>
        %ge3A_480 = arith.cmpi sge, %get3A_477, %ge3A_479 : vector<16xi32>
        %add3A_481 = arith.constant 336 : i32
        %add3A_482 = vector.broadcast %add3A_481 : i32 to vector<16xi32>
        %add3A_483 = arith.addi %iota3A, %add3A_482 : vector<16xi32>
        tpu.vector_store_idx %arg6[%add3A_286, %get3A_477], %add3A_483 masked %ge3A_480 : memref<8x1000xi32, #tpu.memory_space<vmem>>[vector<16xi32>, vector<16xi32>], vector<16xi32>, vector<16xi1>
        %get3A_484 = arith.index_cast %scan3A_93 : i32 to index
        %get3A_485 = arith.constant 352 : index
        %get3A_486 = tpu.vector_load %arg4[%get3A_484, %get3A_485] {strides = array<i32>} : memref<8x1000xi32, #tpu.memory_space<vmem>>, vector<16xi32>,
        %ge3A_487 = arith.constant 0 : i32
        %ge3A_488 = vector.broadcast %ge3A_487 : i32 to vector<16xi32>
        %ge3A_489 = arith.cmpi sge, %get3A_486, %ge3A_488 : vector<16xi32>
        %add3A_490 = arith.constant 352 : i32
        %add3A_491 = vector.broadcast %add3A_490 : i32 to vector<16xi32>
        %add3A_492 = arith.addi %iota3A, %add3A_491 : vector<16xi32>
        tpu.vector_store_idx %arg6[%add3A_286, %get3A_486], %add3A_492 masked %ge3A_489 : memref<8x1000xi32, #tpu.memory_space<vmem>>[vector<16xi32>, vector<16xi32>], vector<16xi32>, vector<16xi1>
        %get3A_493 = arith.index_cast %scan3A_93 : i32 to index
        %get3A_494 = arith.constant 368 : index
        %get3A_495 = tpu.vector_load %arg4[%get3A_493, %get3A_494] {strides = array<i32>} : memref<8x1000xi32, #tpu.memory_space<vmem>>, vector<16xi32>,
        %ge3A_496 = arith.constant 0 : i32
        %ge3A_497 = vector.broadcast %ge3A_496 : i32 to vector<16xi32>
        %ge3A_498 = arith.cmpi sge, %get3A_495, %ge3A_497 : vector<16xi32>
        %add3A_499 = arith.constant 368 : i32
        %add3A_500 = vector.broadcast %add3A_499 : i32 to vector<16xi32>
        %add3A_501 = arith.addi %iota3A, %add3A_500 : vector<16xi32>
        tpu.vector_store_idx %arg6[%add3A_286, %get3A_495], %add3A_501 masked %ge3A_498 : memref<8x1000xi32, #tpu.memory_space<vmem>>[vector<16xi32>, vector<16xi32>], vector<16xi32>, vector<16xi1>
        %get3A_502 = arith.index_cast %scan3A_93 : i32 to index
        %get3A_503 = arith.constant 384 : index
        %get3A_504 = tpu.vector_load %arg4[%get3A_502, %get3A_503] {strides = array<i32>} : memref<8x1000xi32, #tpu.memory_space<vmem>>, vector<16xi32>,
        %ge3A_505 = arith.constant 0 : i32
        %ge3A_506 = vector.broadcast %ge3A_505 : i32 to vector<16xi32>
        %ge3A_507 = arith.cmpi sge, %get3A_504, %ge3A_506 : vector<16xi32>
        %add3A_508 = arith.constant 384 : i32
        %add3A_509 = vector.broadcast %add3A_508 : i32 to vector<16xi32>
        %add3A_510 = arith.addi %iota3A, %add3A_509 : vector<16xi32>
        tpu.vector_store_idx %arg6[%add3A_286, %get3A_504], %add3A_510 masked %ge3A_507 : memref<8x1000xi32, #tpu.memory_space<vmem>>[vector<16xi32>, vector<16xi32>], vector<16xi32>, vector<16xi1>
        %get3A_511 = arith.index_cast %scan3A_93 : i32 to index
        %get3A_512 = arith.constant 400 : index
        %get3A_513 = tpu.vector_load %arg4[%get3A_511, %get3A_512] {strides = array<i32>} : memref<8x1000xi32, #tpu.memory_space<vmem>>, vector<16xi32>,
        %ge3A_514 = arith.constant 0 : i32
        %ge3A_515 = vector.broadcast %ge3A_514 : i32 to vector<16xi32>
        %ge3A_516 = arith.cmpi sge, %get3A_513, %ge3A_515 : vector<16xi32>
        %add3A_517 = arith.constant 400 : i32
        %add3A_518 = vector.broadcast %add3A_517 : i32 to vector<16xi32>
        %add3A_519 = arith.addi %iota3A, %add3A_518 : vector<16xi32>
        tpu.vector_store_idx %arg6[%add3A_286, %get3A_513], %add3A_519 masked %ge3A_516 : memref<8x1000xi32, #tpu.memory_space<vmem>>[vector<16xi32>, vector<16xi32>], vector<16xi32>, vector<16xi1>
        %get3A_520 = arith.index_cast %scan3A_93 : i32 to index
        %get3A_521 = arith.constant 416 : index
        %get3A_522 = tpu.vector_load %arg4[%get3A_520, %get3A_521] {strides = array<i32>} : memref<8x1000xi32, #tpu.memory_space<vmem>>, vector<16xi32>,
        %ge3A_523 = arith.constant 0 : i32
        %ge3A_524 = vector.broadcast %ge3A_523 : i32 to vector<16xi32>
        %ge3A_525 = arith.cmpi sge, %get3A_522, %ge3A_524 : vector<16xi32>
        %add3A_526 = arith.constant 416 : i32
        %add3A_527 = vector.broadcast %add3A_526 : i32 to vector<16xi32>
        %add3A_528 = arith.addi %iota3A, %add3A_527 : vector<16xi32>
        tpu.vector_store_idx %arg6[%add3A_286, %get3A_522], %add3A_528 masked %ge3A_525 : memref<8x1000xi32, #tpu.memory_space<vmem>>[vector<16xi32>, vector<16xi32>], vector<16xi32>, vector<16xi1>
        %get3A_529 = arith.index_cast %scan3A_93 : i32 to index
        %get3A_530 = arith.constant 432 : index
        %get3A_531 = tpu.vector_load %arg4[%get3A_529, %get3A_530] {strides = array<i32>} : memref<8x1000xi32, #tpu.memory_space<vmem>>, vector<16xi32>,
        %ge3A_532 = arith.constant 0 : i32
        %ge3A_533 = vector.broadcast %ge3A_532 : i32 to vector<16xi32>
        %ge3A_534 = arith.cmpi sge, %get3A_531, %ge3A_533 : vector<16xi32>
        %add3A_535 = arith.constant 432 : i32
        %add3A_536 = vector.broadcast %add3A_535 : i32 to vector<16xi32>
        %add3A_537 = arith.addi %iota3A, %add3A_536 : vector<16xi32>
        tpu.vector_store_idx %arg6[%add3A_286, %get3A_531], %add3A_537 masked %ge3A_534 : memref<8x1000xi32, #tpu.memory_space<vmem>>[vector<16xi32>, vector<16xi32>], vector<16xi32>, vector<16xi1>
        %get3A_538 = arith.index_cast %scan3A_93 : i32 to index
        %get3A_539 = arith.constant 448 : index
        %get3A_540 = tpu.vector_load %arg4[%get3A_538, %get3A_539] {strides = array<i32>} : memref<8x1000xi32, #tpu.memory_space<vmem>>, vector<16xi32>,
        %ge3A_541 = arith.constant 0 : i32
        %ge3A_542 = vector.broadcast %ge3A_541 : i32 to vector<16xi32>
        %ge3A_543 = arith.cmpi sge, %get3A_540, %ge3A_542 : vector<16xi32>
        %add3A_544 = arith.constant 448 : i32
        %add3A_545 = vector.broadcast %add3A_544 : i32 to vector<16xi32>
        %add3A_546 = arith.addi %iota3A, %add3A_545 : vector<16xi32>
        tpu.vector_store_idx %arg6[%add3A_286, %get3A_540], %add3A_546 masked %ge3A_543 : memref<8x1000xi32, #tpu.memory_space<vmem>>[vector<16xi32>, vector<16xi32>], vector<16xi32>, vector<16xi1>
        %get3A_547 = arith.index_cast %scan3A_93 : i32 to index
        %get3A_548 = arith.constant 464 : index
        %get3A_549 = tpu.vector_load %arg4[%get3A_547, %get3A_548] {strides = array<i32>} : memref<8x1000xi32, #tpu.memory_space<vmem>>, vector<16xi32>,
        %ge3A_550 = arith.constant 0 : i32
        %ge3A_551 = vector.broadcast %ge3A_550 : i32 to vector<16xi32>
        %ge3A_552 = arith.cmpi sge, %get3A_549, %ge3A_551 : vector<16xi32>
        %add3A_553 = arith.constant 464 : i32
        %add3A_554 = vector.broadcast %add3A_553 : i32 to vector<16xi32>
        %add3A_555 = arith.addi %iota3A, %add3A_554 : vector<16xi32>
        tpu.vector_store_idx %arg6[%add3A_286, %get3A_549], %add3A_555 masked %ge3A_552 : memref<8x1000xi32, #tpu.memory_space<vmem>>[vector<16xi32>, vector<16xi32>], vector<16xi32>, vector<16xi1>
        %get3A_556 = arith.index_cast %scan3A_93 : i32 to index
        %get3A_557 = arith.constant 480 : index
        %get3A_558 = tpu.vector_load %arg4[%get3A_556, %get3A_557] {strides = array<i32>} : memref<8x1000xi32, #tpu.memory_space<vmem>>, vector<16xi32>,
        %ge3A_559 = arith.constant 0 : i32
        %ge3A_560 = vector.broadcast %ge3A_559 : i32 to vector<16xi32>
        %ge3A_561 = arith.cmpi sge, %get3A_558, %ge3A_560 : vector<16xi32>
        %add3A_562 = arith.constant 480 : i32
        %add3A_563 = vector.broadcast %add3A_562 : i32 to vector<16xi32>
        %add3A_564 = arith.addi %iota3A, %add3A_563 : vector<16xi32>
        tpu.vector_store_idx %arg6[%add3A_286, %get3A_558], %add3A_564 masked %ge3A_561 : memref<8x1000xi32, #tpu.memory_space<vmem>>[vector<16xi32>, vector<16xi32>], vector<16xi32>, vector<16xi1>
        %get3A_565 = arith.index_cast %scan3A_93 : i32 to index
        %get3A_566 = arith.constant 496 : index
        %get3A_567 = tpu.vector_load %arg4[%get3A_565, %get3A_566] {strides = array<i32>} : memref<8x1000xi32, #tpu.memory_space<vmem>>, vector<16xi32>,
        %ge3A_568 = arith.constant 0 : i32
        %ge3A_569 = vector.broadcast %ge3A_568 : i32 to vector<16xi32>
        %ge3A_570 = arith.cmpi sge, %get3A_567, %ge3A_569 : vector<16xi32>
        %add3A_571 = arith.constant 496 : i32
        %add3A_572 = vector.broadcast %add3A_571 : i32 to vector<16xi32>
        %add3A_573 = arith.addi %iota3A, %add3A_572 : vector<16xi32>
        tpu.vector_store_idx %arg6[%add3A_286, %get3A_567], %add3A_573 masked %ge3A_570 : memref<8x1000xi32, #tpu.memory_space<vmem>>[vector<16xi32>, vector<16xi32>], vector<16xi32>, vector<16xi1>
        %get3A_574 = arith.index_cast %scan3A_93 : i32 to index
        %get3A_575 = arith.constant 512 : index
        %get3A_576 = tpu.vector_load %arg4[%get3A_574, %get3A_575] {strides = array<i32>} : memref<8x1000xi32, #tpu.memory_space<vmem>>, vector<16xi32>,
        %ge3A_577 = arith.constant 0 : i32
        %ge3A_578 = vector.broadcast %ge3A_577 : i32 to vector<16xi32>
        %ge3A_579 = arith.cmpi sge, %get3A_576, %ge3A_578 : vector<16xi32>
        %add3A_580 = arith.constant 512 : i32
        %add3A_581 = vector.broadcast %add3A_580 : i32 to vector<16xi32>
        %add3A_582 = arith.addi %iota3A, %add3A_581 : vector<16xi32>
        tpu.vector_store_idx %arg6[%add3A_286, %get3A_576], %add3A_582 masked %ge3A_579 : memref<8x1000xi32, #tpu.memory_space<vmem>>[vector<16xi32>, vector<16xi32>], vector<16xi32>, vector<16xi1>
        %get3A_583 = arith.index_cast %scan3A_93 : i32 to index
        %get3A_584 = arith.constant 528 : index
        %get3A_585 = tpu.vector_load %arg4[%get3A_583, %get3A_584] {strides = array<i32>} : memref<8x1000xi32, #tpu.memory_space<vmem>>, vector<16xi32>,
        %ge3A_586 = arith.constant 0 : i32
        %ge3A_587 = vector.broadcast %ge3A_586 : i32 to vector<16xi32>
        %ge3A_588 = arith.cmpi sge, %get3A_585, %ge3A_587 : vector<16xi32>
        %add3A_589 = arith.constant 528 : i32
        %add3A_590 = vector.broadcast %add3A_589 : i32 to vector<16xi32>
        %add3A_591 = arith.addi %iota3A, %add3A_590 : vector<16xi32>
        tpu.vector_store_idx %arg6[%add3A_286, %get3A_585], %add3A_591 masked %ge3A_588 : memref<8x1000xi32, #tpu.memory_space<vmem>>[vector<16xi32>, vector<16xi32>], vector<16xi32>, vector<16xi1>
        %get3A_592 = arith.index_cast %scan3A_93 : i32 to index
        %get3A_593 = arith.constant 544 : index
        %get3A_594 = tpu.vector_load %arg4[%get3A_592, %get3A_593] {strides = array<i32>} : memref<8x1000xi32, #tpu.memory_space<vmem>>, vector<16xi32>,
        %ge3A_595 = arith.constant 0 : i32
        %ge3A_596 = vector.broadcast %ge3A_595 : i32 to vector<16xi32>
        %ge3A_597 = arith.cmpi sge, %get3A_594, %ge3A_596 : vector<16xi32>
        %add3A_598 = arith.constant 544 : i32
        %add3A_599 = vector.broadcast %add3A_598 : i32 to vector<16xi32>
        %add3A_600 = arith.addi %iota3A, %add3A_599 : vector<16xi32>
        tpu.vector_store_idx %arg6[%add3A_286, %get3A_594], %add3A_600 masked %ge3A_597 : memref<8x1000xi32, #tpu.memory_space<vmem>>[vector<16xi32>, vector<16xi32>], vector<16xi32>, vector<16xi1>
        %get3A_601 = arith.index_cast %scan3A_93 : i32 to index
        %get3A_602 = arith.constant 560 : index
        %get3A_603 = tpu.vector_load %arg4[%get3A_601, %get3A_602] {strides = array<i32>} : memref<8x1000xi32, #tpu.memory_space<vmem>>, vector<16xi32>,
        %ge3A_604 = arith.constant 0 : i32
        %ge3A_605 = vector.broadcast %ge3A_604 : i32 to vector<16xi32>
        %ge3A_606 = arith.cmpi sge, %get3A_603, %ge3A_605 : vector<16xi32>
        %add3A_607 = arith.constant 560 : i32
        %add3A_608 = vector.broadcast %add3A_607 : i32 to vector<16xi32>
        %add3A_609 = arith.addi %iota3A, %add3A_608 : vector<16xi32>
        tpu.vector_store_idx %arg6[%add3A_286, %get3A_603], %add3A_609 masked %ge3A_606 : memref<8x1000xi32, #tpu.memory_space<vmem>>[vector<16xi32>, vector<16xi32>], vector<16xi32>, vector<16xi1>
        %get3A_610 = arith.index_cast %scan3A_93 : i32 to index
        %get3A_611 = arith.constant 576 : index
        %get3A_612 = tpu.vector_load %arg4[%get3A_610, %get3A_611] {strides = array<i32>} : memref<8x1000xi32, #tpu.memory_space<vmem>>, vector<16xi32>,
        %ge3A_613 = arith.constant 0 : i32
        %ge3A_614 = vector.broadcast %ge3A_613 : i32 to vector<16xi32>
        %ge3A_615 = arith.cmpi sge, %get3A_612, %ge3A_614 : vector<16xi32>
        %add3A_616 = arith.constant 576 : i32
        %add3A_617 = vector.broadcast %add3A_616 : i32 to vector<16xi32>
        %add3A_618 = arith.addi %iota3A, %add3A_617 : vector<16xi32>
        tpu.vector_store_idx %arg6[%add3A_286, %get3A_612], %add3A_618 masked %ge3A_615 : memref<8x1000xi32, #tpu.memory_space<vmem>>[vector<16xi32>, vector<16xi32>], vector<16xi32>, vector<16xi1>
        %get3A_619 = arith.index_cast %scan3A_93 : i32 to index
        %get3A_620 = arith.constant 592 : index
        %get3A_621 = tpu.vector_load %arg4[%get3A_619, %get3A_620] {strides = array<i32>} : memref<8x1000xi32, #tpu.memory_space<vmem>>, vector<16xi32>,
        %ge3A_622 = arith.constant 0 : i32
        %ge3A_623 = vector.broadcast %ge3A_622 : i32 to vector<16xi32>
        %ge3A_624 = arith.cmpi sge, %get3A_621, %ge3A_623 : vector<16xi32>
        %add3A_625 = arith.constant 592 : i32
        %add3A_626 = vector.broadcast %add3A_625 : i32 to vector<16xi32>
        %add3A_627 = arith.addi %iota3A, %add3A_626 : vector<16xi32>
        tpu.vector_store_idx %arg6[%add3A_286, %get3A_621], %add3A_627 masked %ge3A_624 : memref<8x1000xi32, #tpu.memory_space<vmem>>[vector<16xi32>, vector<16xi32>], vector<16xi32>, vector<16xi1>
        %get3A_628 = arith.index_cast %scan3A_93 : i32 to index
        %get3A_629 = arith.constant 608 : index
        %get3A_630 = tpu.vector_load %arg4[%get3A_628, %get3A_629] {strides = array<i32>} : memref<8x1000xi32, #tpu.memory_space<vmem>>, vector<16xi32>,
        %ge3A_631 = arith.constant 0 : i32
        %ge3A_632 = vector.broadcast %ge3A_631 : i32 to vector<16xi32>
        %ge3A_633 = arith.cmpi sge, %get3A_630, %ge3A_632 : vector<16xi32>
        %add3A_634 = arith.constant 608 : i32
        %add3A_635 = vector.broadcast %add3A_634 : i32 to vector<16xi32>
        %add3A_636 = arith.addi %iota3A, %add3A_635 : vector<16xi32>
        tpu.vector_store_idx %arg6[%add3A_286, %get3A_630], %add3A_636 masked %ge3A_633 : memref<8x1000xi32, #tpu.memory_space<vmem>>[vector<16xi32>, vector<16xi32>], vector<16xi32>, vector<16xi1>
        %get3A_637 = arith.index_cast %scan3A_93 : i32 to index
        %get3A_638 = arith.constant 624 : index
        %get3A_639 = tpu.vector_load %arg4[%get3A_637, %get3A_638] {strides = array<i32>} : memref<8x1000xi32, #tpu.memory_space<vmem>>, vector<16xi32>,
        %ge3A_640 = arith.constant 0 : i32
        %ge3A_641 = vector.broadcast %ge3A_640 : i32 to vector<16xi32>
        %ge3A_642 = arith.cmpi sge, %get3A_639, %ge3A_641 : vector<16xi32>
        %add3A_643 = arith.constant 624 : i32
        %add3A_644 = vector.broadcast %add3A_643 : i32 to vector<16xi32>
        %add3A_645 = arith.addi %iota3A, %add3A_644 : vector<16xi32>
        tpu.vector_store_idx %arg6[%add3A_286, %get3A_639], %add3A_645 masked %ge3A_642 : memref<8x1000xi32, #tpu.memory_space<vmem>>[vector<16xi32>, vector<16xi32>], vector<16xi32>, vector<16xi1>
        %get3A_646 = arith.index_cast %scan3A_93 : i32 to index
        %get3A_647 = arith.constant 640 : index
        %get3A_648 = tpu.vector_load %arg4[%get3A_646, %get3A_647] {strides = array<i32>} : memref<8x1000xi32, #tpu.memory_space<vmem>>, vector<16xi32>,
        %ge3A_649 = arith.constant 0 : i32
        %ge3A_650 = vector.broadcast %ge3A_649 : i32 to vector<16xi32>
        %ge3A_651 = arith.cmpi sge, %get3A_648, %ge3A_650 : vector<16xi32>
        %add3A_652 = arith.constant 640 : i32
        %add3A_653 = vector.broadcast %add3A_652 : i32 to vector<16xi32>
        %add3A_654 = arith.addi %iota3A, %add3A_653 : vector<16xi32>
        tpu.vector_store_idx %arg6[%add3A_286, %get3A_648], %add3A_654 masked %ge3A_651 : memref<8x1000xi32, #tpu.memory_space<vmem>>[vector<16xi32>, vector<16xi32>], vector<16xi32>, vector<16xi1>
        %get3A_655 = arith.index_cast %scan3A_93 : i32 to index
        %get3A_656 = arith.constant 656 : index
        %get3A_657 = tpu.vector_load %arg4[%get3A_655, %get3A_656] {strides = array<i32>} : memref<8x1000xi32, #tpu.memory_space<vmem>>, vector<16xi32>,
        %ge3A_658 = arith.constant 0 : i32
        %ge3A_659 = vector.broadcast %ge3A_658 : i32 to vector<16xi32>
        %ge3A_660 = arith.cmpi sge, %get3A_657, %ge3A_659 : vector<16xi32>
        %add3A_661 = arith.constant 656 : i32
        %add3A_662 = vector.broadcast %add3A_661 : i32 to vector<16xi32>
        %add3A_663 = arith.addi %iota3A, %add3A_662 : vector<16xi32>
        tpu.vector_store_idx %arg6[%add3A_286, %get3A_657], %add3A_663 masked %ge3A_660 : memref<8x1000xi32, #tpu.memory_space<vmem>>[vector<16xi32>, vector<16xi32>], vector<16xi32>, vector<16xi1>
        %get3A_664 = arith.index_cast %scan3A_93 : i32 to index
        %get3A_665 = arith.constant 672 : index
        %get3A_666 = tpu.vector_load %arg4[%get3A_664, %get3A_665] {strides = array<i32>} : memref<8x1000xi32, #tpu.memory_space<vmem>>, vector<16xi32>,
        %ge3A_667 = arith.constant 0 : i32
        %ge3A_668 = vector.broadcast %ge3A_667 : i32 to vector<16xi32>
        %ge3A_669 = arith.cmpi sge, %get3A_666, %ge3A_668 : vector<16xi32>
        %add3A_670 = arith.constant 672 : i32
        %add3A_671 = vector.broadcast %add3A_670 : i32 to vector<16xi32>
        %add3A_672 = arith.addi %iota3A, %add3A_671 : vector<16xi32>
        tpu.vector_store_idx %arg6[%add3A_286, %get3A_666], %add3A_672 masked %ge3A_669 : memref<8x1000xi32, #tpu.memory_space<vmem>>[vector<16xi32>, vector<16xi32>], vector<16xi32>, vector<16xi1>
        %get3A_673 = arith.index_cast %scan3A_93 : i32 to index
        %get3A_674 = arith.constant 688 : index
        %get3A_675 = tpu.vector_load %arg4[%get3A_673, %get3A_674] {strides = array<i32>} : memref<8x1000xi32, #tpu.memory_space<vmem>>, vector<16xi32>,
        %ge3A_676 = arith.constant 0 : i32
        %ge3A_677 = vector.broadcast %ge3A_676 : i32 to vector<16xi32>
        %ge3A_678 = arith.cmpi sge, %get3A_675, %ge3A_677 : vector<16xi32>
        %add3A_679 = arith.constant 688 : i32
        %add3A_680 = vector.broadcast %add3A_679 : i32 to vector<16xi32>
        %add3A_681 = arith.addi %iota3A, %add3A_680 : vector<16xi32>
        tpu.vector_store_idx %arg6[%add3A_286, %get3A_675], %add3A_681 masked %ge3A_678 : memref<8x1000xi32, #tpu.memory_space<vmem>>[vector<16xi32>, vector<16xi32>], vector<16xi32>, vector<16xi1>
        %get3A_682 = arith.index_cast %scan3A_93 : i32 to index
        %get3A_683 = arith.constant 704 : index
        %get3A_684 = tpu.vector_load %arg4[%get3A_682, %get3A_683] {strides = array<i32>} : memref<8x1000xi32, #tpu.memory_space<vmem>>, vector<16xi32>,
        %ge3A_685 = arith.constant 0 : i32
        %ge3A_686 = vector.broadcast %ge3A_685 : i32 to vector<16xi32>
        %ge3A_687 = arith.cmpi sge, %get3A_684, %ge3A_686 : vector<16xi32>
        %add3A_688 = arith.constant 704 : i32
        %add3A_689 = vector.broadcast %add3A_688 : i32 to vector<16xi32>
        %add3A_690 = arith.addi %iota3A, %add3A_689 : vector<16xi32>
        tpu.vector_store_idx %arg6[%add3A_286, %get3A_684], %add3A_690 masked %ge3A_687 : memref<8x1000xi32, #tpu.memory_space<vmem>>[vector<16xi32>, vector<16xi32>], vector<16xi32>, vector<16xi1>
        %get3A_691 = arith.index_cast %scan3A_93 : i32 to index
        %get3A_692 = arith.constant 720 : index
        %get3A_693 = tpu.vector_load %arg4[%get3A_691, %get3A_692] {strides = array<i32>} : memref<8x1000xi32, #tpu.memory_space<vmem>>, vector<16xi32>,
        %ge3A_694 = arith.constant 0 : i32
        %ge3A_695 = vector.broadcast %ge3A_694 : i32 to vector<16xi32>
        %ge3A_696 = arith.cmpi sge, %get3A_693, %ge3A_695 : vector<16xi32>
        %add3A_697 = arith.constant 720 : i32
        %add3A_698 = vector.broadcast %add3A_697 : i32 to vector<16xi32>
        %add3A_699 = arith.addi %iota3A, %add3A_698 : vector<16xi32>
        tpu.vector_store_idx %arg6[%add3A_286, %get3A_693], %add3A_699 masked %ge3A_696 : memref<8x1000xi32, #tpu.memory_space<vmem>>[vector<16xi32>, vector<16xi32>], vector<16xi32>, vector<16xi1>
        %get3A_700 = arith.index_cast %scan3A_93 : i32 to index
        %get3A_701 = arith.constant 736 : index
        %get3A_702 = tpu.vector_load %arg4[%get3A_700, %get3A_701] {strides = array<i32>} : memref<8x1000xi32, #tpu.memory_space<vmem>>, vector<16xi32>,
        %ge3A_703 = arith.constant 0 : i32
        %ge3A_704 = vector.broadcast %ge3A_703 : i32 to vector<16xi32>
        %ge3A_705 = arith.cmpi sge, %get3A_702, %ge3A_704 : vector<16xi32>
        %add3A_706 = arith.constant 736 : i32
        %add3A_707 = vector.broadcast %add3A_706 : i32 to vector<16xi32>
        %add3A_708 = arith.addi %iota3A, %add3A_707 : vector<16xi32>
        tpu.vector_store_idx %arg6[%add3A_286, %get3A_702], %add3A_708 masked %ge3A_705 : memref<8x1000xi32, #tpu.memory_space<vmem>>[vector<16xi32>, vector<16xi32>], vector<16xi32>, vector<16xi1>
        %get3A_709 = arith.index_cast %scan3A_93 : i32 to index
        %get3A_710 = arith.constant 752 : index
        %get3A_711 = tpu.vector_load %arg4[%get3A_709, %get3A_710] {strides = array<i32>} : memref<8x1000xi32, #tpu.memory_space<vmem>>, vector<16xi32>,
        %ge3A_712 = arith.constant 0 : i32
        %ge3A_713 = vector.broadcast %ge3A_712 : i32 to vector<16xi32>
        %ge3A_714 = arith.cmpi sge, %get3A_711, %ge3A_713 : vector<16xi32>
        %add3A_715 = arith.constant 752 : i32
        %add3A_716 = vector.broadcast %add3A_715 : i32 to vector<16xi32>
        %add3A_717 = arith.addi %iota3A, %add3A_716 : vector<16xi32>
        tpu.vector_store_idx %arg6[%add3A_286, %get3A_711], %add3A_717 masked %ge3A_714 : memref<8x1000xi32, #tpu.memory_space<vmem>>[vector<16xi32>, vector<16xi32>], vector<16xi32>, vector<16xi1>
        %get3A_718 = arith.index_cast %scan3A_93 : i32 to index
        %get3A_719 = arith.constant 768 : index
        %get3A_720 = tpu.vector_load %arg4[%get3A_718, %get3A_719] {strides = array<i32>} : memref<8x1000xi32, #tpu.memory_space<vmem>>, vector<16xi32>,
        %ge3A_721 = arith.constant 0 : i32
        %ge3A_722 = vector.broadcast %ge3A_721 : i32 to vector<16xi32>
        %ge3A_723 = arith.cmpi sge, %get3A_720, %ge3A_722 : vector<16xi32>
        %add3A_724 = arith.constant 768 : i32
        %add3A_725 = vector.broadcast %add3A_724 : i32 to vector<16xi32>
        %add3A_726 = arith.addi %iota3A, %add3A_725 : vector<16xi32>
        tpu.vector_store_idx %arg6[%add3A_286, %get3A_720], %add3A_726 masked %ge3A_723 : memref<8x1000xi32, #tpu.memory_space<vmem>>[vector<16xi32>, vector<16xi32>], vector<16xi32>, vector<16xi1>
        %get3A_727 = arith.index_cast %scan3A_93 : i32 to index
        %get3A_728 = arith.constant 784 : index
        %get3A_729 = tpu.vector_load %arg4[%get3A_727, %get3A_728] {strides = array<i32>} : memref<8x1000xi32, #tpu.memory_space<vmem>>, vector<16xi32>,
        %ge3A_730 = arith.constant 0 : i32
        %ge3A_731 = vector.broadcast %ge3A_730 : i32 to vector<16xi32>
        %ge3A_732 = arith.cmpi sge, %get3A_729, %ge3A_731 : vector<16xi32>
        %add3A_733 = arith.constant 784 : i32
        %add3A_734 = vector.broadcast %add3A_733 : i32 to vector<16xi32>
        %add3A_735 = arith.addi %iota3A, %add3A_734 : vector<16xi32>
        tpu.vector_store_idx %arg6[%add3A_286, %get3A_729], %add3A_735 masked %ge3A_732 : memref<8x1000xi32, #tpu.memory_space<vmem>>[vector<16xi32>, vector<16xi32>], vector<16xi32>, vector<16xi1>
        %get3A_736 = arith.index_cast %scan3A_93 : i32 to index
        %get3A_737 = arith.constant 800 : index
        %get3A_738 = tpu.vector_load %arg4[%get3A_736, %get3A_737] {strides = array<i32>} : memref<8x1000xi32, #tpu.memory_space<vmem>>, vector<16xi32>,
        %ge3A_739 = arith.constant 0 : i32
        %ge3A_740 = vector.broadcast %ge3A_739 : i32 to vector<16xi32>
        %ge3A_741 = arith.cmpi sge, %get3A_738, %ge3A_740 : vector<16xi32>
        %add3A_742 = arith.constant 800 : i32
        %add3A_743 = vector.broadcast %add3A_742 : i32 to vector<16xi32>
        %add3A_744 = arith.addi %iota3A, %add3A_743 : vector<16xi32>
        tpu.vector_store_idx %arg6[%add3A_286, %get3A_738], %add3A_744 masked %ge3A_741 : memref<8x1000xi32, #tpu.memory_space<vmem>>[vector<16xi32>, vector<16xi32>], vector<16xi32>, vector<16xi1>
        %get3A_745 = arith.index_cast %scan3A_93 : i32 to index
        %get3A_746 = arith.constant 816 : index
        %get3A_747 = tpu.vector_load %arg4[%get3A_745, %get3A_746] {strides = array<i32>} : memref<8x1000xi32, #tpu.memory_space<vmem>>, vector<16xi32>,
        %ge3A_748 = arith.constant 0 : i32
        %ge3A_749 = vector.broadcast %ge3A_748 : i32 to vector<16xi32>
        %ge3A_750 = arith.cmpi sge, %get3A_747, %ge3A_749 : vector<16xi32>
        %add3A_751 = arith.constant 816 : i32
        %add3A_752 = vector.broadcast %add3A_751 : i32 to vector<16xi32>
        %add3A_753 = arith.addi %iota3A, %add3A_752 : vector<16xi32>
        tpu.vector_store_idx %arg6[%add3A_286, %get3A_747], %add3A_753 masked %ge3A_750 : memref<8x1000xi32, #tpu.memory_space<vmem>>[vector<16xi32>, vector<16xi32>], vector<16xi32>, vector<16xi1>
        %get3A_754 = arith.index_cast %scan3A_93 : i32 to index
        %get3A_755 = arith.constant 832 : index
        %get3A_756 = tpu.vector_load %arg4[%get3A_754, %get3A_755] {strides = array<i32>} : memref<8x1000xi32, #tpu.memory_space<vmem>>, vector<16xi32>,
        %ge3A_757 = arith.constant 0 : i32
        %ge3A_758 = vector.broadcast %ge3A_757 : i32 to vector<16xi32>
        %ge3A_759 = arith.cmpi sge, %get3A_756, %ge3A_758 : vector<16xi32>
        %add3A_760 = arith.constant 832 : i32
        %add3A_761 = vector.broadcast %add3A_760 : i32 to vector<16xi32>
        %add3A_762 = arith.addi %iota3A, %add3A_761 : vector<16xi32>
        tpu.vector_store_idx %arg6[%add3A_286, %get3A_756], %add3A_762 masked %ge3A_759 : memref<8x1000xi32, #tpu.memory_space<vmem>>[vector<16xi32>, vector<16xi32>], vector<16xi32>, vector<16xi1>
        %get3A_763 = arith.index_cast %scan3A_93 : i32 to index
        %get3A_764 = arith.constant 848 : index
        %get3A_765 = tpu.vector_load %arg4[%get3A_763, %get3A_764] {strides = array<i32>} : memref<8x1000xi32, #tpu.memory_space<vmem>>, vector<16xi32>,
        %ge3A_766 = arith.constant 0 : i32
        %ge3A_767 = vector.broadcast %ge3A_766 : i32 to vector<16xi32>
        %ge3A_768 = arith.cmpi sge, %get3A_765, %ge3A_767 : vector<16xi32>
        %add3A_769 = arith.constant 848 : i32
        %add3A_770 = vector.broadcast %add3A_769 : i32 to vector<16xi32>
        %add3A_771 = arith.addi %iota3A, %add3A_770 : vector<16xi32>
        tpu.vector_store_idx %arg6[%add3A_286, %get3A_765], %add3A_771 masked %ge3A_768 : memref<8x1000xi32, #tpu.memory_space<vmem>>[vector<16xi32>, vector<16xi32>], vector<16xi32>, vector<16xi1>
        %get3A_772 = arith.index_cast %scan3A_93 : i32 to index
        %get3A_773 = arith.constant 864 : index
        %get3A_774 = tpu.vector_load %arg4[%get3A_772, %get3A_773] {strides = array<i32>} : memref<8x1000xi32, #tpu.memory_space<vmem>>, vector<16xi32>,
        %ge3A_775 = arith.constant 0 : i32
        %ge3A_776 = vector.broadcast %ge3A_775 : i32 to vector<16xi32>
        %ge3A_777 = arith.cmpi sge, %get3A_774, %ge3A_776 : vector<16xi32>
        %add3A_778 = arith.constant 864 : i32
        %add3A_779 = vector.broadcast %add3A_778 : i32 to vector<16xi32>
        %add3A_780 = arith.addi %iota3A, %add3A_779 : vector<16xi32>
        tpu.vector_store_idx %arg6[%add3A_286, %get3A_774], %add3A_780 masked %ge3A_777 : memref<8x1000xi32, #tpu.memory_space<vmem>>[vector<16xi32>, vector<16xi32>], vector<16xi32>, vector<16xi1>
        %get3A_781 = arith.index_cast %scan3A_93 : i32 to index
        %get3A_782 = arith.constant 880 : index
        %get3A_783 = tpu.vector_load %arg4[%get3A_781, %get3A_782] {strides = array<i32>} : memref<8x1000xi32, #tpu.memory_space<vmem>>, vector<16xi32>,
        %ge3A_784 = arith.constant 0 : i32
        %ge3A_785 = vector.broadcast %ge3A_784 : i32 to vector<16xi32>
        %ge3A_786 = arith.cmpi sge, %get3A_783, %ge3A_785 : vector<16xi32>
        %add3A_787 = arith.constant 880 : i32
        %add3A_788 = vector.broadcast %add3A_787 : i32 to vector<16xi32>
        %add3A_789 = arith.addi %iota3A, %add3A_788 : vector<16xi32>
        tpu.vector_store_idx %arg6[%add3A_286, %get3A_783], %add3A_789 masked %ge3A_786 : memref<8x1000xi32, #tpu.memory_space<vmem>>[vector<16xi32>, vector<16xi32>], vector<16xi32>, vector<16xi1>
        %get3A_790 = arith.index_cast %scan3A_93 : i32 to index
        %get3A_791 = arith.constant 896 : index
        %get3A_792 = tpu.vector_load %arg4[%get3A_790, %get3A_791] {strides = array<i32>} : memref<8x1000xi32, #tpu.memory_space<vmem>>, vector<16xi32>,
        %ge3A_793 = arith.constant 0 : i32
        %ge3A_794 = vector.broadcast %ge3A_793 : i32 to vector<16xi32>
        %ge3A_795 = arith.cmpi sge, %get3A_792, %ge3A_794 : vector<16xi32>
        %add3A_796 = arith.constant 896 : i32
        %add3A_797 = vector.broadcast %add3A_796 : i32 to vector<16xi32>
        %add3A_798 = arith.addi %iota3A, %add3A_797 : vector<16xi32>
        tpu.vector_store_idx %arg6[%add3A_286, %get3A_792], %add3A_798 masked %ge3A_795 : memref<8x1000xi32, #tpu.memory_space<vmem>>[vector<16xi32>, vector<16xi32>], vector<16xi32>, vector<16xi1>
        %get3A_799 = arith.index_cast %scan3A_93 : i32 to index
        %get3A_800 = arith.constant 912 : index
        %get3A_801 = tpu.vector_load %arg4[%get3A_799, %get3A_800] {strides = array<i32>} : memref<8x1000xi32, #tpu.memory_space<vmem>>, vector<16xi32>,
        %ge3A_802 = arith.constant 0 : i32
        %ge3A_803 = vector.broadcast %ge3A_802 : i32 to vector<16xi32>
        %ge3A_804 = arith.cmpi sge, %get3A_801, %ge3A_803 : vector<16xi32>
        %add3A_805 = arith.constant 912 : i32
        %add3A_806 = vector.broadcast %add3A_805 : i32 to vector<16xi32>
        %add3A_807 = arith.addi %iota3A, %add3A_806 : vector<16xi32>
        tpu.vector_store_idx %arg6[%add3A_286, %get3A_801], %add3A_807 masked %ge3A_804 : memref<8x1000xi32, #tpu.memory_space<vmem>>[vector<16xi32>, vector<16xi32>], vector<16xi32>, vector<16xi1>
        %get3A_808 = arith.index_cast %scan3A_93 : i32 to index
        %get3A_809 = arith.constant 928 : index
        %get3A_810 = tpu.vector_load %arg4[%get3A_808, %get3A_809] {strides = array<i32>} : memref<8x1000xi32, #tpu.memory_space<vmem>>, vector<16xi32>,
        %ge3A_811 = arith.constant 0 : i32
        %ge3A_812 = vector.broadcast %ge3A_811 : i32 to vector<16xi32>
        %ge3A_813 = arith.cmpi sge, %get3A_810, %ge3A_812 : vector<16xi32>
        %add3A_814 = arith.constant 928 : i32
        %add3A_815 = vector.broadcast %add3A_814 : i32 to vector<16xi32>
        %add3A_816 = arith.addi %iota3A, %add3A_815 : vector<16xi32>
        tpu.vector_store_idx %arg6[%add3A_286, %get3A_810], %add3A_816 masked %ge3A_813 : memref<8x1000xi32, #tpu.memory_space<vmem>>[vector<16xi32>, vector<16xi32>], vector<16xi32>, vector<16xi1>
        %get3A_817 = arith.index_cast %scan3A_93 : i32 to index
        %get3A_818 = arith.constant 944 : index
        %get3A_819 = tpu.vector_load %arg4[%get3A_817, %get3A_818] {strides = array<i32>} : memref<8x1000xi32, #tpu.memory_space<vmem>>, vector<16xi32>,
        %ge3A_820 = arith.constant 0 : i32
        %ge3A_821 = vector.broadcast %ge3A_820 : i32 to vector<16xi32>
        %ge3A_822 = arith.cmpi sge, %get3A_819, %ge3A_821 : vector<16xi32>
        %add3A_823 = arith.constant 944 : i32
        %add3A_824 = vector.broadcast %add3A_823 : i32 to vector<16xi32>
        %add3A_825 = arith.addi %iota3A, %add3A_824 : vector<16xi32>
        tpu.vector_store_idx %arg6[%add3A_286, %get3A_819], %add3A_825 masked %ge3A_822 : memref<8x1000xi32, #tpu.memory_space<vmem>>[vector<16xi32>, vector<16xi32>], vector<16xi32>, vector<16xi1>
        %get3A_826 = arith.index_cast %scan3A_93 : i32 to index
        %get3A_827 = arith.constant 960 : index
        %get3A_828 = tpu.vector_load %arg4[%get3A_826, %get3A_827] {strides = array<i32>} : memref<8x1000xi32, #tpu.memory_space<vmem>>, vector<16xi32>,
        %ge3A_829 = arith.constant 0 : i32
        %ge3A_830 = vector.broadcast %ge3A_829 : i32 to vector<16xi32>
        %ge3A_831 = arith.cmpi sge, %get3A_828, %ge3A_830 : vector<16xi32>
        %add3A_832 = arith.constant 960 : i32
        %add3A_833 = vector.broadcast %add3A_832 : i32 to vector<16xi32>
        %add3A_834 = arith.addi %iota3A, %add3A_833 : vector<16xi32>
        tpu.vector_store_idx %arg6[%add3A_286, %get3A_828], %add3A_834 masked %ge3A_831 : memref<8x1000xi32, #tpu.memory_space<vmem>>[vector<16xi32>, vector<16xi32>], vector<16xi32>, vector<16xi1>
        %get3A_835 = arith.index_cast %scan3A_93 : i32 to index
        %get3A_836 = arith.constant 976 : index
        %get3A_837 = tpu.vector_load %arg4[%get3A_835, %get3A_836] {strides = array<i32>} : memref<8x1000xi32, #tpu.memory_space<vmem>>, vector<16xi32>,
        %ge3A_838 = arith.constant 0 : i32
        %ge3A_839 = vector.broadcast %ge3A_838 : i32 to vector<16xi32>
        %ge3A_840 = arith.cmpi sge, %get3A_837, %ge3A_839 : vector<16xi32>
        %add3A_841 = arith.constant 976 : i32
        %add3A_842 = vector.broadcast %add3A_841 : i32 to vector<16xi32>
        %add3A_843 = arith.addi %iota3A, %add3A_842 : vector<16xi32>
        tpu.vector_store_idx %arg6[%add3A_286, %get3A_837], %add3A_843 masked %ge3A_840 : memref<8x1000xi32, #tpu.memory_space<vmem>>[vector<16xi32>, vector<16xi32>], vector<16xi32>, vector<16xi1>
        %get3A_844 = arith.index_cast %scan3A_93 : i32 to index
        %get3A_845 = arith.constant 984 : index
        %get3A_846 = tpu.vector_load %arg4[%get3A_844, %get3A_845] {strides = array<i32>} : memref<8x1000xi32, #tpu.memory_space<vmem>>, vector<16xi32>,
        %ge3A_847 = arith.constant 0 : i32
        %ge3A_848 = vector.broadcast %ge3A_847 : i32 to vector<16xi32>
        %ge3A_849 = arith.cmpi sge, %get3A_846, %ge3A_848 : vector<16xi32>
        %ge3A_850 = arith.constant 8 : i32
        %ge3A_851 = vector.broadcast %ge3A_850 : i32 to vector<16xi32>
        %ge3A_852 = arith.cmpi sge, %iota3A, %ge3A_851 : vector<16xi32>
        %and3A = arith.andi %ge3A_849, %ge3A_852 : vector<16xi1>
        %add3A_853 = arith.constant 984 : i32
        %add3A_854 = vector.broadcast %add3A_853 : i32 to vector<16xi32>
        %add3A_855 = arith.addi %iota3A, %add3A_854 : vector<16xi32>
        tpu.vector_store_idx %arg6[%add3A_286, %get3A_846], %add3A_855 masked %and3A : memref<8x1000xi32, #tpu.memory_space<vmem>>[vector<16xi32>, vector<16xi32>], vector<16xi32>, vector<16xi1>
      }
      %scan3A_49 = arith.constant 8 : i32
      %dma_start3A_50 = arith.constant 0 : i32
      %dma_start3A_51 = tpu.memref_slice %arg3[%add3A_37, %dma_start3A_50] : memref<4096x1000xi32, #tpu.memory_space<hbm>> -> memref<8x1000xi32, #tpu.memory_space<hbm>>
      %dma_start3A_52 = arith.constant 0 : i32
      %dma_start3A_53 = tpu.memref_slice %arg3[%add3A_37, %dma_start3A_52] : memref<4096x1000xi32, #tpu.memory_space<hbm>> -> memref<8x1000xi32, #tpu.memory_space<hbm>>
      tpu.enqueue_dma source(%arg6 : memref<8x1000xi32, #tpu.memory_space<vmem>>) target(%dma_start3A_53 : memref<8x1000xi32, #tpu.memory_space<hbm>>) target_semaphore(%arg10 : memref<!tpu.dma_semaphore, #tpu.memory_space<semaphore_mem>>)
      %add3A_54 = arith.constant 2 : i32
      %add3A_55 = arith.addi %add3A_34, %add3A_54 : i32
      %lt3A = arith.constant 16 : i32
      %lt3A_56 = arith.cmpi slt, %add3A_55, %lt3A : i32
      %convert_element_type3A_57 = arith.extui %lt3A_56 : i1 to i32
      %cond3A_58 = arith.constant 0 : i32
      %cond3A_59 = arith.cmpi ne, %convert_element_type3A_57, %cond3A_58 : i32
      scf.if %cond3A_59 {
        %add3A_93 = arith.constant 16 : i32
        %add3A_94 = arith.addi %add3A_37, %add3A_93 : i32
        %dma_start3A_95 = arith.constant 0 : i32
        %dma_start3A_96 = tpu.memref_slice %arg2[%add3A_94, %dma_start3A_95] : memref<4096x1000xi32, #tpu.memory_space<hbm>> -> memref<8x1000xi32, #tpu.memory_space<hbm>>
        %dma_start3A_97 = arith.constant 0 : i32
        %dma_start3A_98 = tpu.memref_slice %arg2[%add3A_94, %dma_start3A_97] : memref<4096x1000xi32, #tpu.memory_space<hbm>> -> memref<8x1000xi32, #tpu.memory_space<hbm>>
        tpu.enqueue_dma source(%dma_start3A_98 : memref<8x1000xi32, #tpu.memory_space<hbm>>) target(%arg4 : memref<8x1000xi32, #tpu.memory_space<vmem>>) target_semaphore(%arg8 : memref<!tpu.dma_semaphore, #tpu.memory_space<semaphore_mem>>)
      } else {
      }
      %mul3A_60 = arith.constant 2 : i32
      %mul3A_61 = arith.muli %mul3A_60, %scan3A_30 : i32
      %add3A_62 = arith.constant 1 : i32
      %add3A_63 = arith.addi %mul3A_61, %add3A_62 : i32
      %mul3A_64 = arith.constant 8 : i32
      %mul3A_65 = arith.muli %add3A_63, %mul3A_64 : i32
      %add3A_66 = arith.addi %mul3A_2, %mul3A_65 : i32
      %dma_wait3A_67 = arith.constant 0 : i32
      %dma_wait3A_68 = tpu.memref_slice %arg2[%add3A_66, %dma_wait3A_67] : memref<4096x1000xi32, #tpu.memory_space<hbm>> -> memref<8x1000xi32, #tpu.memory_space<hbm>>
      %dma_wait3A_69 = arith.constant 0 : i32
      %dma_wait3A_70 = tpu.memref_slice %arg2[%add3A_66, %dma_wait3A_69] : memref<4096x1000xi32, #tpu.memory_space<hbm>> -> memref<8x1000xi32, #tpu.memory_space<hbm>>
      tpu.wait_dma2 semaphore(%arg9 : memref<!tpu.dma_semaphore, #tpu.memory_space<semaphore_mem>>) src(%dma_wait3A_70 : memref<8x1000xi32, #tpu.memory_space<hbm>>) dst(%arg5 : memref<8x1000xi32, #tpu.memory_space<vmem>>)
      %ge3A_71 = arith.constant 2 : i32
      %ge3A_72 = arith.cmpi sge, %add3A_63, %ge3A_71 : i32
      %convert_element_type3A_73 = arith.extui %ge3A_72 : i1 to i32
      %cond3A_74 = arith.constant 0 : i32
      %cond3A_75 = arith.cmpi ne, %convert_element_type3A_73, %cond3A_74 : i32
      scf.if %cond3A_75 {
        %sub3A = arith.constant 16 : i32
        %sub3A_93 = arith.subi %add3A_66, %sub3A : i32
        %dma_wait3A_94 = arith.constant 0 : i32
        %dma_wait3A_95 = tpu.memref_slice %arg3[%sub3A_93, %dma_wait3A_94] : memref<4096x1000xi32, #tpu.memory_space<hbm>> -> memref<8x1000xi32, #tpu.memory_space<hbm>>
        %dma_wait3A_96 = arith.constant 0 : i32
        %dma_wait3A_97 = tpu.memref_slice %arg3[%sub3A_93, %dma_wait3A_96] : memref<4096x1000xi32, #tpu.memory_space<hbm>> -> memref<8x1000xi32, #tpu.memory_space<hbm>>
        tpu.wait_dma2 semaphore(%arg11 : memref<!tpu.dma_semaphore, #tpu.memory_space<semaphore_mem>>) src(%arg7 : memref<8x1000xi32, #tpu.memory_space<vmem>>) dst(%dma_wait3A_97 : memref<8x1000xi32, #tpu.memory_space<hbm>>)
      } else {
      }
      %scan3A_76 = arith.constant 0 : i32
      %scan3A_77 = arith.constant 0 : i32
      %scan3A_78 = arith.constant 8 : i32
      %scan3A_79 = arith.addi %scan3A_77, %scan3A_78 : i32
      %scan3A_80 = arith.constant 1 : i32
      scf.for %scan3A_93 = %scan3A_77 to %scan3A_79 step %scan3A_80  : i32 {
        %broadcast_in_dim3A = arith.constant -1 : i32
        %broadcast_in_dim3A_94 = vector.broadcast %broadcast_in_dim3A : i32 to vector<16xi32>
        %iota3A = tpu.iota {dimensions = array<i32: 0>} : vector<16xi32>
        %swap3A = arith.index_cast %scan3A_93 : i32 to index
        %swap3A_95 = arith.constant 0 : index
        %swap3A_96 = tpu.vector_load %arg7[%swap3A, %swap3A_95] {strides = array<i32>} : memref<8x1000xi32, #tpu.memory_space<vmem>>, vector<16xi32>,
        tpu.vector_store %arg7[%swap3A, %swap3A_95], %broadcast_in_dim3A_94 {strides = array<i32>} : memref<8x1000xi32, #tpu.memory_space<vmem>>, vector<16xi32>,
        %swap3A_97 = arith.index_cast %scan3A_93 : i32 to index
        %swap3A_98 = arith.constant 16 : index
        %swap3A_99 = tpu.vector_load %arg7[%swap3A_97, %swap3A_98] {strides = array<i32>} : memref<8x1000xi32, #tpu.memory_space<vmem>>, vector<16xi32>,
        tpu.vector_store %arg7[%swap3A_97, %swap3A_98], %broadcast_in_dim3A_94 {strides = array<i32>} : memref<8x1000xi32, #tpu.memory_space<vmem>>, vector<16xi32>,
        %swap3A_100 = arith.index_cast %scan3A_93 : i32 to index
        %swap3A_101 = arith.constant 32 : index
        %swap3A_102 = tpu.vector_load %arg7[%swap3A_100, %swap3A_101] {strides = array<i32>} : memref<8x1000xi32, #tpu.memory_space<vmem>>, vector<16xi32>,
        tpu.vector_store %arg7[%swap3A_100, %swap3A_101], %broadcast_in_dim3A_94 {strides = array<i32>} : memref<8x1000xi32, #tpu.memory_space<vmem>>, vector<16xi32>,
        %swap3A_103 = arith.index_cast %scan3A_93 : i32 to index
        %swap3A_104 = arith.constant 48 : index
        %swap3A_105 = tpu.vector_load %arg7[%swap3A_103, %swap3A_104] {strides = array<i32>} : memref<8x1000xi32, #tpu.memory_space<vmem>>, vector<16xi32>,
        tpu.vector_store %arg7[%swap3A_103, %swap3A_104], %broadcast_in_dim3A_94 {strides = array<i32>} : memref<8x1000xi32, #tpu.memory_space<vmem>>, vector<16xi32>,
        %swap3A_106 = arith.index_cast %scan3A_93 : i32 to index
        %swap3A_107 = arith.constant 64 : index
        %swap3A_108 = tpu.vector_load %arg7[%swap3A_106, %swap3A_107] {strides = array<i32>} : memref<8x1000xi32, #tpu.memory_space<vmem>>, vector<16xi32>,
        tpu.vector_store %arg7[%swap3A_106, %swap3A_107], %broadcast_in_dim3A_94 {strides = array<i32>} : memref<8x1000xi32, #tpu.memory_space<vmem>>, vector<16xi32>,
        %swap3A_109 = arith.index_cast %scan3A_93 : i32 to index
        %swap3A_110 = arith.constant 80 : index
        %swap3A_111 = tpu.vector_load %arg7[%swap3A_109, %swap3A_110] {strides = array<i32>} : memref<8x1000xi32, #tpu.memory_space<vmem>>, vector<16xi32>,
        tpu.vector_store %arg7[%swap3A_109, %swap3A_110], %broadcast_in_dim3A_94 {strides = array<i32>} : memref<8x1000xi32, #tpu.memory_space<vmem>>, vector<16xi32>,
        %swap3A_112 = arith.index_cast %scan3A_93 : i32 to index
        %swap3A_113 = arith.constant 96 : index
        %swap3A_114 = tpu.vector_load %arg7[%swap3A_112, %swap3A_113] {strides = array<i32>} : memref<8x1000xi32, #tpu.memory_space<vmem>>, vector<16xi32>,
        tpu.vector_store %arg7[%swap3A_112, %swap3A_113], %broadcast_in_dim3A_94 {strides = array<i32>} : memref<8x1000xi32, #tpu.memory_space<vmem>>, vector<16xi32>,
        %swap3A_115 = arith.index_cast %scan3A_93 : i32 to index
        %swap3A_116 = arith.constant 112 : index
        %swap3A_117 = tpu.vector_load %arg7[%swap3A_115, %swap3A_116] {strides = array<i32>} : memref<8x1000xi32, #tpu.memory_space<vmem>>, vector<16xi32>,
        tpu.vector_store %arg7[%swap3A_115, %swap3A_116], %broadcast_in_dim3A_94 {strides = array<i32>} : memref<8x1000xi32, #tpu.memory_space<vmem>>, vector<16xi32>,
        %swap3A_118 = arith.index_cast %scan3A_93 : i32 to index
        %swap3A_119 = arith.constant 128 : index
        %swap3A_120 = tpu.vector_load %arg7[%swap3A_118, %swap3A_119] {strides = array<i32>} : memref<8x1000xi32, #tpu.memory_space<vmem>>, vector<16xi32>,
        tpu.vector_store %arg7[%swap3A_118, %swap3A_119], %broadcast_in_dim3A_94 {strides = array<i32>} : memref<8x1000xi32, #tpu.memory_space<vmem>>, vector<16xi32>,
        %swap3A_121 = arith.index_cast %scan3A_93 : i32 to index
        %swap3A_122 = arith.constant 144 : index
        %swap3A_123 = tpu.vector_load %arg7[%swap3A_121, %swap3A_122] {strides = array<i32>} : memref<8x1000xi32, #tpu.memory_space<vmem>>, vector<16xi32>,
        tpu.vector_store %arg7[%swap3A_121, %swap3A_122], %broadcast_in_dim3A_94 {strides = array<i32>} : memref<8x1000xi32, #tpu.memory_space<vmem>>, vector<16xi32>,
        %swap3A_124 = arith.index_cast %scan3A_93 : i32 to index
        %swap3A_125 = arith.constant 160 : index
        %swap3A_126 = tpu.vector_load %arg7[%swap3A_124, %swap3A_125] {strides = array<i32>} : memref<8x1000xi32, #tpu.memory_space<vmem>>, vector<16xi32>,
        tpu.vector_store %arg7[%swap3A_124, %swap3A_125], %broadcast_in_dim3A_94 {strides = array<i32>} : memref<8x1000xi32, #tpu.memory_space<vmem>>, vector<16xi32>,
        %swap3A_127 = arith.index_cast %scan3A_93 : i32 to index
        %swap3A_128 = arith.constant 176 : index
        %swap3A_129 = tpu.vector_load %arg7[%swap3A_127, %swap3A_128] {strides = array<i32>} : memref<8x1000xi32, #tpu.memory_space<vmem>>, vector<16xi32>,
        tpu.vector_store %arg7[%swap3A_127, %swap3A_128], %broadcast_in_dim3A_94 {strides = array<i32>} : memref<8x1000xi32, #tpu.memory_space<vmem>>, vector<16xi32>,
        %swap3A_130 = arith.index_cast %scan3A_93 : i32 to index
        %swap3A_131 = arith.constant 192 : index
        %swap3A_132 = tpu.vector_load %arg7[%swap3A_130, %swap3A_131] {strides = array<i32>} : memref<8x1000xi32, #tpu.memory_space<vmem>>, vector<16xi32>,
        tpu.vector_store %arg7[%swap3A_130, %swap3A_131], %broadcast_in_dim3A_94 {strides = array<i32>} : memref<8x1000xi32, #tpu.memory_space<vmem>>, vector<16xi32>,
        %swap3A_133 = arith.index_cast %scan3A_93 : i32 to index
        %swap3A_134 = arith.constant 208 : index
        %swap3A_135 = tpu.vector_load %arg7[%swap3A_133, %swap3A_134] {strides = array<i32>} : memref<8x1000xi32, #tpu.memory_space<vmem>>, vector<16xi32>,
        tpu.vector_store %arg7[%swap3A_133, %swap3A_134], %broadcast_in_dim3A_94 {strides = array<i32>} : memref<8x1000xi32, #tpu.memory_space<vmem>>, vector<16xi32>,
        %swap3A_136 = arith.index_cast %scan3A_93 : i32 to index
        %swap3A_137 = arith.constant 224 : index
        %swap3A_138 = tpu.vector_load %arg7[%swap3A_136, %swap3A_137] {strides = array<i32>} : memref<8x1000xi32, #tpu.memory_space<vmem>>, vector<16xi32>,
        tpu.vector_store %arg7[%swap3A_136, %swap3A_137], %broadcast_in_dim3A_94 {strides = array<i32>} : memref<8x1000xi32, #tpu.memory_space<vmem>>, vector<16xi32>,
        %swap3A_139 = arith.index_cast %scan3A_93 : i32 to index
        %swap3A_140 = arith.constant 240 : index
        %swap3A_141 = tpu.vector_load %arg7[%swap3A_139, %swap3A_140] {strides = array<i32>} : memref<8x1000xi32, #tpu.memory_space<vmem>>, vector<16xi32>,
        tpu.vector_store %arg7[%swap3A_139, %swap3A_140], %broadcast_in_dim3A_94 {strides = array<i32>} : memref<8x1000xi32, #tpu.memory_space<vmem>>, vector<16xi32>,
        %swap3A_142 = arith.index_cast %scan3A_93 : i32 to index
        %swap3A_143 = arith.constant 256 : index
        %swap3A_144 = tpu.vector_load %arg7[%swap3A_142, %swap3A_143] {strides = array<i32>} : memref<8x1000xi32, #tpu.memory_space<vmem>>, vector<16xi32>,
        tpu.vector_store %arg7[%swap3A_142, %swap3A_143], %broadcast_in_dim3A_94 {strides = array<i32>} : memref<8x1000xi32, #tpu.memory_space<vmem>>, vector<16xi32>,
        %swap3A_145 = arith.index_cast %scan3A_93 : i32 to index
        %swap3A_146 = arith.constant 272 : index
        %swap3A_147 = tpu.vector_load %arg7[%swap3A_145, %swap3A_146] {strides = array<i32>} : memref<8x1000xi32, #tpu.memory_space<vmem>>, vector<16xi32>,
        tpu.vector_store %arg7[%swap3A_145, %swap3A_146], %broadcast_in_dim3A_94 {strides = array<i32>} : memref<8x1000xi32, #tpu.memory_space<vmem>>, vector<16xi32>,
        %swap3A_148 = arith.index_cast %scan3A_93 : i32 to index
        %swap3A_149 = arith.constant 288 : index
        %swap3A_150 = tpu.vector_load %arg7[%swap3A_148, %swap3A_149] {strides = array<i32>} : memref<8x1000xi32, #tpu.memory_space<vmem>>, vector<16xi32>,
        tpu.vector_store %arg7[%swap3A_148, %swap3A_149], %broadcast_in_dim3A_94 {strides = array<i32>} : memref<8x1000xi32, #tpu.memory_space<vmem>>, vector<16xi32>,
        %swap3A_151 = arith.index_cast %scan3A_93 : i32 to index
        %swap3A_152 = arith.constant 304 : index
        %swap3A_153 = tpu.vector_load %arg7[%swap3A_151, %swap3A_152] {strides = array<i32>} : memref<8x1000xi32, #tpu.memory_space<vmem>>, vector<16xi32>,
        tpu.vector_store %arg7[%swap3A_151, %swap3A_152], %broadcast_in_dim3A_94 {strides = array<i32>} : memref<8x1000xi32, #tpu.memory_space<vmem>>, vector<16xi32>,
        %swap3A_154 = arith.index_cast %scan3A_93 : i32 to index
        %swap3A_155 = arith.constant 320 : index
        %swap3A_156 = tpu.vector_load %arg7[%swap3A_154, %swap3A_155] {strides = array<i32>} : memref<8x1000xi32, #tpu.memory_space<vmem>>, vector<16xi32>,
        tpu.vector_store %arg7[%swap3A_154, %swap3A_155], %broadcast_in_dim3A_94 {strides = array<i32>} : memref<8x1000xi32, #tpu.memory_space<vmem>>, vector<16xi32>,
        %swap3A_157 = arith.index_cast %scan3A_93 : i32 to index
        %swap3A_158 = arith.constant 336 : index
        %swap3A_159 = tpu.vector_load %arg7[%swap3A_157, %swap3A_158] {strides = array<i32>} : memref<8x1000xi32, #tpu.memory_space<vmem>>, vector<16xi32>,
        tpu.vector_store %arg7[%swap3A_157, %swap3A_158], %broadcast_in_dim3A_94 {strides = array<i32>} : memref<8x1000xi32, #tpu.memory_space<vmem>>, vector<16xi32>,
        %swap3A_160 = arith.index_cast %scan3A_93 : i32 to index
        %swap3A_161 = arith.constant 352 : index
        %swap3A_162 = tpu.vector_load %arg7[%swap3A_160, %swap3A_161] {strides = array<i32>} : memref<8x1000xi32, #tpu.memory_space<vmem>>, vector<16xi32>,
        tpu.vector_store %arg7[%swap3A_160, %swap3A_161], %broadcast_in_dim3A_94 {strides = array<i32>} : memref<8x1000xi32, #tpu.memory_space<vmem>>, vector<16xi32>,
        %swap3A_163 = arith.index_cast %scan3A_93 : i32 to index
        %swap3A_164 = arith.constant 368 : index
        %swap3A_165 = tpu.vector_load %arg7[%swap3A_163, %swap3A_164] {strides = array<i32>} : memref<8x1000xi32, #tpu.memory_space<vmem>>, vector<16xi32>,
        tpu.vector_store %arg7[%swap3A_163, %swap3A_164], %broadcast_in_dim3A_94 {strides = array<i32>} : memref<8x1000xi32, #tpu.memory_space<vmem>>, vector<16xi32>,
        %swap3A_166 = arith.index_cast %scan3A_93 : i32 to index
        %swap3A_167 = arith.constant 384 : index
        %swap3A_168 = tpu.vector_load %arg7[%swap3A_166, %swap3A_167] {strides = array<i32>} : memref<8x1000xi32, #tpu.memory_space<vmem>>, vector<16xi32>,
        tpu.vector_store %arg7[%swap3A_166, %swap3A_167], %broadcast_in_dim3A_94 {strides = array<i32>} : memref<8x1000xi32, #tpu.memory_space<vmem>>, vector<16xi32>,
        %swap3A_169 = arith.index_cast %scan3A_93 : i32 to index
        %swap3A_170 = arith.constant 400 : index
        %swap3A_171 = tpu.vector_load %arg7[%swap3A_169, %swap3A_170] {strides = array<i32>} : memref<8x1000xi32, #tpu.memory_space<vmem>>, vector<16xi32>,
        tpu.vector_store %arg7[%swap3A_169, %swap3A_170], %broadcast_in_dim3A_94 {strides = array<i32>} : memref<8x1000xi32, #tpu.memory_space<vmem>>, vector<16xi32>,
        %swap3A_172 = arith.index_cast %scan3A_93 : i32 to index
        %swap3A_173 = arith.constant 416 : index
        %swap3A_174 = tpu.vector_load %arg7[%swap3A_172, %swap3A_173] {strides = array<i32>} : memref<8x1000xi32, #tpu.memory_space<vmem>>, vector<16xi32>,
        tpu.vector_store %arg7[%swap3A_172, %swap3A_173], %broadcast_in_dim3A_94 {strides = array<i32>} : memref<8x1000xi32, #tpu.memory_space<vmem>>, vector<16xi32>,
        %swap3A_175 = arith.index_cast %scan3A_93 : i32 to index
        %swap3A_176 = arith.constant 432 : index
        %swap3A_177 = tpu.vector_load %arg7[%swap3A_175, %swap3A_176] {strides = array<i32>} : memref<8x1000xi32, #tpu.memory_space<vmem>>, vector<16xi32>,
        tpu.vector_store %arg7[%swap3A_175, %swap3A_176], %broadcast_in_dim3A_94 {strides = array<i32>} : memref<8x1000xi32, #tpu.memory_space<vmem>>, vector<16xi32>,
        %swap3A_178 = arith.index_cast %scan3A_93 : i32 to index
        %swap3A_179 = arith.constant 448 : index
        %swap3A_180 = tpu.vector_load %arg7[%swap3A_178, %swap3A_179] {strides = array<i32>} : memref<8x1000xi32, #tpu.memory_space<vmem>>, vector<16xi32>,
        tpu.vector_store %arg7[%swap3A_178, %swap3A_179], %broadcast_in_dim3A_94 {strides = array<i32>} : memref<8x1000xi32, #tpu.memory_space<vmem>>, vector<16xi32>,
        %swap3A_181 = arith.index_cast %scan3A_93 : i32 to index
        %swap3A_182 = arith.constant 464 : index
        %swap3A_183 = tpu.vector_load %arg7[%swap3A_181, %swap3A_182] {strides = array<i32>} : memref<8x1000xi32, #tpu.memory_space<vmem>>, vector<16xi32>,
        tpu.vector_store %arg7[%swap3A_181, %swap3A_182], %broadcast_in_dim3A_94 {strides = array<i32>} : memref<8x1000xi32, #tpu.memory_space<vmem>>, vector<16xi32>,
        %swap3A_184 = arith.index_cast %scan3A_93 : i32 to index
        %swap3A_185 = arith.constant 480 : index
        %swap3A_186 = tpu.vector_load %arg7[%swap3A_184, %swap3A_185] {strides = array<i32>} : memref<8x1000xi32, #tpu.memory_space<vmem>>, vector<16xi32>,
        tpu.vector_store %arg7[%swap3A_184, %swap3A_185], %broadcast_in_dim3A_94 {strides = array<i32>} : memref<8x1000xi32, #tpu.memory_space<vmem>>, vector<16xi32>,
        %swap3A_187 = arith.index_cast %scan3A_93 : i32 to index
        %swap3A_188 = arith.constant 496 : index
        %swap3A_189 = tpu.vector_load %arg7[%swap3A_187, %swap3A_188] {strides = array<i32>} : memref<8x1000xi32, #tpu.memory_space<vmem>>, vector<16xi32>,
        tpu.vector_store %arg7[%swap3A_187, %swap3A_188], %broadcast_in_dim3A_94 {strides = array<i32>} : memref<8x1000xi32, #tpu.memory_space<vmem>>, vector<16xi32>,
        %swap3A_190 = arith.index_cast %scan3A_93 : i32 to index
        %swap3A_191 = arith.constant 512 : index
        %swap3A_192 = tpu.vector_load %arg7[%swap3A_190, %swap3A_191] {strides = array<i32>} : memref<8x1000xi32, #tpu.memory_space<vmem>>, vector<16xi32>,
        tpu.vector_store %arg7[%swap3A_190, %swap3A_191], %broadcast_in_dim3A_94 {strides = array<i32>} : memref<8x1000xi32, #tpu.memory_space<vmem>>, vector<16xi32>,
        %swap3A_193 = arith.index_cast %scan3A_93 : i32 to index
        %swap3A_194 = arith.constant 528 : index
        %swap3A_195 = tpu.vector_load %arg7[%swap3A_193, %swap3A_194] {strides = array<i32>} : memref<8x1000xi32, #tpu.memory_space<vmem>>, vector<16xi32>,
        tpu.vector_store %arg7[%swap3A_193, %swap3A_194], %broadcast_in_dim3A_94 {strides = array<i32>} : memref<8x1000xi32, #tpu.memory_space<vmem>>, vector<16xi32>,
        %swap3A_196 = arith.index_cast %scan3A_93 : i32 to index
        %swap3A_197 = arith.constant 544 : index
        %swap3A_198 = tpu.vector_load %arg7[%swap3A_196, %swap3A_197] {strides = array<i32>} : memref<8x1000xi32, #tpu.memory_space<vmem>>, vector<16xi32>,
        tpu.vector_store %arg7[%swap3A_196, %swap3A_197], %broadcast_in_dim3A_94 {strides = array<i32>} : memref<8x1000xi32, #tpu.memory_space<vmem>>, vector<16xi32>,
        %swap3A_199 = arith.index_cast %scan3A_93 : i32 to index
        %swap3A_200 = arith.constant 560 : index
        %swap3A_201 = tpu.vector_load %arg7[%swap3A_199, %swap3A_200] {strides = array<i32>} : memref<8x1000xi32, #tpu.memory_space<vmem>>, vector<16xi32>,
        tpu.vector_store %arg7[%swap3A_199, %swap3A_200], %broadcast_in_dim3A_94 {strides = array<i32>} : memref<8x1000xi32, #tpu.memory_space<vmem>>, vector<16xi32>,
        %swap3A_202 = arith.index_cast %scan3A_93 : i32 to index
        %swap3A_203 = arith.constant 576 : index
        %swap3A_204 = tpu.vector_load %arg7[%swap3A_202, %swap3A_203] {strides = array<i32>} : memref<8x1000xi32, #tpu.memory_space<vmem>>, vector<16xi32>,
        tpu.vector_store %arg7[%swap3A_202, %swap3A_203], %broadcast_in_dim3A_94 {strides = array<i32>} : memref<8x1000xi32, #tpu.memory_space<vmem>>, vector<16xi32>,
        %swap3A_205 = arith.index_cast %scan3A_93 : i32 to index
        %swap3A_206 = arith.constant 592 : index
        %swap3A_207 = tpu.vector_load %arg7[%swap3A_205, %swap3A_206] {strides = array<i32>} : memref<8x1000xi32, #tpu.memory_space<vmem>>, vector<16xi32>,
        tpu.vector_store %arg7[%swap3A_205, %swap3A_206], %broadcast_in_dim3A_94 {strides = array<i32>} : memref<8x1000xi32, #tpu.memory_space<vmem>>, vector<16xi32>,
        %swap3A_208 = arith.index_cast %scan3A_93 : i32 to index
        %swap3A_209 = arith.constant 608 : index
        %swap3A_210 = tpu.vector_load %arg7[%swap3A_208, %swap3A_209] {strides = array<i32>} : memref<8x1000xi32, #tpu.memory_space<vmem>>, vector<16xi32>,
        tpu.vector_store %arg7[%swap3A_208, %swap3A_209], %broadcast_in_dim3A_94 {strides = array<i32>} : memref<8x1000xi32, #tpu.memory_space<vmem>>, vector<16xi32>,
        %swap3A_211 = arith.index_cast %scan3A_93 : i32 to index
        %swap3A_212 = arith.constant 624 : index
        %swap3A_213 = tpu.vector_load %arg7[%swap3A_211, %swap3A_212] {strides = array<i32>} : memref<8x1000xi32, #tpu.memory_space<vmem>>, vector<16xi32>,
        tpu.vector_store %arg7[%swap3A_211, %swap3A_212], %broadcast_in_dim3A_94 {strides = array<i32>} : memref<8x1000xi32, #tpu.memory_space<vmem>>, vector<16xi32>,
        %swap3A_214 = arith.index_cast %scan3A_93 : i32 to index
        %swap3A_215 = arith.constant 640 : index
        %swap3A_216 = tpu.vector_load %arg7[%swap3A_214, %swap3A_215] {strides = array<i32>} : memref<8x1000xi32, #tpu.memory_space<vmem>>, vector<16xi32>,
        tpu.vector_store %arg7[%swap3A_214, %swap3A_215], %broadcast_in_dim3A_94 {strides = array<i32>} : memref<8x1000xi32, #tpu.memory_space<vmem>>, vector<16xi32>,
        %swap3A_217 = arith.index_cast %scan3A_93 : i32 to index
        %swap3A_218 = arith.constant 656 : index
        %swap3A_219 = tpu.vector_load %arg7[%swap3A_217, %swap3A_218] {strides = array<i32>} : memref<8x1000xi32, #tpu.memory_space<vmem>>, vector<16xi32>,
        tpu.vector_store %arg7[%swap3A_217, %swap3A_218], %broadcast_in_dim3A_94 {strides = array<i32>} : memref<8x1000xi32, #tpu.memory_space<vmem>>, vector<16xi32>,
        %swap3A_220 = arith.index_cast %scan3A_93 : i32 to index
        %swap3A_221 = arith.constant 672 : index
        %swap3A_222 = tpu.vector_load %arg7[%swap3A_220, %swap3A_221] {strides = array<i32>} : memref<8x1000xi32, #tpu.memory_space<vmem>>, vector<16xi32>,
        tpu.vector_store %arg7[%swap3A_220, %swap3A_221], %broadcast_in_dim3A_94 {strides = array<i32>} : memref<8x1000xi32, #tpu.memory_space<vmem>>, vector<16xi32>,
        %swap3A_223 = arith.index_cast %scan3A_93 : i32 to index
        %swap3A_224 = arith.constant 688 : index
        %swap3A_225 = tpu.vector_load %arg7[%swap3A_223, %swap3A_224] {strides = array<i32>} : memref<8x1000xi32, #tpu.memory_space<vmem>>, vector<16xi32>,
        tpu.vector_store %arg7[%swap3A_223, %swap3A_224], %broadcast_in_dim3A_94 {strides = array<i32>} : memref<8x1000xi32, #tpu.memory_space<vmem>>, vector<16xi32>,
        %swap3A_226 = arith.index_cast %scan3A_93 : i32 to index
        %swap3A_227 = arith.constant 704 : index
        %swap3A_228 = tpu.vector_load %arg7[%swap3A_226, %swap3A_227] {strides = array<i32>} : memref<8x1000xi32, #tpu.memory_space<vmem>>, vector<16xi32>,
        tpu.vector_store %arg7[%swap3A_226, %swap3A_227], %broadcast_in_dim3A_94 {strides = array<i32>} : memref<8x1000xi32, #tpu.memory_space<vmem>>, vector<16xi32>,
        %swap3A_229 = arith.index_cast %scan3A_93 : i32 to index
        %swap3A_230 = arith.constant 720 : index
        %swap3A_231 = tpu.vector_load %arg7[%swap3A_229, %swap3A_230] {strides = array<i32>} : memref<8x1000xi32, #tpu.memory_space<vmem>>, vector<16xi32>,
        tpu.vector_store %arg7[%swap3A_229, %swap3A_230], %broadcast_in_dim3A_94 {strides = array<i32>} : memref<8x1000xi32, #tpu.memory_space<vmem>>, vector<16xi32>,
        %swap3A_232 = arith.index_cast %scan3A_93 : i32 to index
        %swap3A_233 = arith.constant 736 : index
        %swap3A_234 = tpu.vector_load %arg7[%swap3A_232, %swap3A_233] {strides = array<i32>} : memref<8x1000xi32, #tpu.memory_space<vmem>>, vector<16xi32>,
        tpu.vector_store %arg7[%swap3A_232, %swap3A_233], %broadcast_in_dim3A_94 {strides = array<i32>} : memref<8x1000xi32, #tpu.memory_space<vmem>>, vector<16xi32>,
        %swap3A_235 = arith.index_cast %scan3A_93 : i32 to index
        %swap3A_236 = arith.constant 752 : index
        %swap3A_237 = tpu.vector_load %arg7[%swap3A_235, %swap3A_236] {strides = array<i32>} : memref<8x1000xi32, #tpu.memory_space<vmem>>, vector<16xi32>,
        tpu.vector_store %arg7[%swap3A_235, %swap3A_236], %broadcast_in_dim3A_94 {strides = array<i32>} : memref<8x1000xi32, #tpu.memory_space<vmem>>, vector<16xi32>,
        %swap3A_238 = arith.index_cast %scan3A_93 : i32 to index
        %swap3A_239 = arith.constant 768 : index
        %swap3A_240 = tpu.vector_load %arg7[%swap3A_238, %swap3A_239] {strides = array<i32>} : memref<8x1000xi32, #tpu.memory_space<vmem>>, vector<16xi32>,
        tpu.vector_store %arg7[%swap3A_238, %swap3A_239], %broadcast_in_dim3A_94 {strides = array<i32>} : memref<8x1000xi32, #tpu.memory_space<vmem>>, vector<16xi32>,
        %swap3A_241 = arith.index_cast %scan3A_93 : i32 to index
        %swap3A_242 = arith.constant 784 : index
        %swap3A_243 = tpu.vector_load %arg7[%swap3A_241, %swap3A_242] {strides = array<i32>} : memref<8x1000xi32, #tpu.memory_space<vmem>>, vector<16xi32>,
        tpu.vector_store %arg7[%swap3A_241, %swap3A_242], %broadcast_in_dim3A_94 {strides = array<i32>} : memref<8x1000xi32, #tpu.memory_space<vmem>>, vector<16xi32>,
        %swap3A_244 = arith.index_cast %scan3A_93 : i32 to index
        %swap3A_245 = arith.constant 800 : index
        %swap3A_246 = tpu.vector_load %arg7[%swap3A_244, %swap3A_245] {strides = array<i32>} : memref<8x1000xi32, #tpu.memory_space<vmem>>, vector<16xi32>,
        tpu.vector_store %arg7[%swap3A_244, %swap3A_245], %broadcast_in_dim3A_94 {strides = array<i32>} : memref<8x1000xi32, #tpu.memory_space<vmem>>, vector<16xi32>,
        %swap3A_247 = arith.index_cast %scan3A_93 : i32 to index
        %swap3A_248 = arith.constant 816 : index
        %swap3A_249 = tpu.vector_load %arg7[%swap3A_247, %swap3A_248] {strides = array<i32>} : memref<8x1000xi32, #tpu.memory_space<vmem>>, vector<16xi32>,
        tpu.vector_store %arg7[%swap3A_247, %swap3A_248], %broadcast_in_dim3A_94 {strides = array<i32>} : memref<8x1000xi32, #tpu.memory_space<vmem>>, vector<16xi32>,
        %swap3A_250 = arith.index_cast %scan3A_93 : i32 to index
        %swap3A_251 = arith.constant 832 : index
        %swap3A_252 = tpu.vector_load %arg7[%swap3A_250, %swap3A_251] {strides = array<i32>} : memref<8x1000xi32, #tpu.memory_space<vmem>>, vector<16xi32>,
        tpu.vector_store %arg7[%swap3A_250, %swap3A_251], %broadcast_in_dim3A_94 {strides = array<i32>} : memref<8x1000xi32, #tpu.memory_space<vmem>>, vector<16xi32>,
        %swap3A_253 = arith.index_cast %scan3A_93 : i32 to index
        %swap3A_254 = arith.constant 848 : index
        %swap3A_255 = tpu.vector_load %arg7[%swap3A_253, %swap3A_254] {strides = array<i32>} : memref<8x1000xi32, #tpu.memory_space<vmem>>, vector<16xi32>,
        tpu.vector_store %arg7[%swap3A_253, %swap3A_254], %broadcast_in_dim3A_94 {strides = array<i32>} : memref<8x1000xi32, #tpu.memory_space<vmem>>, vector<16xi32>,
        %swap3A_256 = arith.index_cast %scan3A_93 : i32 to index
        %swap3A_257 = arith.constant 864 : index
        %swap3A_258 = tpu.vector_load %arg7[%swap3A_256, %swap3A_257] {strides = array<i32>} : memref<8x1000xi32, #tpu.memory_space<vmem>>, vector<16xi32>,
        tpu.vector_store %arg7[%swap3A_256, %swap3A_257], %broadcast_in_dim3A_94 {strides = array<i32>} : memref<8x1000xi32, #tpu.memory_space<vmem>>, vector<16xi32>,
        %swap3A_259 = arith.index_cast %scan3A_93 : i32 to index
        %swap3A_260 = arith.constant 880 : index
        %swap3A_261 = tpu.vector_load %arg7[%swap3A_259, %swap3A_260] {strides = array<i32>} : memref<8x1000xi32, #tpu.memory_space<vmem>>, vector<16xi32>,
        tpu.vector_store %arg7[%swap3A_259, %swap3A_260], %broadcast_in_dim3A_94 {strides = array<i32>} : memref<8x1000xi32, #tpu.memory_space<vmem>>, vector<16xi32>,
        %swap3A_262 = arith.index_cast %scan3A_93 : i32 to index
        %swap3A_263 = arith.constant 896 : index
        %swap3A_264 = tpu.vector_load %arg7[%swap3A_262, %swap3A_263] {strides = array<i32>} : memref<8x1000xi32, #tpu.memory_space<vmem>>, vector<16xi32>,
        tpu.vector_store %arg7[%swap3A_262, %swap3A_263], %broadcast_in_dim3A_94 {strides = array<i32>} : memref<8x1000xi32, #tpu.memory_space<vmem>>, vector<16xi32>,
        %swap3A_265 = arith.index_cast %scan3A_93 : i32 to index
        %swap3A_266 = arith.constant 912 : index
        %swap3A_267 = tpu.vector_load %arg7[%swap3A_265, %swap3A_266] {strides = array<i32>} : memref<8x1000xi32, #tpu.memory_space<vmem>>, vector<16xi32>,
        tpu.vector_store %arg7[%swap3A_265, %swap3A_266], %broadcast_in_dim3A_94 {strides = array<i32>} : memref<8x1000xi32, #tpu.memory_space<vmem>>, vector<16xi32>,
        %swap3A_268 = arith.index_cast %scan3A_93 : i32 to index
        %swap3A_269 = arith.constant 928 : index
        %swap3A_270 = tpu.vector_load %arg7[%swap3A_268, %swap3A_269] {strides = array<i32>} : memref<8x1000xi32, #tpu.memory_space<vmem>>, vector<16xi32>,
        tpu.vector_store %arg7[%swap3A_268, %swap3A_269], %broadcast_in_dim3A_94 {strides = array<i32>} : memref<8x1000xi32, #tpu.memory_space<vmem>>, vector<16xi32>,
        %swap3A_271 = arith.index_cast %scan3A_93 : i32 to index
        %swap3A_272 = arith.constant 944 : index
        %swap3A_273 = tpu.vector_load %arg7[%swap3A_271, %swap3A_272] {strides = array<i32>} : memref<8x1000xi32, #tpu.memory_space<vmem>>, vector<16xi32>,
        tpu.vector_store %arg7[%swap3A_271, %swap3A_272], %broadcast_in_dim3A_94 {strides = array<i32>} : memref<8x1000xi32, #tpu.memory_space<vmem>>, vector<16xi32>,
        %swap3A_274 = arith.index_cast %scan3A_93 : i32 to index
        %swap3A_275 = arith.constant 960 : index
        %swap3A_276 = tpu.vector_load %arg7[%swap3A_274, %swap3A_275] {strides = array<i32>} : memref<8x1000xi32, #tpu.memory_space<vmem>>, vector<16xi32>,
        tpu.vector_store %arg7[%swap3A_274, %swap3A_275], %broadcast_in_dim3A_94 {strides = array<i32>} : memref<8x1000xi32, #tpu.memory_space<vmem>>, vector<16xi32>,
        %swap3A_277 = arith.index_cast %scan3A_93 : i32 to index
        %swap3A_278 = arith.constant 976 : index
        %swap3A_279 = tpu.vector_load %arg7[%swap3A_277, %swap3A_278] {strides = array<i32>} : memref<8x1000xi32, #tpu.memory_space<vmem>>, vector<16xi32>,
        tpu.vector_store %arg7[%swap3A_277, %swap3A_278], %broadcast_in_dim3A_94 {strides = array<i32>} : memref<8x1000xi32, #tpu.memory_space<vmem>>, vector<16xi32>,
        %swap3A_280 = arith.index_cast %scan3A_93 : i32 to index
        %swap3A_281 = arith.constant 984 : index
        %swap3A_282 = tpu.vector_load %arg7[%swap3A_280, %swap3A_281] {strides = array<i32>} : memref<8x1000xi32, #tpu.memory_space<vmem>>, vector<16xi32>,
        tpu.vector_store %arg7[%swap3A_280, %swap3A_281], %broadcast_in_dim3A_94 {strides = array<i32>} : memref<8x1000xi32, #tpu.memory_space<vmem>>, vector<16xi32>,
        %broadcast_in_dim3A_283 = arith.constant 0 : i32
        %broadcast_in_dim3A_284 = vector.broadcast %broadcast_in_dim3A_283 : i32 to vector<16xi32>
        %add3A_285 = vector.broadcast %scan3A_93 : i32 to vector<16xi32>
        %add3A_286 = arith.addi %broadcast_in_dim3A_284, %add3A_285 : vector<16xi32>
        %get3A = arith.index_cast %scan3A_93 : i32 to index
        %get3A_287 = arith.constant 0 : index
        %get3A_288 = tpu.vector_load %arg5[%get3A, %get3A_287] {strides = array<i32>} : memref<8x1000xi32, #tpu.memory_space<vmem>>, vector<16xi32>,
        %ge3A_289 = arith.constant 0 : i32
        %ge3A_290 = vector.broadcast %ge3A_289 : i32 to vector<16xi32>
        %ge3A_291 = arith.cmpi sge, %get3A_288, %ge3A_290 : vector<16xi32>
        %add3A_292 = arith.constant 0 : i32
        %add3A_293 = vector.broadcast %add3A_292 : i32 to vector<16xi32>
        %add3A_294 = arith.addi %iota3A, %add3A_293 : vector<16xi32>
        tpu.vector_store_idx %arg7[%add3A_286, %get3A_288], %add3A_294 masked %ge3A_291 : memref<8x1000xi32, #tpu.memory_space<vmem>>[vector<16xi32>, vector<16xi32>], vector<16xi32>, vector<16xi1>
        %get3A_295 = arith.index_cast %scan3A_93 : i32 to index
        %get3A_296 = arith.constant 16 : index
        %get3A_297 = tpu.vector_load %arg5[%get3A_295, %get3A_296] {strides = array<i32>} : memref<8x1000xi32, #tpu.memory_space<vmem>>, vector<16xi32>,
        %ge3A_298 = arith.constant 0 : i32
        %ge3A_299 = vector.broadcast %ge3A_298 : i32 to vector<16xi32>
        %ge3A_300 = arith.cmpi sge, %get3A_297, %ge3A_299 : vector<16xi32>
        %add3A_301 = arith.constant 16 : i32
        %add3A_302 = vector.broadcast %add3A_301 : i32 to vector<16xi32>
        %add3A_303 = arith.addi %iota3A, %add3A_302 : vector<16xi32>
        tpu.vector_store_idx %arg7[%add3A_286, %get3A_297], %add3A_303 masked %ge3A_300 : memref<8x1000xi32, #tpu.memory_space<vmem>>[vector<16xi32>, vector<16xi32>], vector<16xi32>, vector<16xi1>
        %get3A_304 = arith.index_cast %scan3A_93 : i32 to index
        %get3A_305 = arith.constant 32 : index
        %get3A_306 = tpu.vector_load %arg5[%get3A_304, %get3A_305] {strides = array<i32>} : memref<8x1000xi32, #tpu.memory_space<vmem>>, vector<16xi32>,
        %ge3A_307 = arith.constant 0 : i32
        %ge3A_308 = vector.broadcast %ge3A_307 : i32 to vector<16xi32>
        %ge3A_309 = arith.cmpi sge, %get3A_306, %ge3A_308 : vector<16xi32>
        %add3A_310 = arith.constant 32 : i32
        %add3A_311 = vector.broadcast %add3A_310 : i32 to vector<16xi32>
        %add3A_312 = arith.addi %iota3A, %add3A_311 : vector<16xi32>
        tpu.vector_store_idx %arg7[%add3A_286, %get3A_306], %add3A_312 masked %ge3A_309 : memref<8x1000xi32, #tpu.memory_space<vmem>>[vector<16xi32>, vector<16xi32>], vector<16xi32>, vector<16xi1>
        %get3A_313 = arith.index_cast %scan3A_93 : i32 to index
        %get3A_314 = arith.constant 48 : index
        %get3A_315 = tpu.vector_load %arg5[%get3A_313, %get3A_314] {strides = array<i32>} : memref<8x1000xi32, #tpu.memory_space<vmem>>, vector<16xi32>,
        %ge3A_316 = arith.constant 0 : i32
        %ge3A_317 = vector.broadcast %ge3A_316 : i32 to vector<16xi32>
        %ge3A_318 = arith.cmpi sge, %get3A_315, %ge3A_317 : vector<16xi32>
        %add3A_319 = arith.constant 48 : i32
        %add3A_320 = vector.broadcast %add3A_319 : i32 to vector<16xi32>
        %add3A_321 = arith.addi %iota3A, %add3A_320 : vector<16xi32>
        tpu.vector_store_idx %arg7[%add3A_286, %get3A_315], %add3A_321 masked %ge3A_318 : memref<8x1000xi32, #tpu.memory_space<vmem>>[vector<16xi32>, vector<16xi32>], vector<16xi32>, vector<16xi1>
        %get3A_322 = arith.index_cast %scan3A_93 : i32 to index
        %get3A_323 = arith.constant 64 : index
        %get3A_324 = tpu.vector_load %arg5[%get3A_322, %get3A_323] {strides = array<i32>} : memref<8x1000xi32, #tpu.memory_space<vmem>>, vector<16xi32>,
        %ge3A_325 = arith.constant 0 : i32
        %ge3A_326 = vector.broadcast %ge3A_325 : i32 to vector<16xi32>
        %ge3A_327 = arith.cmpi sge, %get3A_324, %ge3A_326 : vector<16xi32>
        %add3A_328 = arith.constant 64 : i32
        %add3A_329 = vector.broadcast %add3A_328 : i32 to vector<16xi32>
        %add3A_330 = arith.addi %iota3A, %add3A_329 : vector<16xi32>
        tpu.vector_store_idx %arg7[%add3A_286, %get3A_324], %add3A_330 masked %ge3A_327 : memref<8x1000xi32, #tpu.memory_space<vmem>>[vector<16xi32>, vector<16xi32>], vector<16xi32>, vector<16xi1>
        %get3A_331 = arith.index_cast %scan3A_93 : i32 to index
        %get3A_332 = arith.constant 80 : index
        %get3A_333 = tpu.vector_load %arg5[%get3A_331, %get3A_332] {strides = array<i32>} : memref<8x1000xi32, #tpu.memory_space<vmem>>, vector<16xi32>,
        %ge3A_334 = arith.constant 0 : i32
        %ge3A_335 = vector.broadcast %ge3A_334 : i32 to vector<16xi32>
        %ge3A_336 = arith.cmpi sge, %get3A_333, %ge3A_335 : vector<16xi32>
        %add3A_337 = arith.constant 80 : i32
        %add3A_338 = vector.broadcast %add3A_337 : i32 to vector<16xi32>
        %add3A_339 = arith.addi %iota3A, %add3A_338 : vector<16xi32>
        tpu.vector_store_idx %arg7[%add3A_286, %get3A_333], %add3A_339 masked %ge3A_336 : memref<8x1000xi32, #tpu.memory_space<vmem>>[vector<16xi32>, vector<16xi32>], vector<16xi32>, vector<16xi1>
        %get3A_340 = arith.index_cast %scan3A_93 : i32 to index
        %get3A_341 = arith.constant 96 : index
        %get3A_342 = tpu.vector_load %arg5[%get3A_340, %get3A_341] {strides = array<i32>} : memref<8x1000xi32, #tpu.memory_space<vmem>>, vector<16xi32>,
        %ge3A_343 = arith.constant 0 : i32
        %ge3A_344 = vector.broadcast %ge3A_343 : i32 to vector<16xi32>
        %ge3A_345 = arith.cmpi sge, %get3A_342, %ge3A_344 : vector<16xi32>
        %add3A_346 = arith.constant 96 : i32
        %add3A_347 = vector.broadcast %add3A_346 : i32 to vector<16xi32>
        %add3A_348 = arith.addi %iota3A, %add3A_347 : vector<16xi32>
        tpu.vector_store_idx %arg7[%add3A_286, %get3A_342], %add3A_348 masked %ge3A_345 : memref<8x1000xi32, #tpu.memory_space<vmem>>[vector<16xi32>, vector<16xi32>], vector<16xi32>, vector<16xi1>
        %get3A_349 = arith.index_cast %scan3A_93 : i32 to index
        %get3A_350 = arith.constant 112 : index
        %get3A_351 = tpu.vector_load %arg5[%get3A_349, %get3A_350] {strides = array<i32>} : memref<8x1000xi32, #tpu.memory_space<vmem>>, vector<16xi32>,
        %ge3A_352 = arith.constant 0 : i32
        %ge3A_353 = vector.broadcast %ge3A_352 : i32 to vector<16xi32>
        %ge3A_354 = arith.cmpi sge, %get3A_351, %ge3A_353 : vector<16xi32>
        %add3A_355 = arith.constant 112 : i32
        %add3A_356 = vector.broadcast %add3A_355 : i32 to vector<16xi32>
        %add3A_357 = arith.addi %iota3A, %add3A_356 : vector<16xi32>
        tpu.vector_store_idx %arg7[%add3A_286, %get3A_351], %add3A_357 masked %ge3A_354 : memref<8x1000xi32, #tpu.memory_space<vmem>>[vector<16xi32>, vector<16xi32>], vector<16xi32>, vector<16xi1>
        %get3A_358 = arith.index_cast %scan3A_93 : i32 to index
        %get3A_359 = arith.constant 128 : index
        %get3A_360 = tpu.vector_load %arg5[%get3A_358, %get3A_359] {strides = array<i32>} : memref<8x1000xi32, #tpu.memory_space<vmem>>, vector<16xi32>,
        %ge3A_361 = arith.constant 0 : i32
        %ge3A_362 = vector.broadcast %ge3A_361 : i32 to vector<16xi32>
        %ge3A_363 = arith.cmpi sge, %get3A_360, %ge3A_362 : vector<16xi32>
        %add3A_364 = arith.constant 128 : i32
        %add3A_365 = vector.broadcast %add3A_364 : i32 to vector<16xi32>
        %add3A_366 = arith.addi %iota3A, %add3A_365 : vector<16xi32>
        tpu.vector_store_idx %arg7[%add3A_286, %get3A_360], %add3A_366 masked %ge3A_363 : memref<8x1000xi32, #tpu.memory_space<vmem>>[vector<16xi32>, vector<16xi32>], vector<16xi32>, vector<16xi1>
        %get3A_367 = arith.index_cast %scan3A_93 : i32 to index
        %get3A_368 = arith.constant 144 : index
        %get3A_369 = tpu.vector_load %arg5[%get3A_367, %get3A_368] {strides = array<i32>} : memref<8x1000xi32, #tpu.memory_space<vmem>>, vector<16xi32>,
        %ge3A_370 = arith.constant 0 : i32
        %ge3A_371 = vector.broadcast %ge3A_370 : i32 to vector<16xi32>
        %ge3A_372 = arith.cmpi sge, %get3A_369, %ge3A_371 : vector<16xi32>
        %add3A_373 = arith.constant 144 : i32
        %add3A_374 = vector.broadcast %add3A_373 : i32 to vector<16xi32>
        %add3A_375 = arith.addi %iota3A, %add3A_374 : vector<16xi32>
        tpu.vector_store_idx %arg7[%add3A_286, %get3A_369], %add3A_375 masked %ge3A_372 : memref<8x1000xi32, #tpu.memory_space<vmem>>[vector<16xi32>, vector<16xi32>], vector<16xi32>, vector<16xi1>
        %get3A_376 = arith.index_cast %scan3A_93 : i32 to index
        %get3A_377 = arith.constant 160 : index
        %get3A_378 = tpu.vector_load %arg5[%get3A_376, %get3A_377] {strides = array<i32>} : memref<8x1000xi32, #tpu.memory_space<vmem>>, vector<16xi32>,
        %ge3A_379 = arith.constant 0 : i32
        %ge3A_380 = vector.broadcast %ge3A_379 : i32 to vector<16xi32>
        %ge3A_381 = arith.cmpi sge, %get3A_378, %ge3A_380 : vector<16xi32>
        %add3A_382 = arith.constant 160 : i32
        %add3A_383 = vector.broadcast %add3A_382 : i32 to vector<16xi32>
        %add3A_384 = arith.addi %iota3A, %add3A_383 : vector<16xi32>
        tpu.vector_store_idx %arg7[%add3A_286, %get3A_378], %add3A_384 masked %ge3A_381 : memref<8x1000xi32, #tpu.memory_space<vmem>>[vector<16xi32>, vector<16xi32>], vector<16xi32>, vector<16xi1>
        %get3A_385 = arith.index_cast %scan3A_93 : i32 to index
        %get3A_386 = arith.constant 176 : index
        %get3A_387 = tpu.vector_load %arg5[%get3A_385, %get3A_386] {strides = array<i32>} : memref<8x1000xi32, #tpu.memory_space<vmem>>, vector<16xi32>,
        %ge3A_388 = arith.constant 0 : i32
        %ge3A_389 = vector.broadcast %ge3A_388 : i32 to vector<16xi32>
        %ge3A_390 = arith.cmpi sge, %get3A_387, %ge3A_389 : vector<16xi32>
        %add3A_391 = arith.constant 176 : i32
        %add3A_392 = vector.broadcast %add3A_391 : i32 to vector<16xi32>
        %add3A_393 = arith.addi %iota3A, %add3A_392 : vector<16xi32>
        tpu.vector_store_idx %arg7[%add3A_286, %get3A_387], %add3A_393 masked %ge3A_390 : memref<8x1000xi32, #tpu.memory_space<vmem>>[vector<16xi32>, vector<16xi32>], vector<16xi32>, vector<16xi1>
        %get3A_394 = arith.index_cast %scan3A_93 : i32 to index
        %get3A_395 = arith.constant 192 : index
        %get3A_396 = tpu.vector_load %arg5[%get3A_394, %get3A_395] {strides = array<i32>} : memref<8x1000xi32, #tpu.memory_space<vmem>>, vector<16xi32>,
        %ge3A_397 = arith.constant 0 : i32
        %ge3A_398 = vector.broadcast %ge3A_397 : i32 to vector<16xi32>
        %ge3A_399 = arith.cmpi sge, %get3A_396, %ge3A_398 : vector<16xi32>
        %add3A_400 = arith.constant 192 : i32
        %add3A_401 = vector.broadcast %add3A_400 : i32 to vector<16xi32>
        %add3A_402 = arith.addi %iota3A, %add3A_401 : vector<16xi32>
        tpu.vector_store_idx %arg7[%add3A_286, %get3A_396], %add3A_402 masked %ge3A_399 : memref<8x1000xi32, #tpu.memory_space<vmem>>[vector<16xi32>, vector<16xi32>], vector<16xi32>, vector<16xi1>
        %get3A_403 = arith.index_cast %scan3A_93 : i32 to index
        %get3A_404 = arith.constant 208 : index
        %get3A_405 = tpu.vector_load %arg5[%get3A_403, %get3A_404] {strides = array<i32>} : memref<8x1000xi32, #tpu.memory_space<vmem>>, vector<16xi32>,
        %ge3A_406 = arith.constant 0 : i32
        %ge3A_407 = vector.broadcast %ge3A_406 : i32 to vector<16xi32>
        %ge3A_408 = arith.cmpi sge, %get3A_405, %ge3A_407 : vector<16xi32>
        %add3A_409 = arith.constant 208 : i32
        %add3A_410 = vector.broadcast %add3A_409 : i32 to vector<16xi32>
        %add3A_411 = arith.addi %iota3A, %add3A_410 : vector<16xi32>
        tpu.vector_store_idx %arg7[%add3A_286, %get3A_405], %add3A_411 masked %ge3A_408 : memref<8x1000xi32, #tpu.memory_space<vmem>>[vector<16xi32>, vector<16xi32>], vector<16xi32>, vector<16xi1>
        %get3A_412 = arith.index_cast %scan3A_93 : i32 to index
        %get3A_413 = arith.constant 224 : index
        %get3A_414 = tpu.vector_load %arg5[%get3A_412, %get3A_413] {strides = array<i32>} : memref<8x1000xi32, #tpu.memory_space<vmem>>, vector<16xi32>,
        %ge3A_415 = arith.constant 0 : i32
        %ge3A_416 = vector.broadcast %ge3A_415 : i32 to vector<16xi32>
        %ge3A_417 = arith.cmpi sge, %get3A_414, %ge3A_416 : vector<16xi32>
        %add3A_418 = arith.constant 224 : i32
        %add3A_419 = vector.broadcast %add3A_418 : i32 to vector<16xi32>
        %add3A_420 = arith.addi %iota3A, %add3A_419 : vector<16xi32>
        tpu.vector_store_idx %arg7[%add3A_286, %get3A_414], %add3A_420 masked %ge3A_417 : memref<8x1000xi32, #tpu.memory_space<vmem>>[vector<16xi32>, vector<16xi32>], vector<16xi32>, vector<16xi1>
        %get3A_421 = arith.index_cast %scan3A_93 : i32 to index
        %get3A_422 = arith.constant 240 : index
        %get3A_423 = tpu.vector_load %arg5[%get3A_421, %get3A_422] {strides = array<i32>} : memref<8x1000xi32, #tpu.memory_space<vmem>>, vector<16xi32>,
        %ge3A_424 = arith.constant 0 : i32
        %ge3A_425 = vector.broadcast %ge3A_424 : i32 to vector<16xi32>
        %ge3A_426 = arith.cmpi sge, %get3A_423, %ge3A_425 : vector<16xi32>
        %add3A_427 = arith.constant 240 : i32
        %add3A_428 = vector.broadcast %add3A_427 : i32 to vector<16xi32>
        %add3A_429 = arith.addi %iota3A, %add3A_428 : vector<16xi32>
        tpu.vector_store_idx %arg7[%add3A_286, %get3A_423], %add3A_429 masked %ge3A_426 : memref<8x1000xi32, #tpu.memory_space<vmem>>[vector<16xi32>, vector<16xi32>], vector<16xi32>, vector<16xi1>
        %get3A_430 = arith.index_cast %scan3A_93 : i32 to index
        %get3A_431 = arith.constant 256 : index
        %get3A_432 = tpu.vector_load %arg5[%get3A_430, %get3A_431] {strides = array<i32>} : memref<8x1000xi32, #tpu.memory_space<vmem>>, vector<16xi32>,
        %ge3A_433 = arith.constant 0 : i32
        %ge3A_434 = vector.broadcast %ge3A_433 : i32 to vector<16xi32>
        %ge3A_435 = arith.cmpi sge, %get3A_432, %ge3A_434 : vector<16xi32>
        %add3A_436 = arith.constant 256 : i32
        %add3A_437 = vector.broadcast %add3A_436 : i32 to vector<16xi32>
        %add3A_438 = arith.addi %iota3A, %add3A_437 : vector<16xi32>
        tpu.vector_store_idx %arg7[%add3A_286, %get3A_432], %add3A_438 masked %ge3A_435 : memref<8x1000xi32, #tpu.memory_space<vmem>>[vector<16xi32>, vector<16xi32>], vector<16xi32>, vector<16xi1>
        %get3A_439 = arith.index_cast %scan3A_93 : i32 to index
        %get3A_440 = arith.constant 272 : index
        %get3A_441 = tpu.vector_load %arg5[%get3A_439, %get3A_440] {strides = array<i32>} : memref<8x1000xi32, #tpu.memory_space<vmem>>, vector<16xi32>,
        %ge3A_442 = arith.constant 0 : i32
        %ge3A_443 = vector.broadcast %ge3A_442 : i32 to vector<16xi32>
        %ge3A_444 = arith.cmpi sge, %get3A_441, %ge3A_443 : vector<16xi32>
        %add3A_445 = arith.constant 272 : i32
        %add3A_446 = vector.broadcast %add3A_445 : i32 to vector<16xi32>
        %add3A_447 = arith.addi %iota3A, %add3A_446 : vector<16xi32>
        tpu.vector_store_idx %arg7[%add3A_286, %get3A_441], %add3A_447 masked %ge3A_444 : memref<8x1000xi32, #tpu.memory_space<vmem>>[vector<16xi32>, vector<16xi32>], vector<16xi32>, vector<16xi1>
        %get3A_448 = arith.index_cast %scan3A_93 : i32 to index
        %get3A_449 = arith.constant 288 : index
        %get3A_450 = tpu.vector_load %arg5[%get3A_448, %get3A_449] {strides = array<i32>} : memref<8x1000xi32, #tpu.memory_space<vmem>>, vector<16xi32>,
        %ge3A_451 = arith.constant 0 : i32
        %ge3A_452 = vector.broadcast %ge3A_451 : i32 to vector<16xi32>
        %ge3A_453 = arith.cmpi sge, %get3A_450, %ge3A_452 : vector<16xi32>
        %add3A_454 = arith.constant 288 : i32
        %add3A_455 = vector.broadcast %add3A_454 : i32 to vector<16xi32>
        %add3A_456 = arith.addi %iota3A, %add3A_455 : vector<16xi32>
        tpu.vector_store_idx %arg7[%add3A_286, %get3A_450], %add3A_456 masked %ge3A_453 : memref<8x1000xi32, #tpu.memory_space<vmem>>[vector<16xi32>, vector<16xi32>], vector<16xi32>, vector<16xi1>
        %get3A_457 = arith.index_cast %scan3A_93 : i32 to index
        %get3A_458 = arith.constant 304 : index
        %get3A_459 = tpu.vector_load %arg5[%get3A_457, %get3A_458] {strides = array<i32>} : memref<8x1000xi32, #tpu.memory_space<vmem>>, vector<16xi32>,
        %ge3A_460 = arith.constant 0 : i32
        %ge3A_461 = vector.broadcast %ge3A_460 : i32 to vector<16xi32>
        %ge3A_462 = arith.cmpi sge, %get3A_459, %ge3A_461 : vector<16xi32>
        %add3A_463 = arith.constant 304 : i32
        %add3A_464 = vector.broadcast %add3A_463 : i32 to vector<16xi32>
        %add3A_465 = arith.addi %iota3A, %add3A_464 : vector<16xi32>
        tpu.vector_store_idx %arg7[%add3A_286, %get3A_459], %add3A_465 masked %ge3A_462 : memref<8x1000xi32, #tpu.memory_space<vmem>>[vector<16xi32>, vector<16xi32>], vector<16xi32>, vector<16xi1>
        %get3A_466 = arith.index_cast %scan3A_93 : i32 to index
        %get3A_467 = arith.constant 320 : index
        %get3A_468 = tpu.vector_load %arg5[%get3A_466, %get3A_467] {strides = array<i32>} : memref<8x1000xi32, #tpu.memory_space<vmem>>, vector<16xi32>,
        %ge3A_469 = arith.constant 0 : i32
        %ge3A_470 = vector.broadcast %ge3A_469 : i32 to vector<16xi32>
        %ge3A_471 = arith.cmpi sge, %get3A_468, %ge3A_470 : vector<16xi32>
        %add3A_472 = arith.constant 320 : i32
        %add3A_473 = vector.broadcast %add3A_472 : i32 to vector<16xi32>
        %add3A_474 = arith.addi %iota3A, %add3A_473 : vector<16xi32>
        tpu.vector_store_idx %arg7[%add3A_286, %get3A_468], %add3A_474 masked %ge3A_471 : memref<8x1000xi32, #tpu.memory_space<vmem>>[vector<16xi32>, vector<16xi32>], vector<16xi32>, vector<16xi1>
        %get3A_475 = arith.index_cast %scan3A_93 : i32 to index
        %get3A_476 = arith.constant 336 : index
        %get3A_477 = tpu.vector_load %arg5[%get3A_475, %get3A_476] {strides = array<i32>} : memref<8x1000xi32, #tpu.memory_space<vmem>>, vector<16xi32>,
        %ge3A_478 = arith.constant 0 : i32
        %ge3A_479 = vector.broadcast %ge3A_478 : i32 to vector<16xi32>
        %ge3A_480 = arith.cmpi sge, %get3A_477, %ge3A_479 : vector<16xi32>
        %add3A_481 = arith.constant 336 : i32
        %add3A_482 = vector.broadcast %add3A_481 : i32 to vector<16xi32>
        %add3A_483 = arith.addi %iota3A, %add3A_482 : vector<16xi32>
        tpu.vector_store_idx %arg7[%add3A_286, %get3A_477], %add3A_483 masked %ge3A_480 : memref<8x1000xi32, #tpu.memory_space<vmem>>[vector<16xi32>, vector<16xi32>], vector<16xi32>, vector<16xi1>
        %get3A_484 = arith.index_cast %scan3A_93 : i32 to index
        %get3A_485 = arith.constant 352 : index
        %get3A_486 = tpu.vector_load %arg5[%get3A_484, %get3A_485] {strides = array<i32>} : memref<8x1000xi32, #tpu.memory_space<vmem>>, vector<16xi32>,
        %ge3A_487 = arith.constant 0 : i32
        %ge3A_488 = vector.broadcast %ge3A_487 : i32 to vector<16xi32>
        %ge3A_489 = arith.cmpi sge, %get3A_486, %ge3A_488 : vector<16xi32>
        %add3A_490 = arith.constant 352 : i32
        %add3A_491 = vector.broadcast %add3A_490 : i32 to vector<16xi32>
        %add3A_492 = arith.addi %iota3A, %add3A_491 : vector<16xi32>
        tpu.vector_store_idx %arg7[%add3A_286, %get3A_486], %add3A_492 masked %ge3A_489 : memref<8x1000xi32, #tpu.memory_space<vmem>>[vector<16xi32>, vector<16xi32>], vector<16xi32>, vector<16xi1>
        %get3A_493 = arith.index_cast %scan3A_93 : i32 to index
        %get3A_494 = arith.constant 368 : index
        %get3A_495 = tpu.vector_load %arg5[%get3A_493, %get3A_494] {strides = array<i32>} : memref<8x1000xi32, #tpu.memory_space<vmem>>, vector<16xi32>,
        %ge3A_496 = arith.constant 0 : i32
        %ge3A_497 = vector.broadcast %ge3A_496 : i32 to vector<16xi32>
        %ge3A_498 = arith.cmpi sge, %get3A_495, %ge3A_497 : vector<16xi32>
        %add3A_499 = arith.constant 368 : i32
        %add3A_500 = vector.broadcast %add3A_499 : i32 to vector<16xi32>
        %add3A_501 = arith.addi %iota3A, %add3A_500 : vector<16xi32>
        tpu.vector_store_idx %arg7[%add3A_286, %get3A_495], %add3A_501 masked %ge3A_498 : memref<8x1000xi32, #tpu.memory_space<vmem>>[vector<16xi32>, vector<16xi32>], vector<16xi32>, vector<16xi1>
        %get3A_502 = arith.index_cast %scan3A_93 : i32 to index
        %get3A_503 = arith.constant 384 : index
        %get3A_504 = tpu.vector_load %arg5[%get3A_502, %get3A_503] {strides = array<i32>} : memref<8x1000xi32, #tpu.memory_space<vmem>>, vector<16xi32>,
        %ge3A_505 = arith.constant 0 : i32
        %ge3A_506 = vector.broadcast %ge3A_505 : i32 to vector<16xi32>
        %ge3A_507 = arith.cmpi sge, %get3A_504, %ge3A_506 : vector<16xi32>
        %add3A_508 = arith.constant 384 : i32
        %add3A_509 = vector.broadcast %add3A_508 : i32 to vector<16xi32>
        %add3A_510 = arith.addi %iota3A, %add3A_509 : vector<16xi32>
        tpu.vector_store_idx %arg7[%add3A_286, %get3A_504], %add3A_510 masked %ge3A_507 : memref<8x1000xi32, #tpu.memory_space<vmem>>[vector<16xi32>, vector<16xi32>], vector<16xi32>, vector<16xi1>
        %get3A_511 = arith.index_cast %scan3A_93 : i32 to index
        %get3A_512 = arith.constant 400 : index
        %get3A_513 = tpu.vector_load %arg5[%get3A_511, %get3A_512] {strides = array<i32>} : memref<8x1000xi32, #tpu.memory_space<vmem>>, vector<16xi32>,
        %ge3A_514 = arith.constant 0 : i32
        %ge3A_515 = vector.broadcast %ge3A_514 : i32 to vector<16xi32>
        %ge3A_516 = arith.cmpi sge, %get3A_513, %ge3A_515 : vector<16xi32>
        %add3A_517 = arith.constant 400 : i32
        %add3A_518 = vector.broadcast %add3A_517 : i32 to vector<16xi32>
        %add3A_519 = arith.addi %iota3A, %add3A_518 : vector<16xi32>
        tpu.vector_store_idx %arg7[%add3A_286, %get3A_513], %add3A_519 masked %ge3A_516 : memref<8x1000xi32, #tpu.memory_space<vmem>>[vector<16xi32>, vector<16xi32>], vector<16xi32>, vector<16xi1>
        %get3A_520 = arith.index_cast %scan3A_93 : i32 to index
        %get3A_521 = arith.constant 416 : index
        %get3A_522 = tpu.vector_load %arg5[%get3A_520, %get3A_521] {strides = array<i32>} : memref<8x1000xi32, #tpu.memory_space<vmem>>, vector<16xi32>,
        %ge3A_523 = arith.constant 0 : i32
        %ge3A_524 = vector.broadcast %ge3A_523 : i32 to vector<16xi32>
        %ge3A_525 = arith.cmpi sge, %get3A_522, %ge3A_524 : vector<16xi32>
        %add3A_526 = arith.constant 416 : i32
        %add3A_527 = vector.broadcast %add3A_526 : i32 to vector<16xi32>
        %add3A_528 = arith.addi %iota3A, %add3A_527 : vector<16xi32>
        tpu.vector_store_idx %arg7[%add3A_286, %get3A_522], %add3A_528 masked %ge3A_525 : memref<8x1000xi32, #tpu.memory_space<vmem>>[vector<16xi32>, vector<16xi32>], vector<16xi32>, vector<16xi1>
        %get3A_529 = arith.index_cast %scan3A_93 : i32 to index
        %get3A_530 = arith.constant 432 : index
        %get3A_531 = tpu.vector_load %arg5[%get3A_529, %get3A_530] {strides = array<i32>} : memref<8x1000xi32, #tpu.memory_space<vmem>>, vector<16xi32>,
        %ge3A_532 = arith.constant 0 : i32
        %ge3A_533 = vector.broadcast %ge3A_532 : i32 to vector<16xi32>
        %ge3A_534 = arith.cmpi sge, %get3A_531, %ge3A_533 : vector<16xi32>
        %add3A_535 = arith.constant 432 : i32
        %add3A_536 = vector.broadcast %add3A_535 : i32 to vector<16xi32>
        %add3A_537 = arith.addi %iota3A, %add3A_536 : vector<16xi32>
        tpu.vector_store_idx %arg7[%add3A_286, %get3A_531], %add3A_537 masked %ge3A_534 : memref<8x1000xi32, #tpu.memory_space<vmem>>[vector<16xi32>, vector<16xi32>], vector<16xi32>, vector<16xi1>
        %get3A_538 = arith.index_cast %scan3A_93 : i32 to index
        %get3A_539 = arith.constant 448 : index
        %get3A_540 = tpu.vector_load %arg5[%get3A_538, %get3A_539] {strides = array<i32>} : memref<8x1000xi32, #tpu.memory_space<vmem>>, vector<16xi32>,
        %ge3A_541 = arith.constant 0 : i32
        %ge3A_542 = vector.broadcast %ge3A_541 : i32 to vector<16xi32>
        %ge3A_543 = arith.cmpi sge, %get3A_540, %ge3A_542 : vector<16xi32>
        %add3A_544 = arith.constant 448 : i32
        %add3A_545 = vector.broadcast %add3A_544 : i32 to vector<16xi32>
        %add3A_546 = arith.addi %iota3A, %add3A_545 : vector<16xi32>
        tpu.vector_store_idx %arg7[%add3A_286, %get3A_540], %add3A_546 masked %ge3A_543 : memref<8x1000xi32, #tpu.memory_space<vmem>>[vector<16xi32>, vector<16xi32>], vector<16xi32>, vector<16xi1>
        %get3A_547 = arith.index_cast %scan3A_93 : i32 to index
        %get3A_548 = arith.constant 464 : index
        %get3A_549 = tpu.vector_load %arg5[%get3A_547, %get3A_548] {strides = array<i32>} : memref<8x1000xi32, #tpu.memory_space<vmem>>, vector<16xi32>,
        %ge3A_550 = arith.constant 0 : i32
        %ge3A_551 = vector.broadcast %ge3A_550 : i32 to vector<16xi32>
        %ge3A_552 = arith.cmpi sge, %get3A_549, %ge3A_551 : vector<16xi32>
        %add3A_553 = arith.constant 464 : i32
        %add3A_554 = vector.broadcast %add3A_553 : i32 to vector<16xi32>
        %add3A_555 = arith.addi %iota3A, %add3A_554 : vector<16xi32>
        tpu.vector_store_idx %arg7[%add3A_286, %get3A_549], %add3A_555 masked %ge3A_552 : memref<8x1000xi32, #tpu.memory_space<vmem>>[vector<16xi32>, vector<16xi32>], vector<16xi32>, vector<16xi1>
        %get3A_556 = arith.index_cast %scan3A_93 : i32 to index
        %get3A_557 = arith.constant 480 : index
        %get3A_558 = tpu.vector_load %arg5[%get3A_556, %get3A_557] {strides = array<i32>} : memref<8x1000xi32, #tpu.memory_space<vmem>>, vector<16xi32>,
        %ge3A_559 = arith.constant 0 : i32
        %ge3A_560 = vector.broadcast %ge3A_559 : i32 to vector<16xi32>
        %ge3A_561 = arith.cmpi sge, %get3A_558, %ge3A_560 : vector<16xi32>
        %add3A_562 = arith.constant 480 : i32
        %add3A_563 = vector.broadcast %add3A_562 : i32 to vector<16xi32>
        %add3A_564 = arith.addi %iota3A, %add3A_563 : vector<16xi32>
        tpu.vector_store_idx %arg7[%add3A_286, %get3A_558], %add3A_564 masked %ge3A_561 : memref<8x1000xi32, #tpu.memory_space<vmem>>[vector<16xi32>, vector<16xi32>], vector<16xi32>, vector<16xi1>
        %get3A_565 = arith.index_cast %scan3A_93 : i32 to index
        %get3A_566 = arith.constant 496 : index
        %get3A_567 = tpu.vector_load %arg5[%get3A_565, %get3A_566] {strides = array<i32>} : memref<8x1000xi32, #tpu.memory_space<vmem>>, vector<16xi32>,
        %ge3A_568 = arith.constant 0 : i32
        %ge3A_569 = vector.broadcast %ge3A_568 : i32 to vector<16xi32>
        %ge3A_570 = arith.cmpi sge, %get3A_567, %ge3A_569 : vector<16xi32>
        %add3A_571 = arith.constant 496 : i32
        %add3A_572 = vector.broadcast %add3A_571 : i32 to vector<16xi32>
        %add3A_573 = arith.addi %iota3A, %add3A_572 : vector<16xi32>
        tpu.vector_store_idx %arg7[%add3A_286, %get3A_567], %add3A_573 masked %ge3A_570 : memref<8x1000xi32, #tpu.memory_space<vmem>>[vector<16xi32>, vector<16xi32>], vector<16xi32>, vector<16xi1>
        %get3A_574 = arith.index_cast %scan3A_93 : i32 to index
        %get3A_575 = arith.constant 512 : index
        %get3A_576 = tpu.vector_load %arg5[%get3A_574, %get3A_575] {strides = array<i32>} : memref<8x1000xi32, #tpu.memory_space<vmem>>, vector<16xi32>,
        %ge3A_577 = arith.constant 0 : i32
        %ge3A_578 = vector.broadcast %ge3A_577 : i32 to vector<16xi32>
        %ge3A_579 = arith.cmpi sge, %get3A_576, %ge3A_578 : vector<16xi32>
        %add3A_580 = arith.constant 512 : i32
        %add3A_581 = vector.broadcast %add3A_580 : i32 to vector<16xi32>
        %add3A_582 = arith.addi %iota3A, %add3A_581 : vector<16xi32>
        tpu.vector_store_idx %arg7[%add3A_286, %get3A_576], %add3A_582 masked %ge3A_579 : memref<8x1000xi32, #tpu.memory_space<vmem>>[vector<16xi32>, vector<16xi32>], vector<16xi32>, vector<16xi1>
        %get3A_583 = arith.index_cast %scan3A_93 : i32 to index
        %get3A_584 = arith.constant 528 : index
        %get3A_585 = tpu.vector_load %arg5[%get3A_583, %get3A_584] {strides = array<i32>} : memref<8x1000xi32, #tpu.memory_space<vmem>>, vector<16xi32>,
        %ge3A_586 = arith.constant 0 : i32
        %ge3A_587 = vector.broadcast %ge3A_586 : i32 to vector<16xi32>
        %ge3A_588 = arith.cmpi sge, %get3A_585, %ge3A_587 : vector<16xi32>
        %add3A_589 = arith.constant 528 : i32
        %add3A_590 = vector.broadcast %add3A_589 : i32 to vector<16xi32>
        %add3A_591 = arith.addi %iota3A, %add3A_590 : vector<16xi32>
        tpu.vector_store_idx %arg7[%add3A_286, %get3A_585], %add3A_591 masked %ge3A_588 : memref<8x1000xi32, #tpu.memory_space<vmem>>[vector<16xi32>, vector<16xi32>], vector<16xi32>, vector<16xi1>
        %get3A_592 = arith.index_cast %scan3A_93 : i32 to index
        %get3A_593 = arith.constant 544 : index
        %get3A_594 = tpu.vector_load %arg5[%get3A_592, %get3A_593] {strides = array<i32>} : memref<8x1000xi32, #tpu.memory_space<vmem>>, vector<16xi32>,
        %ge3A_595 = arith.constant 0 : i32
        %ge3A_596 = vector.broadcast %ge3A_595 : i32 to vector<16xi32>
        %ge3A_597 = arith.cmpi sge, %get3A_594, %ge3A_596 : vector<16xi32>
        %add3A_598 = arith.constant 544 : i32
        %add3A_599 = vector.broadcast %add3A_598 : i32 to vector<16xi32>
        %add3A_600 = arith.addi %iota3A, %add3A_599 : vector<16xi32>
        tpu.vector_store_idx %arg7[%add3A_286, %get3A_594], %add3A_600 masked %ge3A_597 : memref<8x1000xi32, #tpu.memory_space<vmem>>[vector<16xi32>, vector<16xi32>], vector<16xi32>, vector<16xi1>
        %get3A_601 = arith.index_cast %scan3A_93 : i32 to index
        %get3A_602 = arith.constant 560 : index
        %get3A_603 = tpu.vector_load %arg5[%get3A_601, %get3A_602] {strides = array<i32>} : memref<8x1000xi32, #tpu.memory_space<vmem>>, vector<16xi32>,
        %ge3A_604 = arith.constant 0 : i32
        %ge3A_605 = vector.broadcast %ge3A_604 : i32 to vector<16xi32>
        %ge3A_606 = arith.cmpi sge, %get3A_603, %ge3A_605 : vector<16xi32>
        %add3A_607 = arith.constant 560 : i32
        %add3A_608 = vector.broadcast %add3A_607 : i32 to vector<16xi32>
        %add3A_609 = arith.addi %iota3A, %add3A_608 : vector<16xi32>
        tpu.vector_store_idx %arg7[%add3A_286, %get3A_603], %add3A_609 masked %ge3A_606 : memref<8x1000xi32, #tpu.memory_space<vmem>>[vector<16xi32>, vector<16xi32>], vector<16xi32>, vector<16xi1>
        %get3A_610 = arith.index_cast %scan3A_93 : i32 to index
        %get3A_611 = arith.constant 576 : index
        %get3A_612 = tpu.vector_load %arg5[%get3A_610, %get3A_611] {strides = array<i32>} : memref<8x1000xi32, #tpu.memory_space<vmem>>, vector<16xi32>,
        %ge3A_613 = arith.constant 0 : i32
        %ge3A_614 = vector.broadcast %ge3A_613 : i32 to vector<16xi32>
        %ge3A_615 = arith.cmpi sge, %get3A_612, %ge3A_614 : vector<16xi32>
        %add3A_616 = arith.constant 576 : i32
        %add3A_617 = vector.broadcast %add3A_616 : i32 to vector<16xi32>
        %add3A_618 = arith.addi %iota3A, %add3A_617 : vector<16xi32>
        tpu.vector_store_idx %arg7[%add3A_286, %get3A_612], %add3A_618 masked %ge3A_615 : memref<8x1000xi32, #tpu.memory_space<vmem>>[vector<16xi32>, vector<16xi32>], vector<16xi32>, vector<16xi1>
        %get3A_619 = arith.index_cast %scan3A_93 : i32 to index
        %get3A_620 = arith.constant 592 : index
        %get3A_621 = tpu.vector_load %arg5[%get3A_619, %get3A_620] {strides = array<i32>} : memref<8x1000xi32, #tpu.memory_space<vmem>>, vector<16xi32>,
        %ge3A_622 = arith.constant 0 : i32
        %ge3A_623 = vector.broadcast %ge3A_622 : i32 to vector<16xi32>
        %ge3A_624 = arith.cmpi sge, %get3A_621, %ge3A_623 : vector<16xi32>
        %add3A_625 = arith.constant 592 : i32
        %add3A_626 = vector.broadcast %add3A_625 : i32 to vector<16xi32>
        %add3A_627 = arith.addi %iota3A, %add3A_626 : vector<16xi32>
        tpu.vector_store_idx %arg7[%add3A_286, %get3A_621], %add3A_627 masked %ge3A_624 : memref<8x1000xi32, #tpu.memory_space<vmem>>[vector<16xi32>, vector<16xi32>], vector<16xi32>, vector<16xi1>
        %get3A_628 = arith.index_cast %scan3A_93 : i32 to index
        %get3A_629 = arith.constant 608 : index
        %get3A_630 = tpu.vector_load %arg5[%get3A_628, %get3A_629] {strides = array<i32>} : memref<8x1000xi32, #tpu.memory_space<vmem>>, vector<16xi32>,
        %ge3A_631 = arith.constant 0 : i32
        %ge3A_632 = vector.broadcast %ge3A_631 : i32 to vector<16xi32>
        %ge3A_633 = arith.cmpi sge, %get3A_630, %ge3A_632 : vector<16xi32>
        %add3A_634 = arith.constant 608 : i32
        %add3A_635 = vector.broadcast %add3A_634 : i32 to vector<16xi32>
        %add3A_636 = arith.addi %iota3A, %add3A_635 : vector<16xi32>
        tpu.vector_store_idx %arg7[%add3A_286, %get3A_630], %add3A_636 masked %ge3A_633 : memref<8x1000xi32, #tpu.memory_space<vmem>>[vector<16xi32>, vector<16xi32>], vector<16xi32>, vector<16xi1>
        %get3A_637 = arith.index_cast %scan3A_93 : i32 to index
        %get3A_638 = arith.constant 624 : index
        %get3A_639 = tpu.vector_load %arg5[%get3A_637, %get3A_638] {strides = array<i32>} : memref<8x1000xi32, #tpu.memory_space<vmem>>, vector<16xi32>,
        %ge3A_640 = arith.constant 0 : i32
        %ge3A_641 = vector.broadcast %ge3A_640 : i32 to vector<16xi32>
        %ge3A_642 = arith.cmpi sge, %get3A_639, %ge3A_641 : vector<16xi32>
        %add3A_643 = arith.constant 624 : i32
        %add3A_644 = vector.broadcast %add3A_643 : i32 to vector<16xi32>
        %add3A_645 = arith.addi %iota3A, %add3A_644 : vector<16xi32>
        tpu.vector_store_idx %arg7[%add3A_286, %get3A_639], %add3A_645 masked %ge3A_642 : memref<8x1000xi32, #tpu.memory_space<vmem>>[vector<16xi32>, vector<16xi32>], vector<16xi32>, vector<16xi1>
        %get3A_646 = arith.index_cast %scan3A_93 : i32 to index
        %get3A_647 = arith.constant 640 : index
        %get3A_648 = tpu.vector_load %arg5[%get3A_646, %get3A_647] {strides = array<i32>} : memref<8x1000xi32, #tpu.memory_space<vmem>>, vector<16xi32>,
        %ge3A_649 = arith.constant 0 : i32
        %ge3A_650 = vector.broadcast %ge3A_649 : i32 to vector<16xi32>
        %ge3A_651 = arith.cmpi sge, %get3A_648, %ge3A_650 : vector<16xi32>
        %add3A_652 = arith.constant 640 : i32
        %add3A_653 = vector.broadcast %add3A_652 : i32 to vector<16xi32>
        %add3A_654 = arith.addi %iota3A, %add3A_653 : vector<16xi32>
        tpu.vector_store_idx %arg7[%add3A_286, %get3A_648], %add3A_654 masked %ge3A_651 : memref<8x1000xi32, #tpu.memory_space<vmem>>[vector<16xi32>, vector<16xi32>], vector<16xi32>, vector<16xi1>
        %get3A_655 = arith.index_cast %scan3A_93 : i32 to index
        %get3A_656 = arith.constant 656 : index
        %get3A_657 = tpu.vector_load %arg5[%get3A_655, %get3A_656] {strides = array<i32>} : memref<8x1000xi32, #tpu.memory_space<vmem>>, vector<16xi32>,
        %ge3A_658 = arith.constant 0 : i32
        %ge3A_659 = vector.broadcast %ge3A_658 : i32 to vector<16xi32>
        %ge3A_660 = arith.cmpi sge, %get3A_657, %ge3A_659 : vector<16xi32>
        %add3A_661 = arith.constant 656 : i32
        %add3A_662 = vector.broadcast %add3A_661 : i32 to vector<16xi32>
        %add3A_663 = arith.addi %iota3A, %add3A_662 : vector<16xi32>
        tpu.vector_store_idx %arg7[%add3A_286, %get3A_657], %add3A_663 masked %ge3A_660 : memref<8x1000xi32, #tpu.memory_space<vmem>>[vector<16xi32>, vector<16xi32>], vector<16xi32>, vector<16xi1>
        %get3A_664 = arith.index_cast %scan3A_93 : i32 to index
        %get3A_665 = arith.constant 672 : index
        %get3A_666 = tpu.vector_load %arg5[%get3A_664, %get3A_665] {strides = array<i32>} : memref<8x1000xi32, #tpu.memory_space<vmem>>, vector<16xi32>,
        %ge3A_667 = arith.constant 0 : i32
        %ge3A_668 = vector.broadcast %ge3A_667 : i32 to vector<16xi32>
        %ge3A_669 = arith.cmpi sge, %get3A_666, %ge3A_668 : vector<16xi32>
        %add3A_670 = arith.constant 672 : i32
        %add3A_671 = vector.broadcast %add3A_670 : i32 to vector<16xi32>
        %add3A_672 = arith.addi %iota3A, %add3A_671 : vector<16xi32>
        tpu.vector_store_idx %arg7[%add3A_286, %get3A_666], %add3A_672 masked %ge3A_669 : memref<8x1000xi32, #tpu.memory_space<vmem>>[vector<16xi32>, vector<16xi32>], vector<16xi32>, vector<16xi1>
        %get3A_673 = arith.index_cast %scan3A_93 : i32 to index
        %get3A_674 = arith.constant 688 : index
        %get3A_675 = tpu.vector_load %arg5[%get3A_673, %get3A_674] {strides = array<i32>} : memref<8x1000xi32, #tpu.memory_space<vmem>>, vector<16xi32>,
        %ge3A_676 = arith.constant 0 : i32
        %ge3A_677 = vector.broadcast %ge3A_676 : i32 to vector<16xi32>
        %ge3A_678 = arith.cmpi sge, %get3A_675, %ge3A_677 : vector<16xi32>
        %add3A_679 = arith.constant 688 : i32
        %add3A_680 = vector.broadcast %add3A_679 : i32 to vector<16xi32>
        %add3A_681 = arith.addi %iota3A, %add3A_680 : vector<16xi32>
        tpu.vector_store_idx %arg7[%add3A_286, %get3A_675], %add3A_681 masked %ge3A_678 : memref<8x1000xi32, #tpu.memory_space<vmem>>[vector<16xi32>, vector<16xi32>], vector<16xi32>, vector<16xi1>
        %get3A_682 = arith.index_cast %scan3A_93 : i32 to index
        %get3A_683 = arith.constant 704 : index
        %get3A_684 = tpu.vector_load %arg5[%get3A_682, %get3A_683] {strides = array<i32>} : memref<8x1000xi32, #tpu.memory_space<vmem>>, vector<16xi32>,
        %ge3A_685 = arith.constant 0 : i32
        %ge3A_686 = vector.broadcast %ge3A_685 : i32 to vector<16xi32>
        %ge3A_687 = arith.cmpi sge, %get3A_684, %ge3A_686 : vector<16xi32>
        %add3A_688 = arith.constant 704 : i32
        %add3A_689 = vector.broadcast %add3A_688 : i32 to vector<16xi32>
        %add3A_690 = arith.addi %iota3A, %add3A_689 : vector<16xi32>
        tpu.vector_store_idx %arg7[%add3A_286, %get3A_684], %add3A_690 masked %ge3A_687 : memref<8x1000xi32, #tpu.memory_space<vmem>>[vector<16xi32>, vector<16xi32>], vector<16xi32>, vector<16xi1>
        %get3A_691 = arith.index_cast %scan3A_93 : i32 to index
        %get3A_692 = arith.constant 720 : index
        %get3A_693 = tpu.vector_load %arg5[%get3A_691, %get3A_692] {strides = array<i32>} : memref<8x1000xi32, #tpu.memory_space<vmem>>, vector<16xi32>,
        %ge3A_694 = arith.constant 0 : i32
        %ge3A_695 = vector.broadcast %ge3A_694 : i32 to vector<16xi32>
        %ge3A_696 = arith.cmpi sge, %get3A_693, %ge3A_695 : vector<16xi32>
        %add3A_697 = arith.constant 720 : i32
        %add3A_698 = vector.broadcast %add3A_697 : i32 to vector<16xi32>
        %add3A_699 = arith.addi %iota3A, %add3A_698 : vector<16xi32>
        tpu.vector_store_idx %arg7[%add3A_286, %get3A_693], %add3A_699 masked %ge3A_696 : memref<8x1000xi32, #tpu.memory_space<vmem>>[vector<16xi32>, vector<16xi32>], vector<16xi32>, vector<16xi1>
        %get3A_700 = arith.index_cast %scan3A_93 : i32 to index
        %get3A_701 = arith.constant 736 : index
        %get3A_702 = tpu.vector_load %arg5[%get3A_700, %get3A_701] {strides = array<i32>} : memref<8x1000xi32, #tpu.memory_space<vmem>>, vector<16xi32>,
        %ge3A_703 = arith.constant 0 : i32
        %ge3A_704 = vector.broadcast %ge3A_703 : i32 to vector<16xi32>
        %ge3A_705 = arith.cmpi sge, %get3A_702, %ge3A_704 : vector<16xi32>
        %add3A_706 = arith.constant 736 : i32
        %add3A_707 = vector.broadcast %add3A_706 : i32 to vector<16xi32>
        %add3A_708 = arith.addi %iota3A, %add3A_707 : vector<16xi32>
        tpu.vector_store_idx %arg7[%add3A_286, %get3A_702], %add3A_708 masked %ge3A_705 : memref<8x1000xi32, #tpu.memory_space<vmem>>[vector<16xi32>, vector<16xi32>], vector<16xi32>, vector<16xi1>
        %get3A_709 = arith.index_cast %scan3A_93 : i32 to index
        %get3A_710 = arith.constant 752 : index
        %get3A_711 = tpu.vector_load %arg5[%get3A_709, %get3A_710] {strides = array<i32>} : memref<8x1000xi32, #tpu.memory_space<vmem>>, vector<16xi32>,
        %ge3A_712 = arith.constant 0 : i32
        %ge3A_713 = vector.broadcast %ge3A_712 : i32 to vector<16xi32>
        %ge3A_714 = arith.cmpi sge, %get3A_711, %ge3A_713 : vector<16xi32>
        %add3A_715 = arith.constant 752 : i32
        %add3A_716 = vector.broadcast %add3A_715 : i32 to vector<16xi32>
        %add3A_717 = arith.addi %iota3A, %add3A_716 : vector<16xi32>
        tpu.vector_store_idx %arg7[%add3A_286, %get3A_711], %add3A_717 masked %ge3A_714 : memref<8x1000xi32, #tpu.memory_space<vmem>>[vector<16xi32>, vector<16xi32>], vector<16xi32>, vector<16xi1>
        %get3A_718 = arith.index_cast %scan3A_93 : i32 to index
        %get3A_719 = arith.constant 768 : index
        %get3A_720 = tpu.vector_load %arg5[%get3A_718, %get3A_719] {strides = array<i32>} : memref<8x1000xi32, #tpu.memory_space<vmem>>, vector<16xi32>,
        %ge3A_721 = arith.constant 0 : i32
        %ge3A_722 = vector.broadcast %ge3A_721 : i32 to vector<16xi32>
        %ge3A_723 = arith.cmpi sge, %get3A_720, %ge3A_722 : vector<16xi32>
        %add3A_724 = arith.constant 768 : i32
        %add3A_725 = vector.broadcast %add3A_724 : i32 to vector<16xi32>
        %add3A_726 = arith.addi %iota3A, %add3A_725 : vector<16xi32>
        tpu.vector_store_idx %arg7[%add3A_286, %get3A_720], %add3A_726 masked %ge3A_723 : memref<8x1000xi32, #tpu.memory_space<vmem>>[vector<16xi32>, vector<16xi32>], vector<16xi32>, vector<16xi1>
        %get3A_727 = arith.index_cast %scan3A_93 : i32 to index
        %get3A_728 = arith.constant 784 : index
        %get3A_729 = tpu.vector_load %arg5[%get3A_727, %get3A_728] {strides = array<i32>} : memref<8x1000xi32, #tpu.memory_space<vmem>>, vector<16xi32>,
        %ge3A_730 = arith.constant 0 : i32
        %ge3A_731 = vector.broadcast %ge3A_730 : i32 to vector<16xi32>
        %ge3A_732 = arith.cmpi sge, %get3A_729, %ge3A_731 : vector<16xi32>
        %add3A_733 = arith.constant 784 : i32
        %add3A_734 = vector.broadcast %add3A_733 : i32 to vector<16xi32>
        %add3A_735 = arith.addi %iota3A, %add3A_734 : vector<16xi32>
        tpu.vector_store_idx %arg7[%add3A_286, %get3A_729], %add3A_735 masked %ge3A_732 : memref<8x1000xi32, #tpu.memory_space<vmem>>[vector<16xi32>, vector<16xi32>], vector<16xi32>, vector<16xi1>
        %get3A_736 = arith.index_cast %scan3A_93 : i32 to index
        %get3A_737 = arith.constant 800 : index
        %get3A_738 = tpu.vector_load %arg5[%get3A_736, %get3A_737] {strides = array<i32>} : memref<8x1000xi32, #tpu.memory_space<vmem>>, vector<16xi32>,
        %ge3A_739 = arith.constant 0 : i32
        %ge3A_740 = vector.broadcast %ge3A_739 : i32 to vector<16xi32>
        %ge3A_741 = arith.cmpi sge, %get3A_738, %ge3A_740 : vector<16xi32>
        %add3A_742 = arith.constant 800 : i32
        %add3A_743 = vector.broadcast %add3A_742 : i32 to vector<16xi32>
        %add3A_744 = arith.addi %iota3A, %add3A_743 : vector<16xi32>
        tpu.vector_store_idx %arg7[%add3A_286, %get3A_738], %add3A_744 masked %ge3A_741 : memref<8x1000xi32, #tpu.memory_space<vmem>>[vector<16xi32>, vector<16xi32>], vector<16xi32>, vector<16xi1>
        %get3A_745 = arith.index_cast %scan3A_93 : i32 to index
        %get3A_746 = arith.constant 816 : index
        %get3A_747 = tpu.vector_load %arg5[%get3A_745, %get3A_746] {strides = array<i32>} : memref<8x1000xi32, #tpu.memory_space<vmem>>, vector<16xi32>,
        %ge3A_748 = arith.constant 0 : i32
        %ge3A_749 = vector.broadcast %ge3A_748 : i32 to vector<16xi32>
        %ge3A_750 = arith.cmpi sge, %get3A_747, %ge3A_749 : vector<16xi32>
        %add3A_751 = arith.constant 816 : i32
        %add3A_752 = vector.broadcast %add3A_751 : i32 to vector<16xi32>
        %add3A_753 = arith.addi %iota3A, %add3A_752 : vector<16xi32>
        tpu.vector_store_idx %arg7[%add3A_286, %get3A_747], %add3A_753 masked %ge3A_750 : memref<8x1000xi32, #tpu.memory_space<vmem>>[vector<16xi32>, vector<16xi32>], vector<16xi32>, vector<16xi1>
        %get3A_754 = arith.index_cast %scan3A_93 : i32 to index
        %get3A_755 = arith.constant 832 : index
        %get3A_756 = tpu.vector_load %arg5[%get3A_754, %get3A_755] {strides = array<i32>} : memref<8x1000xi32, #tpu.memory_space<vmem>>, vector<16xi32>,
        %ge3A_757 = arith.constant 0 : i32
        %ge3A_758 = vector.broadcast %ge3A_757 : i32 to vector<16xi32>
        %ge3A_759 = arith.cmpi sge, %get3A_756, %ge3A_758 : vector<16xi32>
        %add3A_760 = arith.constant 832 : i32
        %add3A_761 = vector.broadcast %add3A_760 : i32 to vector<16xi32>
        %add3A_762 = arith.addi %iota3A, %add3A_761 : vector<16xi32>
        tpu.vector_store_idx %arg7[%add3A_286, %get3A_756], %add3A_762 masked %ge3A_759 : memref<8x1000xi32, #tpu.memory_space<vmem>>[vector<16xi32>, vector<16xi32>], vector<16xi32>, vector<16xi1>
        %get3A_763 = arith.index_cast %scan3A_93 : i32 to index
        %get3A_764 = arith.constant 848 : index
        %get3A_765 = tpu.vector_load %arg5[%get3A_763, %get3A_764] {strides = array<i32>} : memref<8x1000xi32, #tpu.memory_space<vmem>>, vector<16xi32>,
        %ge3A_766 = arith.constant 0 : i32
        %ge3A_767 = vector.broadcast %ge3A_766 : i32 to vector<16xi32>
        %ge3A_768 = arith.cmpi sge, %get3A_765, %ge3A_767 : vector<16xi32>
        %add3A_769 = arith.constant 848 : i32
        %add3A_770 = vector.broadcast %add3A_769 : i32 to vector<16xi32>
        %add3A_771 = arith.addi %iota3A, %add3A_770 : vector<16xi32>
        tpu.vector_store_idx %arg7[%add3A_286, %get3A_765], %add3A_771 masked %ge3A_768 : memref<8x1000xi32, #tpu.memory_space<vmem>>[vector<16xi32>, vector<16xi32>], vector<16xi32>, vector<16xi1>
        %get3A_772 = arith.index_cast %scan3A_93 : i32 to index
        %get3A_773 = arith.constant 864 : index
        %get3A_774 = tpu.vector_load %arg5[%get3A_772, %get3A_773] {strides = array<i32>} : memref<8x1000xi32, #tpu.memory_space<vmem>>, vector<16xi32>,
        %ge3A_775 = arith.constant 0 : i32
        %ge3A_776 = vector.broadcast %ge3A_775 : i32 to vector<16xi32>
        %ge3A_777 = arith.cmpi sge, %get3A_774, %ge3A_776 : vector<16xi32>
        %add3A_778 = arith.constant 864 : i32
        %add3A_779 = vector.broadcast %add3A_778 : i32 to vector<16xi32>
        %add3A_780 = arith.addi %iota3A, %add3A_779 : vector<16xi32>
        tpu.vector_store_idx %arg7[%add3A_286, %get3A_774], %add3A_780 masked %ge3A_777 : memref<8x1000xi32, #tpu.memory_space<vmem>>[vector<16xi32>, vector<16xi32>], vector<16xi32>, vector<16xi1>
        %get3A_781 = arith.index_cast %scan3A_93 : i32 to index
        %get3A_782 = arith.constant 880 : index
        %get3A_783 = tpu.vector_load %arg5[%get3A_781, %get3A_782] {strides = array<i32>} : memref<8x1000xi32, #tpu.memory_space<vmem>>, vector<16xi32>,
        %ge3A_784 = arith.constant 0 : i32
        %ge3A_785 = vector.broadcast %ge3A_784 : i32 to vector<16xi32>
        %ge3A_786 = arith.cmpi sge, %get3A_783, %ge3A_785 : vector<16xi32>
        %add3A_787 = arith.constant 880 : i32
        %add3A_788 = vector.broadcast %add3A_787 : i32 to vector<16xi32>
        %add3A_789 = arith.addi %iota3A, %add3A_788 : vector<16xi32>
        tpu.vector_store_idx %arg7[%add3A_286, %get3A_783], %add3A_789 masked %ge3A_786 : memref<8x1000xi32, #tpu.memory_space<vmem>>[vector<16xi32>, vector<16xi32>], vector<16xi32>, vector<16xi1>
        %get3A_790 = arith.index_cast %scan3A_93 : i32 to index
        %get3A_791 = arith.constant 896 : index
        %get3A_792 = tpu.vector_load %arg5[%get3A_790, %get3A_791] {strides = array<i32>} : memref<8x1000xi32, #tpu.memory_space<vmem>>, vector<16xi32>,
        %ge3A_793 = arith.constant 0 : i32
        %ge3A_794 = vector.broadcast %ge3A_793 : i32 to vector<16xi32>
        %ge3A_795 = arith.cmpi sge, %get3A_792, %ge3A_794 : vector<16xi32>
        %add3A_796 = arith.constant 896 : i32
        %add3A_797 = vector.broadcast %add3A_796 : i32 to vector<16xi32>
        %add3A_798 = arith.addi %iota3A, %add3A_797 : vector<16xi32>
        tpu.vector_store_idx %arg7[%add3A_286, %get3A_792], %add3A_798 masked %ge3A_795 : memref<8x1000xi32, #tpu.memory_space<vmem>>[vector<16xi32>, vector<16xi32>], vector<16xi32>, vector<16xi1>
        %get3A_799 = arith.index_cast %scan3A_93 : i32 to index
        %get3A_800 = arith.constant 912 : index
        %get3A_801 = tpu.vector_load %arg5[%get3A_799, %get3A_800] {strides = array<i32>} : memref<8x1000xi32, #tpu.memory_space<vmem>>, vector<16xi32>,
        %ge3A_802 = arith.constant 0 : i32
        %ge3A_803 = vector.broadcast %ge3A_802 : i32 to vector<16xi32>
        %ge3A_804 = arith.cmpi sge, %get3A_801, %ge3A_803 : vector<16xi32>
        %add3A_805 = arith.constant 912 : i32
        %add3A_806 = vector.broadcast %add3A_805 : i32 to vector<16xi32>
        %add3A_807 = arith.addi %iota3A, %add3A_806 : vector<16xi32>
        tpu.vector_store_idx %arg7[%add3A_286, %get3A_801], %add3A_807 masked %ge3A_804 : memref<8x1000xi32, #tpu.memory_space<vmem>>[vector<16xi32>, vector<16xi32>], vector<16xi32>, vector<16xi1>
        %get3A_808 = arith.index_cast %scan3A_93 : i32 to index
        %get3A_809 = arith.constant 928 : index
        %get3A_810 = tpu.vector_load %arg5[%get3A_808, %get3A_809] {strides = array<i32>} : memref<8x1000xi32, #tpu.memory_space<vmem>>, vector<16xi32>,
        %ge3A_811 = arith.constant 0 : i32
        %ge3A_812 = vector.broadcast %ge3A_811 : i32 to vector<16xi32>
        %ge3A_813 = arith.cmpi sge, %get3A_810, %ge3A_812 : vector<16xi32>
        %add3A_814 = arith.constant 928 : i32
        %add3A_815 = vector.broadcast %add3A_814 : i32 to vector<16xi32>
        %add3A_816 = arith.addi %iota3A, %add3A_815 : vector<16xi32>
        tpu.vector_store_idx %arg7[%add3A_286, %get3A_810], %add3A_816 masked %ge3A_813 : memref<8x1000xi32, #tpu.memory_space<vmem>>[vector<16xi32>, vector<16xi32>], vector<16xi32>, vector<16xi1>
        %get3A_817 = arith.index_cast %scan3A_93 : i32 to index
        %get3A_818 = arith.constant 944 : index
        %get3A_819 = tpu.vector_load %arg5[%get3A_817, %get3A_818] {strides = array<i32>} : memref<8x1000xi32, #tpu.memory_space<vmem>>, vector<16xi32>,
        %ge3A_820 = arith.constant 0 : i32
        %ge3A_821 = vector.broadcast %ge3A_820 : i32 to vector<16xi32>
        %ge3A_822 = arith.cmpi sge, %get3A_819, %ge3A_821 : vector<16xi32>
        %add3A_823 = arith.constant 944 : i32
        %add3A_824 = vector.broadcast %add3A_823 : i32 to vector<16xi32>
        %add3A_825 = arith.addi %iota3A, %add3A_824 : vector<16xi32>
        tpu.vector_store_idx %arg7[%add3A_286, %get3A_819], %add3A_825 masked %ge3A_822 : memref<8x1000xi32, #tpu.memory_space<vmem>>[vector<16xi32>, vector<16xi32>], vector<16xi32>, vector<16xi1>
        %get3A_826 = arith.index_cast %scan3A_93 : i32 to index
        %get3A_827 = arith.constant 960 : index
        %get3A_828 = tpu.vector_load %arg5[%get3A_826, %get3A_827] {strides = array<i32>} : memref<8x1000xi32, #tpu.memory_space<vmem>>, vector<16xi32>,
        %ge3A_829 = arith.constant 0 : i32
        %ge3A_830 = vector.broadcast %ge3A_829 : i32 to vector<16xi32>
        %ge3A_831 = arith.cmpi sge, %get3A_828, %ge3A_830 : vector<16xi32>
        %add3A_832 = arith.constant 960 : i32
        %add3A_833 = vector.broadcast %add3A_832 : i32 to vector<16xi32>
        %add3A_834 = arith.addi %iota3A, %add3A_833 : vector<16xi32>
        tpu.vector_store_idx %arg7[%add3A_286, %get3A_828], %add3A_834 masked %ge3A_831 : memref<8x1000xi32, #tpu.memory_space<vmem>>[vector<16xi32>, vector<16xi32>], vector<16xi32>, vector<16xi1>
        %get3A_835 = arith.index_cast %scan3A_93 : i32 to index
        %get3A_836 = arith.constant 976 : index
        %get3A_837 = tpu.vector_load %arg5[%get3A_835, %get3A_836] {strides = array<i32>} : memref<8x1000xi32, #tpu.memory_space<vmem>>, vector<16xi32>,
        %ge3A_838 = arith.constant 0 : i32
        %ge3A_839 = vector.broadcast %ge3A_838 : i32 to vector<16xi32>
        %ge3A_840 = arith.cmpi sge, %get3A_837, %ge3A_839 : vector<16xi32>
        %add3A_841 = arith.constant 976 : i32
        %add3A_842 = vector.broadcast %add3A_841 : i32 to vector<16xi32>
        %add3A_843 = arith.addi %iota3A, %add3A_842 : vector<16xi32>
        tpu.vector_store_idx %arg7[%add3A_286, %get3A_837], %add3A_843 masked %ge3A_840 : memref<8x1000xi32, #tpu.memory_space<vmem>>[vector<16xi32>, vector<16xi32>], vector<16xi32>, vector<16xi1>
        %get3A_844 = arith.index_cast %scan3A_93 : i32 to index
        %get3A_845 = arith.constant 984 : index
        %get3A_846 = tpu.vector_load %arg5[%get3A_844, %get3A_845] {strides = array<i32>} : memref<8x1000xi32, #tpu.memory_space<vmem>>, vector<16xi32>,
        %ge3A_847 = arith.constant 0 : i32
        %ge3A_848 = vector.broadcast %ge3A_847 : i32 to vector<16xi32>
        %ge3A_849 = arith.cmpi sge, %get3A_846, %ge3A_848 : vector<16xi32>
        %ge3A_850 = arith.constant 8 : i32
        %ge3A_851 = vector.broadcast %ge3A_850 : i32 to vector<16xi32>
        %ge3A_852 = arith.cmpi sge, %iota3A, %ge3A_851 : vector<16xi32>
        %and3A = arith.andi %ge3A_849, %ge3A_852 : vector<16xi1>
        %add3A_853 = arith.constant 984 : i32
        %add3A_854 = vector.broadcast %add3A_853 : i32 to vector<16xi32>
        %add3A_855 = arith.addi %iota3A, %add3A_854 : vector<16xi32>
        tpu.vector_store_idx %arg7[%add3A_286, %get3A_846], %add3A_855 masked %and3A : memref<8x1000xi32, #tpu.memory_space<vmem>>[vector<16xi32>, vector<16xi32>], vector<16xi32>, vector<16xi1>
      }
      %scan3A_81 = arith.constant 8 : i32
      %dma_start3A_82 = arith.constant 0 : i32
      %dma_start3A_83 = tpu.memref_slice %arg3[%add3A_66, %dma_start3A_82] : memref<4096x1000xi32, #tpu.memory_space<hbm>> -> memref<8x1000xi32, #tpu.memory_space<hbm>>
      %dma_start3A_84 = arith.constant 0 : i32
      %dma_start3A_85 = tpu.memref_slice %arg3[%add3A_66, %dma_start3A_84] : memref<4096x1000xi32, #tpu.memory_space<hbm>> -> memref<8x1000xi32, #tpu.memory_space<hbm>>
      tpu.enqueue_dma source(%arg7 : memref<8x1000xi32, #tpu.memory_space<vmem>>) target(%dma_start3A_85 : memref<8x1000xi32, #tpu.memory_space<hbm>>) target_semaphore(%arg11 : memref<!tpu.dma_semaphore, #tpu.memory_space<semaphore_mem>>)
      %add3A_86 = arith.constant 2 : i32
      %add3A_87 = arith.addi %add3A_63, %add3A_86 : i32
      %lt3A_88 = arith.constant 16 : i32
      %lt3A_89 = arith.cmpi slt, %add3A_87, %lt3A_88 : i32
      %convert_element_type3A_90 = arith.extui %lt3A_89 : i1 to i32
      %cond3A_91 = arith.constant 0 : i32
      %cond3A_92 = arith.cmpi ne, %convert_element_type3A_90, %cond3A_91 : i32
      scf.if %cond3A_92 {
        %add3A_93 = arith.constant 16 : i32
        %add3A_94 = arith.addi %add3A_66, %add3A_93 : i32
        %dma_start3A_95 = arith.constant 0 : i32
        %dma_start3A_96 = tpu.memref_slice %arg2[%add3A_94, %dma_start3A_95] : memref<4096x1000xi32, #tpu.memory_space<hbm>> -> memref<8x1000xi32, #tpu.memory_space<hbm>>
        %dma_start3A_97 = arith.constant 0 : i32
        %dma_start3A_98 = tpu.memref_slice %arg2[%add3A_94, %dma_start3A_97] : memref<4096x1000xi32, #tpu.memory_space<hbm>> -> memref<8x1000xi32, #tpu.memory_space<hbm>>
        tpu.enqueue_dma source(%dma_start3A_98 : memref<8x1000xi32, #tpu.memory_space<hbm>>) target(%arg5 : memref<8x1000xi32, #tpu.memory_space<vmem>>) target_semaphore(%arg9 : memref<!tpu.dma_semaphore, #tpu.memory_space<semaphore_mem>>)
      } else {
      }
    }
    %scan3A_18 = arith.constant 8 : i32
    %add3A_19 = arith.constant 112 : i32
    %add3A_20 = arith.addi %mul3A_2, %add3A_19 : i32
    %dma_wait3A = arith.constant 0 : i32
    %dma_wait3A_21 = tpu.memref_slice %arg3[%add3A_20, %dma_wait3A] : memref<4096x1000xi32, #tpu.memory_space<hbm>> -> memref<8x1000xi32, #tpu.memory_space<hbm>>
    %dma_wait3A_22 = arith.constant 0 : i32
    %dma_wait3A_23 = tpu.memref_slice %arg3[%add3A_20, %dma_wait3A_22] : memref<4096x1000xi32, #tpu.memory_space<hbm>> -> memref<8x1000xi32, #tpu.memory_space<hbm>>
    tpu.wait_dma2 semaphore(%arg10 : memref<!tpu.dma_semaphore, #tpu.memory_space<semaphore_mem>>) src(%arg6 : memref<8x1000xi32, #tpu.memory_space<vmem>>) dst(%dma_wait3A_23 : memref<8x1000xi32, #tpu.memory_space<hbm>>)
    %add3A_24 = arith.constant 120 : i32
    %add3A_25 = arith.addi %mul3A_2, %add3A_24 : i32
    %dma_wait3A_26 = arith.constant 0 : i32
    %dma_wait3A_27 = tpu.memref_slice %arg3[%add3A_25, %dma_wait3A_26] : memref<4096x1000xi32, #tpu.memory_space<hbm>> -> memref<8x1000xi32, #tpu.memory_space<hbm>>
    %dma_wait3A_28 = arith.constant 0 : i32
    %dma_wait3A_29 = tpu.memref_slice %arg3[%add3A_25, %dma_wait3A_28] : memref<4096x1000xi32, #tpu.memory_space<hbm>> -> memref<8x1000xi32, #tpu.memory_space<hbm>>
    tpu.wait_dma2 semaphore(%arg11 : memref<!tpu.dma_semaphore, #tpu.memory_space<semaphore_mem>>) src(%arg7 : memref<8x1000xi32, #tpu.memory_space<vmem>>) dst(%dma_wait3A_29 : memref<8x1000xi32, #tpu.memory_space<hbm>>)
    return
  }
}

module attributes {stable_mosaic.version = 14 : i64} {
  func.func @_tc_pos_body(%arg0: i32, %arg1: memref<256x1000xf32, #tpu.memory_space<vmem>>, %arg2: memref<256x1000xi32, #tpu.memory_space<vmem>>) attributes {dimension_semantics = [#tpu.dimension_semantics<arbitrary>], iteration_bounds = array<i64: 16>, scalar_prefetch = 0 : i64, scratch_operands = 0 : i64, tpu.core_type = #tpu.core_type<tc>, window_params = [{transform_indices = @transform_0, window_bounds = array<i64: 256, 1000>}, {transform_indices = @transform_1, window_bounds = array<i64: 256, 1000>}]} {
    %broadcast_in_dim3A = arith.constant 0.000000e+00 : f32
    %broadcast_in_dim3A_0 = vector.broadcast %broadcast_in_dim3A : f32 to vector<256x1xf32>
    %get3A = arith.constant 0 : index
    %get3A_1 = arith.constant 0 : index
    %get3A_2 = vector.load %arg1[%get3A, %get3A_1] : memref<256x1000xf32, #tpu.memory_space<vmem>>, vector<256x128xf32>
    %ge3A = arith.constant 5.000000e-01 : f32
    %ge3A_3 = vector.broadcast %ge3A : f32 to vector<256x128xf32>
    %ge3A_4 = arith.cmpf oge, %get3A_2, %ge3A_3 : vector<256x128xf32>
    %convert_element_type3A = arith.extui %ge3A_4 : vector<256x128xi1> to vector<256x128xi32>
    %convert_element_type3A_5 = arith.sitofp %convert_element_type3A : vector<256x128xi32> to vector<256x128xf32>
    %convert_element_type3A_6 = arith.truncf %convert_element_type3A_5 : vector<256x128xf32> to vector<256x128xbf16>
    %iota3A = tpu.iota {dimensions = array<i32: 0>} : vector<128x128xi32>
    %iota3A_7 = tpu.iota {dimensions = array<i32: 1>} : vector<128x128xi32>
    %le3A = arith.cmpi sle, %iota3A, %iota3A_7 : vector<128x128xi32>
    %convert_element_type3A_8 = arith.extui %le3A : vector<128x128xi1> to vector<128x128xi32>
    %convert_element_type3A_9 = arith.sitofp %convert_element_type3A_8 : vector<128x128xi32> to vector<128x128xf32>
    %convert_element_type3A_10 = arith.truncf %convert_element_type3A_9 : vector<128x128xf32> to vector<128x128xbf16>
    %dot_general3A = arith.constant dense<0.000000e+00> : vector<256x128xf32>
    %dot_general3A_11 = tpu.matmul %convert_element_type3A_6, %convert_element_type3A_10, %dot_general3A {dimension_numbers = #tpu.dot_dimension_numbers<[1], [0], [0], [1], [0, 0, 1, 1], [], []>, transpose_lhs_hint = false} : vector<256x128xbf16>, vector<128x128xbf16>, vector<256x128xf32> -> vector<256x128xf32>
    %add3A = vector.broadcast %broadcast_in_dim3A_0 : vector<256x1xf32> to vector<256x128xf32>
    %add3A_12 = arith.addf %dot_general3A_11, %add3A : vector<256x128xf32>
    %convert_element_type3A_13 = arith.fptosi %add3A_12 : vector<256x128xf32> to vector<256x128xi32>
    %sub3A = arith.constant 1 : i32
    %sub3A_14 = vector.broadcast %sub3A : i32 to vector<256x128xi32>
    %sub3A_15 = arith.subi %convert_element_type3A_13, %sub3A_14 : vector<256x128xi32>
    %jit3A = arith.constant -1 : i32
    %broadcast_in_dim3A_16 = vector.broadcast %jit3A : i32 to vector<256x128xi32>
    %select_n3A = arith.select %ge3A_4, %sub3A_15, %broadcast_in_dim3A_16 : vector<256x128xi1>, vector<256x128xi32>
    %swap3A = arith.constant 0 : index
    %swap3A_17 = arith.constant 0 : index
    %swap3A_18 = vector.load %arg2[%swap3A, %swap3A_17] : memref<256x1000xi32, #tpu.memory_space<vmem>>, vector<256x128xi32>
    tpu.vector_store %arg2[%swap3A, %swap3A_17], %select_n3A {strides = array<i32>} : memref<256x1000xi32, #tpu.memory_space<vmem>>, vector<256x128xi32>,
    %slice3A = vector.extract_strided_slice %dot_general3A_11 {offsets = [0, 127], sizes = [256, 1], strides = [1, 1]} : vector<256x128xf32> to vector<256x1xf32>
    %add3A_19 = arith.addf %broadcast_in_dim3A_0, %slice3A : vector<256x1xf32>
    %get3A_20 = arith.constant 0 : index
    %get3A_21 = arith.constant 128 : index
    %get3A_22 = vector.load %arg1[%get3A_20, %get3A_21] : memref<256x1000xf32, #tpu.memory_space<vmem>>, vector<256x128xf32>
    %ge3A_23 = arith.constant 5.000000e-01 : f32
    %ge3A_24 = vector.broadcast %ge3A_23 : f32 to vector<256x128xf32>
    %ge3A_25 = arith.cmpf oge, %get3A_22, %ge3A_24 : vector<256x128xf32>
    %convert_element_type3A_26 = arith.extui %ge3A_25 : vector<256x128xi1> to vector<256x128xi32>
    %convert_element_type3A_27 = arith.sitofp %convert_element_type3A_26 : vector<256x128xi32> to vector<256x128xf32>
    %convert_element_type3A_28 = arith.truncf %convert_element_type3A_27 : vector<256x128xf32> to vector<256x128xbf16>
    %iota3A_29 = tpu.iota {dimensions = array<i32: 0>} : vector<128x128xi32>
    %iota3A_30 = tpu.iota {dimensions = array<i32: 1>} : vector<128x128xi32>
    %le3A_31 = arith.cmpi sle, %iota3A_29, %iota3A_30 : vector<128x128xi32>
    %convert_element_type3A_32 = arith.extui %le3A_31 : vector<128x128xi1> to vector<128x128xi32>
    %convert_element_type3A_33 = arith.sitofp %convert_element_type3A_32 : vector<128x128xi32> to vector<128x128xf32>
    %convert_element_type3A_34 = arith.truncf %convert_element_type3A_33 : vector<128x128xf32> to vector<128x128xbf16>
    %dot_general3A_35 = arith.constant dense<0.000000e+00> : vector<256x128xf32>
    %dot_general3A_36 = tpu.matmul %convert_element_type3A_28, %convert_element_type3A_34, %dot_general3A_35 {dimension_numbers = #tpu.dot_dimension_numbers<[1], [0], [0], [1], [0, 0, 1, 1], [], []>, transpose_lhs_hint = false} : vector<256x128xbf16>, vector<128x128xbf16>, vector<256x128xf32> -> vector<256x128xf32>
    %add3A_37 = vector.broadcast %add3A_19 : vector<256x1xf32> to vector<256x128xf32>
    %add3A_38 = arith.addf %dot_general3A_36, %add3A_37 : vector<256x128xf32>
    %convert_element_type3A_39 = arith.fptosi %add3A_38 : vector<256x128xf32> to vector<256x128xi32>
    %sub3A_40 = arith.constant 1 : i32
    %sub3A_41 = vector.broadcast %sub3A_40 : i32 to vector<256x128xi32>
    %sub3A_42 = arith.subi %convert_element_type3A_39, %sub3A_41 : vector<256x128xi32>
    %jit3A_43 = arith.constant -1 : i32
    %broadcast_in_dim3A_44 = vector.broadcast %jit3A_43 : i32 to vector<256x128xi32>
    %select_n3A_45 = arith.select %ge3A_25, %sub3A_42, %broadcast_in_dim3A_44 : vector<256x128xi1>, vector<256x128xi32>
    %swap3A_46 = arith.constant 0 : index
    %swap3A_47 = arith.constant 128 : index
    %swap3A_48 = vector.load %arg2[%swap3A_46, %swap3A_47] : memref<256x1000xi32, #tpu.memory_space<vmem>>, vector<256x128xi32>
    tpu.vector_store %arg2[%swap3A_46, %swap3A_47], %select_n3A_45 {strides = array<i32>} : memref<256x1000xi32, #tpu.memory_space<vmem>>, vector<256x128xi32>,
    %slice3A_49 = vector.extract_strided_slice %dot_general3A_36 {offsets = [0, 127], sizes = [256, 1], strides = [1, 1]} : vector<256x128xf32> to vector<256x1xf32>
    %add3A_50 = arith.addf %add3A_19, %slice3A_49 : vector<256x1xf32>
    %get3A_51 = arith.constant 0 : index
    %get3A_52 = arith.constant 256 : index
    %get3A_53 = vector.load %arg1[%get3A_51, %get3A_52] : memref<256x1000xf32, #tpu.memory_space<vmem>>, vector<256x128xf32>
    %ge3A_54 = arith.constant 5.000000e-01 : f32
    %ge3A_55 = vector.broadcast %ge3A_54 : f32 to vector<256x128xf32>
    %ge3A_56 = arith.cmpf oge, %get3A_53, %ge3A_55 : vector<256x128xf32>
    %convert_element_type3A_57 = arith.extui %ge3A_56 : vector<256x128xi1> to vector<256x128xi32>
    %convert_element_type3A_58 = arith.sitofp %convert_element_type3A_57 : vector<256x128xi32> to vector<256x128xf32>
    %convert_element_type3A_59 = arith.truncf %convert_element_type3A_58 : vector<256x128xf32> to vector<256x128xbf16>
    %iota3A_60 = tpu.iota {dimensions = array<i32: 0>} : vector<128x128xi32>
    %iota3A_61 = tpu.iota {dimensions = array<i32: 1>} : vector<128x128xi32>
    %le3A_62 = arith.cmpi sle, %iota3A_60, %iota3A_61 : vector<128x128xi32>
    %convert_element_type3A_63 = arith.extui %le3A_62 : vector<128x128xi1> to vector<128x128xi32>
    %convert_element_type3A_64 = arith.sitofp %convert_element_type3A_63 : vector<128x128xi32> to vector<128x128xf32>
    %convert_element_type3A_65 = arith.truncf %convert_element_type3A_64 : vector<128x128xf32> to vector<128x128xbf16>
    %dot_general3A_66 = arith.constant dense<0.000000e+00> : vector<256x128xf32>
    %dot_general3A_67 = tpu.matmul %convert_element_type3A_59, %convert_element_type3A_65, %dot_general3A_66 {dimension_numbers = #tpu.dot_dimension_numbers<[1], [0], [0], [1], [0, 0, 1, 1], [], []>, transpose_lhs_hint = false} : vector<256x128xbf16>, vector<128x128xbf16>, vector<256x128xf32> -> vector<256x128xf32>
    %add3A_68 = vector.broadcast %add3A_50 : vector<256x1xf32> to vector<256x128xf32>
    %add3A_69 = arith.addf %dot_general3A_67, %add3A_68 : vector<256x128xf32>
    %convert_element_type3A_70 = arith.fptosi %add3A_69 : vector<256x128xf32> to vector<256x128xi32>
    %sub3A_71 = arith.constant 1 : i32
    %sub3A_72 = vector.broadcast %sub3A_71 : i32 to vector<256x128xi32>
    %sub3A_73 = arith.subi %convert_element_type3A_70, %sub3A_72 : vector<256x128xi32>
    %jit3A_74 = arith.constant -1 : i32
    %broadcast_in_dim3A_75 = vector.broadcast %jit3A_74 : i32 to vector<256x128xi32>
    %select_n3A_76 = arith.select %ge3A_56, %sub3A_73, %broadcast_in_dim3A_75 : vector<256x128xi1>, vector<256x128xi32>
    %swap3A_77 = arith.constant 0 : index
    %swap3A_78 = arith.constant 256 : index
    %swap3A_79 = vector.load %arg2[%swap3A_77, %swap3A_78] : memref<256x1000xi32, #tpu.memory_space<vmem>>, vector<256x128xi32>
    tpu.vector_store %arg2[%swap3A_77, %swap3A_78], %select_n3A_76 {strides = array<i32>} : memref<256x1000xi32, #tpu.memory_space<vmem>>, vector<256x128xi32>,
    %slice3A_80 = vector.extract_strided_slice %dot_general3A_67 {offsets = [0, 127], sizes = [256, 1], strides = [1, 1]} : vector<256x128xf32> to vector<256x1xf32>
    %add3A_81 = arith.addf %add3A_50, %slice3A_80 : vector<256x1xf32>
    %get3A_82 = arith.constant 0 : index
    %get3A_83 = arith.constant 384 : index
    %get3A_84 = vector.load %arg1[%get3A_82, %get3A_83] : memref<256x1000xf32, #tpu.memory_space<vmem>>, vector<256x128xf32>
    %ge3A_85 = arith.constant 5.000000e-01 : f32
    %ge3A_86 = vector.broadcast %ge3A_85 : f32 to vector<256x128xf32>
    %ge3A_87 = arith.cmpf oge, %get3A_84, %ge3A_86 : vector<256x128xf32>
    %convert_element_type3A_88 = arith.extui %ge3A_87 : vector<256x128xi1> to vector<256x128xi32>
    %convert_element_type3A_89 = arith.sitofp %convert_element_type3A_88 : vector<256x128xi32> to vector<256x128xf32>
    %convert_element_type3A_90 = arith.truncf %convert_element_type3A_89 : vector<256x128xf32> to vector<256x128xbf16>
    %iota3A_91 = tpu.iota {dimensions = array<i32: 0>} : vector<128x128xi32>
    %iota3A_92 = tpu.iota {dimensions = array<i32: 1>} : vector<128x128xi32>
    %le3A_93 = arith.cmpi sle, %iota3A_91, %iota3A_92 : vector<128x128xi32>
    %convert_element_type3A_94 = arith.extui %le3A_93 : vector<128x128xi1> to vector<128x128xi32>
    %convert_element_type3A_95 = arith.sitofp %convert_element_type3A_94 : vector<128x128xi32> to vector<128x128xf32>
    %convert_element_type3A_96 = arith.truncf %convert_element_type3A_95 : vector<128x128xf32> to vector<128x128xbf16>
    %dot_general3A_97 = arith.constant dense<0.000000e+00> : vector<256x128xf32>
    %dot_general3A_98 = tpu.matmul %convert_element_type3A_90, %convert_element_type3A_96, %dot_general3A_97 {dimension_numbers = #tpu.dot_dimension_numbers<[1], [0], [0], [1], [0, 0, 1, 1], [], []>, transpose_lhs_hint = false} : vector<256x128xbf16>, vector<128x128xbf16>, vector<256x128xf32> -> vector<256x128xf32>
    %add3A_99 = vector.broadcast %add3A_81 : vector<256x1xf32> to vector<256x128xf32>
    %add3A_100 = arith.addf %dot_general3A_98, %add3A_99 : vector<256x128xf32>
    %convert_element_type3A_101 = arith.fptosi %add3A_100 : vector<256x128xf32> to vector<256x128xi32>
    %sub3A_102 = arith.constant 1 : i32
    %sub3A_103 = vector.broadcast %sub3A_102 : i32 to vector<256x128xi32>
    %sub3A_104 = arith.subi %convert_element_type3A_101, %sub3A_103 : vector<256x128xi32>
    %jit3A_105 = arith.constant -1 : i32
    %broadcast_in_dim3A_106 = vector.broadcast %jit3A_105 : i32 to vector<256x128xi32>
    %select_n3A_107 = arith.select %ge3A_87, %sub3A_104, %broadcast_in_dim3A_106 : vector<256x128xi1>, vector<256x128xi32>
    %swap3A_108 = arith.constant 0 : index
    %swap3A_109 = arith.constant 384 : index
    %swap3A_110 = vector.load %arg2[%swap3A_108, %swap3A_109] : memref<256x1000xi32, #tpu.memory_space<vmem>>, vector<256x128xi32>
    tpu.vector_store %arg2[%swap3A_108, %swap3A_109], %select_n3A_107 {strides = array<i32>} : memref<256x1000xi32, #tpu.memory_space<vmem>>, vector<256x128xi32>,
    %slice3A_111 = vector.extract_strided_slice %dot_general3A_98 {offsets = [0, 127], sizes = [256, 1], strides = [1, 1]} : vector<256x128xf32> to vector<256x1xf32>
    %add3A_112 = arith.addf %add3A_81, %slice3A_111 : vector<256x1xf32>
    %get3A_113 = arith.constant 0 : index
    %get3A_114 = arith.constant 512 : index
    %get3A_115 = vector.load %arg1[%get3A_113, %get3A_114] : memref<256x1000xf32, #tpu.memory_space<vmem>>, vector<256x128xf32>
    %ge3A_116 = arith.constant 5.000000e-01 : f32
    %ge3A_117 = vector.broadcast %ge3A_116 : f32 to vector<256x128xf32>
    %ge3A_118 = arith.cmpf oge, %get3A_115, %ge3A_117 : vector<256x128xf32>
    %convert_element_type3A_119 = arith.extui %ge3A_118 : vector<256x128xi1> to vector<256x128xi32>
    %convert_element_type3A_120 = arith.sitofp %convert_element_type3A_119 : vector<256x128xi32> to vector<256x128xf32>
    %convert_element_type3A_121 = arith.truncf %convert_element_type3A_120 : vector<256x128xf32> to vector<256x128xbf16>
    %iota3A_122 = tpu.iota {dimensions = array<i32: 0>} : vector<128x128xi32>
    %iota3A_123 = tpu.iota {dimensions = array<i32: 1>} : vector<128x128xi32>
    %le3A_124 = arith.cmpi sle, %iota3A_122, %iota3A_123 : vector<128x128xi32>
    %convert_element_type3A_125 = arith.extui %le3A_124 : vector<128x128xi1> to vector<128x128xi32>
    %convert_element_type3A_126 = arith.sitofp %convert_element_type3A_125 : vector<128x128xi32> to vector<128x128xf32>
    %convert_element_type3A_127 = arith.truncf %convert_element_type3A_126 : vector<128x128xf32> to vector<128x128xbf16>
    %dot_general3A_128 = arith.constant dense<0.000000e+00> : vector<256x128xf32>
    %dot_general3A_129 = tpu.matmul %convert_element_type3A_121, %convert_element_type3A_127, %dot_general3A_128 {dimension_numbers = #tpu.dot_dimension_numbers<[1], [0], [0], [1], [0, 0, 1, 1], [], []>, transpose_lhs_hint = false} : vector<256x128xbf16>, vector<128x128xbf16>, vector<256x128xf32> -> vector<256x128xf32>
    %add3A_130 = vector.broadcast %add3A_112 : vector<256x1xf32> to vector<256x128xf32>
    %add3A_131 = arith.addf %dot_general3A_129, %add3A_130 : vector<256x128xf32>
    %convert_element_type3A_132 = arith.fptosi %add3A_131 : vector<256x128xf32> to vector<256x128xi32>
    %sub3A_133 = arith.constant 1 : i32
    %sub3A_134 = vector.broadcast %sub3A_133 : i32 to vector<256x128xi32>
    %sub3A_135 = arith.subi %convert_element_type3A_132, %sub3A_134 : vector<256x128xi32>
    %jit3A_136 = arith.constant -1 : i32
    %broadcast_in_dim3A_137 = vector.broadcast %jit3A_136 : i32 to vector<256x128xi32>
    %select_n3A_138 = arith.select %ge3A_118, %sub3A_135, %broadcast_in_dim3A_137 : vector<256x128xi1>, vector<256x128xi32>
    %swap3A_139 = arith.constant 0 : index
    %swap3A_140 = arith.constant 512 : index
    %swap3A_141 = vector.load %arg2[%swap3A_139, %swap3A_140] : memref<256x1000xi32, #tpu.memory_space<vmem>>, vector<256x128xi32>
    tpu.vector_store %arg2[%swap3A_139, %swap3A_140], %select_n3A_138 {strides = array<i32>} : memref<256x1000xi32, #tpu.memory_space<vmem>>, vector<256x128xi32>,
    %slice3A_142 = vector.extract_strided_slice %dot_general3A_129 {offsets = [0, 127], sizes = [256, 1], strides = [1, 1]} : vector<256x128xf32> to vector<256x1xf32>
    %add3A_143 = arith.addf %add3A_112, %slice3A_142 : vector<256x1xf32>
    %get3A_144 = arith.constant 0 : index
    %get3A_145 = arith.constant 640 : index
    %get3A_146 = vector.load %arg1[%get3A_144, %get3A_145] : memref<256x1000xf32, #tpu.memory_space<vmem>>, vector<256x128xf32>
    %ge3A_147 = arith.constant 5.000000e-01 : f32
    %ge3A_148 = vector.broadcast %ge3A_147 : f32 to vector<256x128xf32>
    %ge3A_149 = arith.cmpf oge, %get3A_146, %ge3A_148 : vector<256x128xf32>
    %convert_element_type3A_150 = arith.extui %ge3A_149 : vector<256x128xi1> to vector<256x128xi32>
    %convert_element_type3A_151 = arith.sitofp %convert_element_type3A_150 : vector<256x128xi32> to vector<256x128xf32>
    %convert_element_type3A_152 = arith.truncf %convert_element_type3A_151 : vector<256x128xf32> to vector<256x128xbf16>
    %iota3A_153 = tpu.iota {dimensions = array<i32: 0>} : vector<128x128xi32>
    %iota3A_154 = tpu.iota {dimensions = array<i32: 1>} : vector<128x128xi32>
    %le3A_155 = arith.cmpi sle, %iota3A_153, %iota3A_154 : vector<128x128xi32>
    %convert_element_type3A_156 = arith.extui %le3A_155 : vector<128x128xi1> to vector<128x128xi32>
    %convert_element_type3A_157 = arith.sitofp %convert_element_type3A_156 : vector<128x128xi32> to vector<128x128xf32>
    %convert_element_type3A_158 = arith.truncf %convert_element_type3A_157 : vector<128x128xf32> to vector<128x128xbf16>
    %dot_general3A_159 = arith.constant dense<0.000000e+00> : vector<256x128xf32>
    %dot_general3A_160 = tpu.matmul %convert_element_type3A_152, %convert_element_type3A_158, %dot_general3A_159 {dimension_numbers = #tpu.dot_dimension_numbers<[1], [0], [0], [1], [0, 0, 1, 1], [], []>, transpose_lhs_hint = false} : vector<256x128xbf16>, vector<128x128xbf16>, vector<256x128xf32> -> vector<256x128xf32>
    %add3A_161 = vector.broadcast %add3A_143 : vector<256x1xf32> to vector<256x128xf32>
    %add3A_162 = arith.addf %dot_general3A_160, %add3A_161 : vector<256x128xf32>
    %convert_element_type3A_163 = arith.fptosi %add3A_162 : vector<256x128xf32> to vector<256x128xi32>
    %sub3A_164 = arith.constant 1 : i32
    %sub3A_165 = vector.broadcast %sub3A_164 : i32 to vector<256x128xi32>
    %sub3A_166 = arith.subi %convert_element_type3A_163, %sub3A_165 : vector<256x128xi32>
    %jit3A_167 = arith.constant -1 : i32
    %broadcast_in_dim3A_168 = vector.broadcast %jit3A_167 : i32 to vector<256x128xi32>
    %select_n3A_169 = arith.select %ge3A_149, %sub3A_166, %broadcast_in_dim3A_168 : vector<256x128xi1>, vector<256x128xi32>
    %swap3A_170 = arith.constant 0 : index
    %swap3A_171 = arith.constant 640 : index
    %swap3A_172 = vector.load %arg2[%swap3A_170, %swap3A_171] : memref<256x1000xi32, #tpu.memory_space<vmem>>, vector<256x128xi32>
    tpu.vector_store %arg2[%swap3A_170, %swap3A_171], %select_n3A_169 {strides = array<i32>} : memref<256x1000xi32, #tpu.memory_space<vmem>>, vector<256x128xi32>,
    %slice3A_173 = vector.extract_strided_slice %dot_general3A_160 {offsets = [0, 127], sizes = [256, 1], strides = [1, 1]} : vector<256x128xf32> to vector<256x1xf32>
    %add3A_174 = arith.addf %add3A_143, %slice3A_173 : vector<256x1xf32>
    %get3A_175 = arith.constant 0 : index
    %get3A_176 = arith.constant 768 : index
    %get3A_177 = vector.load %arg1[%get3A_175, %get3A_176] : memref<256x1000xf32, #tpu.memory_space<vmem>>, vector<256x128xf32>
    %ge3A_178 = arith.constant 5.000000e-01 : f32
    %ge3A_179 = vector.broadcast %ge3A_178 : f32 to vector<256x128xf32>
    %ge3A_180 = arith.cmpf oge, %get3A_177, %ge3A_179 : vector<256x128xf32>
    %convert_element_type3A_181 = arith.extui %ge3A_180 : vector<256x128xi1> to vector<256x128xi32>
    %convert_element_type3A_182 = arith.sitofp %convert_element_type3A_181 : vector<256x128xi32> to vector<256x128xf32>
    %convert_element_type3A_183 = arith.truncf %convert_element_type3A_182 : vector<256x128xf32> to vector<256x128xbf16>
    %iota3A_184 = tpu.iota {dimensions = array<i32: 0>} : vector<128x128xi32>
    %iota3A_185 = tpu.iota {dimensions = array<i32: 1>} : vector<128x128xi32>
    %le3A_186 = arith.cmpi sle, %iota3A_184, %iota3A_185 : vector<128x128xi32>
    %convert_element_type3A_187 = arith.extui %le3A_186 : vector<128x128xi1> to vector<128x128xi32>
    %convert_element_type3A_188 = arith.sitofp %convert_element_type3A_187 : vector<128x128xi32> to vector<128x128xf32>
    %convert_element_type3A_189 = arith.truncf %convert_element_type3A_188 : vector<128x128xf32> to vector<128x128xbf16>
    %dot_general3A_190 = arith.constant dense<0.000000e+00> : vector<256x128xf32>
    %dot_general3A_191 = tpu.matmul %convert_element_type3A_183, %convert_element_type3A_189, %dot_general3A_190 {dimension_numbers = #tpu.dot_dimension_numbers<[1], [0], [0], [1], [0, 0, 1, 1], [], []>, transpose_lhs_hint = false} : vector<256x128xbf16>, vector<128x128xbf16>, vector<256x128xf32> -> vector<256x128xf32>
    %add3A_192 = vector.broadcast %add3A_174 : vector<256x1xf32> to vector<256x128xf32>
    %add3A_193 = arith.addf %dot_general3A_191, %add3A_192 : vector<256x128xf32>
    %convert_element_type3A_194 = arith.fptosi %add3A_193 : vector<256x128xf32> to vector<256x128xi32>
    %sub3A_195 = arith.constant 1 : i32
    %sub3A_196 = vector.broadcast %sub3A_195 : i32 to vector<256x128xi32>
    %sub3A_197 = arith.subi %convert_element_type3A_194, %sub3A_196 : vector<256x128xi32>
    %jit3A_198 = arith.constant -1 : i32
    %broadcast_in_dim3A_199 = vector.broadcast %jit3A_198 : i32 to vector<256x128xi32>
    %select_n3A_200 = arith.select %ge3A_180, %sub3A_197, %broadcast_in_dim3A_199 : vector<256x128xi1>, vector<256x128xi32>
    %swap3A_201 = arith.constant 0 : index
    %swap3A_202 = arith.constant 768 : index
    %swap3A_203 = vector.load %arg2[%swap3A_201, %swap3A_202] : memref<256x1000xi32, #tpu.memory_space<vmem>>, vector<256x128xi32>
    tpu.vector_store %arg2[%swap3A_201, %swap3A_202], %select_n3A_200 {strides = array<i32>} : memref<256x1000xi32, #tpu.memory_space<vmem>>, vector<256x128xi32>,
    %slice3A_204 = vector.extract_strided_slice %dot_general3A_191 {offsets = [0, 127], sizes = [256, 1], strides = [1, 1]} : vector<256x128xf32> to vector<256x1xf32>
    %add3A_205 = arith.addf %add3A_174, %slice3A_204 : vector<256x1xf32>
    %get3A_206 = arith.constant 0 : index
    %get3A_207 = arith.constant 896 : index
    %get3A_208 = vector.load %arg1[%get3A_206, %get3A_207] : memref<256x1000xf32, #tpu.memory_space<vmem>>, vector<256x104xf32>
    %ge3A_209 = arith.constant 5.000000e-01 : f32
    %ge3A_210 = vector.broadcast %ge3A_209 : f32 to vector<256x104xf32>
    %ge3A_211 = arith.cmpf oge, %get3A_208, %ge3A_210 : vector<256x104xf32>
    %convert_element_type3A_212 = arith.extui %ge3A_211 : vector<256x104xi1> to vector<256x104xi32>
    %convert_element_type3A_213 = arith.sitofp %convert_element_type3A_212 : vector<256x104xi32> to vector<256x104xf32>
    %convert_element_type3A_214 = arith.truncf %convert_element_type3A_213 : vector<256x104xf32> to vector<256x104xbf16>
    %iota3A_215 = tpu.iota {dimensions = array<i32: 0>} : vector<104x104xi32>
    %iota3A_216 = tpu.iota {dimensions = array<i32: 1>} : vector<104x104xi32>
    %le3A_217 = arith.cmpi sle, %iota3A_215, %iota3A_216 : vector<104x104xi32>
    %convert_element_type3A_218 = arith.extui %le3A_217 : vector<104x104xi1> to vector<104x104xi32>
    %convert_element_type3A_219 = arith.sitofp %convert_element_type3A_218 : vector<104x104xi32> to vector<104x104xf32>
    %convert_element_type3A_220 = arith.truncf %convert_element_type3A_219 : vector<104x104xf32> to vector<104x104xbf16>
    %dot_general3A_221 = arith.constant dense<0.000000e+00> : vector<256x104xf32>
    %dot_general3A_222 = tpu.matmul %convert_element_type3A_214, %convert_element_type3A_220, %dot_general3A_221 {dimension_numbers = #tpu.dot_dimension_numbers<[1], [0], [0], [1], [0, 0, 1, 1], [], []>, transpose_lhs_hint = false} : vector<256x104xbf16>, vector<104x104xbf16>, vector<256x104xf32> -> vector<256x104xf32>
    %add3A_223 = vector.broadcast %add3A_205 : vector<256x1xf32> to vector<256x104xf32>
    %add3A_224 = arith.addf %dot_general3A_222, %add3A_223 : vector<256x104xf32>
    %convert_element_type3A_225 = arith.fptosi %add3A_224 : vector<256x104xf32> to vector<256x104xi32>
    %sub3A_226 = arith.constant 1 : i32
    %sub3A_227 = vector.broadcast %sub3A_226 : i32 to vector<256x104xi32>
    %sub3A_228 = arith.subi %convert_element_type3A_225, %sub3A_227 : vector<256x104xi32>
    %jit3A_229 = arith.constant -1 : i32
    %broadcast_in_dim3A_230 = vector.broadcast %jit3A_229 : i32 to vector<256x104xi32>
    %select_n3A_231 = arith.select %ge3A_211, %sub3A_228, %broadcast_in_dim3A_230 : vector<256x104xi1>, vector<256x104xi32>
    %swap3A_232 = arith.constant 0 : index
    %swap3A_233 = arith.constant 896 : index
    %swap3A_234 = vector.load %arg2[%swap3A_232, %swap3A_233] : memref<256x1000xi32, #tpu.memory_space<vmem>>, vector<256x104xi32>
    tpu.vector_store %arg2[%swap3A_232, %swap3A_233], %select_n3A_231 {strides = array<i32>} : memref<256x1000xi32, #tpu.memory_space<vmem>>, vector<256x104xi32>,
    return
  }
  func.func @transform_0(%arg0: i32) -> (i32, i32) {
    %c0_i32 = arith.constant 0 : i32
    %c0_i32_0 = arith.constant 0 : i32
    return %arg0, %c0_i32 : i32, i32
  }
  func.func @transform_1(%arg0: i32) -> (i32, i32) {
    %c0_i32 = arith.constant 0 : i32
    %c0_i32_0 = arith.constant 0 : i32
    return %arg0, %c0_i32 : i32, i32
  }
}

</mosaic_0001>

<sc_bundles>
// kernel: kernel.4.cloned.1.call-start
scs
__scs_entry_jumppad:
0x0: {  	(pc) =	sbr.rel $0x88, $3  }
0x1: {  	(tag) =	ssettag $0x0;
	lr =	simm.s32 $0x1  }
0x2: {  	[smem:$0x3FA0] =	sst lr;
	_ =	strace $0xD0000000  }
0x3: {  	_ = 	snop  }
0x4: {  	_ = 	snop  }
0x5: {  	_ = 	snop  }
0x6: {  	_ = 	snop  }
0x7: {  	_ = 	snop  }
__scs_overlays_trampoline_lowered:
0x8: {  	[smem:$0x3FAF] =	sst s0  }
0x9: {  	[smem:$0x3FB0] =	sst s1  }
0xa: {  	[smem:$0x3FB1] =	sst s2  }
0xb: {  	[smem:$0x3FB2] =	sst s3  }
0xc: {  	[smem:$0x3FB3] =	sst s4  }
0xd: {  	[smem:$0x3FB4] =	sst s5  }
0xe: {  	[smem:$0x3FB5] =	sst s6  }
0xf: {  	[smem:$0x3FB6] =	sst s7  }
0x10: {  	[smem:$0x3FB7] =	sst s8  }
0x11: {  	[smem:$0x3FB8] =	sst s9;
	s0 =	simm.s32 @!p0 $0x0  }
0x12: {  	s1 =	sld [smem:$0x3F9E];
	s0 =	simm.s32 @p0 $0x1  }
0x13: {  	[smem:$0x3FB9] =	sst s0;
	s0 =	simm.s32 @!p1 $0x0  }
0x14: {  	s2 =	sld [smem:$0x3F9D];
	s0 =	simm.s32 @p1 $0x1  }
0x15: {  	[smem:$0x3FBA] =	sst s0;
	s0 =	simm.s32 @!p2 $0x0  }
0x16: {  	s3 =	sld [smem:$0x3FDB];
	s0 =	simm.s32 @p2 $0x1  }
0x17: {  	s4 =	simm.s32 $0x1BF5;
	[smem:$0x3FBC] =	sst s0  }
0x18: {  	s0 =	sld [smem:$0x3F9F];
	_ =	swait.ge [sflag:s4], $0x0  }
0x19: {  	s7 =	sld [smem:$0x3FA0]  }
0x1a: {  	s8 =	sadd.s32 $0xFFFFE003, lr  }
0x1b: {  	s9 =	sadd.s32 $0xFFFFFEF7, lr;
	s5 =	simm.s32 $0xFFFFFFFF;
	p2 =	slt.u32 s8, $0xFFFFF086  }
0x1c: {  	p1 =	slt.u32 s9, $0xF7A;
	s5 =	simm.s32 @!p2 $0x0  }
0x1d: {  	s5 =	simm.s32 @p1 $0x1;
	p0 =	seq.s32 s7, s2  }
0x1e: {  	s7 =	smul.u32 @!p0 $0xF7A, s2;
	p2 =	seq.s32 @!p0 s5, $0x0  }
0x1f: {  	s9 =	smul.u32 $0xF7A, s1;
	s8 =	simm.s32 @!p0 $0x1BF5;
	p2 =	por !p2, p0  }
0x20: {  	[sflag:s8] =	ssyncset.s32 @!p0 $0xFFFFF086;
	s6 =	sadd.s32 @!p0 s3, s7;
	s7 =	simm.s32 @!p0 $0x108  }
0x21: {  	s3 =	sadd.s32 s3, s9;
	s6 =	sadd.s32 @!p0 $0x88, s6;
	s7 =	simm.s32 @p2 $0x1082  }
0x22: {  	[simem:s7], [sflag:s8] =	dma.local @!p0 [hbm:s6], $0xF7A  }
0x23: {  	s9 =	sor.u32 $0xD0000000, s2;
	s6 =	simm.s32 $0x108;
	_ =	swait.ge @!p0 [sflag:s8], $0x0  }
0x24: {  	s3 =	sadd.s32 $0x88, s3;
	s6 =	simm.s32 @!p1 $0x1082;
	[sflag:s4] =	ssyncset.s32 $0xFFFFF086  }
0x25: {  	[simem:s6], [sflag:s4] =	dma.local [hbm:s3], $0xF7A  }
0x26: {  	[smem:$0x3FA0] =	sst s1;
	(tag) =	ssettag s2;
	_ =	strace s9  }
0x27: {  	s1 =	sld [smem:$0x3FB0]  }
0x28: {  	s2 =	sld [smem:$0x3FB1]  }
0x29: {  	s4 =	sld [smem:$0x3FB3]  }
0x2a: {  	p0 =	seq.s32 s5, $0x0;
	s5 =	sld [smem:$0x3FB4]  }
0x2b: {  	s6 =	sld [smem:$0x3FB5]  }
0x2c: {  	s7 =	sld [smem:$0x3FB6]  }
0x2d: {  	s3 =	simm.s32 $0x108;
	s8 =	sld [smem:$0x3FB7]  }
0x2e: {  	s3 =	simm.s32 @!p0 $0x1082;
	s9 =	sld [smem:$0x3FB8]  }
0x2f: {  	lr =	sadd.s32 s0, s3;
	s0 =	sld [smem:$0x3FAF]  }
0x30: {  	s3 =	sld [smem:$0x3FB2]  }
0x31: {  	[smem:$0x3FBB] =	sst s10  }
0x32: {  	s10 =	sld [smem:$0x3FB9];
	_ =	sdelay $0x3  }
0x33: {  	p0 =	seq.s32 s10, $0x1;
	s10 =	sld [smem:$0x3FBB];
	_ =	sdelay $0x3  }
0x34: {  	[smem:$0x3FBB] =	sst s10  }
0x35: {  	s10 =	sld [smem:$0x3FBA];
	_ =	sdelay $0x3  }
0x36: {  	p1 =	seq.s32 s10, $0x1;
	s10 =	sld [smem:$0x3FBB];
	_ =	sdelay $0x3  }
0x37: {  	[smem:$0x3FBB] =	sst s10  }
0x38: {  	s10 =	sld [smem:$0x3FBC]  }
0x39: {  	_ = 	snop;
	(pc) =	sbr.ind lr, $3  }
0x3a: {  	_ = 	snop  }
0x3b: {  	_ = 	snop  }
0x3c: {  	p2 =	seq.s32 s10, $0x1;
	s10 =	sld [smem:$0x3FBB]  }
0x3d: {  	_ =	shalt  }
0x3e: {  	_ =	shalt  }
0x3f: {  	_ =	shalt  }
0x40: {  	_ =	shalt  }
0x41: {  	_ =	shalt  }
0x42: {  	_ =	shalt  }
0x43: {  	_ =	shalt  }
0x44: {  	_ =	shalt  }
0x45: {  	_ =	shalt  }
0x46: {  	_ =	shalt  }
0x47: {  	_ =	shalt  }
0x48: {  	_ =	shalt  }
0x49: {  	_ =	shalt  }
0x4a: {  	_ =	shalt  }
0x4b: {  	_ =	shalt  }
0x4c: {  	_ =	shalt  }
0x4d: {  	_ =	shalt  }
0x4e: {  	_ =	shalt  }
0x4f: {  	_ =	shalt  }
0x50: {  	_ =	shalt  }
0x51: {  	_ =	shalt  }
0x52: {  	_ =	shalt  }
0x53: {  	_ =	shalt  }
0x54: {  	_ =	shalt  }
0x55: {  	_ =	shalt  }
0x56: {  	_ =	shalt  }
0x57: {  	_ =	shalt  }
0x58: {  	_ =	shalt  }
0x59: {  	_ =	shalt  }
0x5a: {  	_ =	shalt  }
0x5b: {  	_ =	shalt  }
0x5c: {  	_ =	shalt  }
0x5d: {  	_ =	shalt  }
0x5e: {  	_ =	shalt  }
0x5f: {  	_ =	shalt  }
0x60: {  	_ =	shalt  }
0x61: {  	_ =	shalt  }
0x62: {  	_ =	shalt  }
0x63: {  	_ =	shalt  }
0x64: {  	_ =	shalt  }
0x65: {  	_ =	shalt  }
0x66: {  	_ =	shalt  }
0x67: {  	_ =	shalt  }
0x68: {  	_ =	shalt  }
0x69: {  	_ =	shalt  }
0x6a: {  	_ =	shalt  }
0x6b: {  	_ =	shalt  }
0x6c: {  	_ =	shalt  }
0x6d: {  	_ =	shalt  }
0x6e: {  	_ =	shalt  }
0x6f: {  	_ =	shalt  }
0x70: {  	_ =	shalt  }
0x71: {  	_ =	shalt  }
0x72: {  	_ =	shalt  }
0x73: {  	_ =	shalt  }
0x74: {  	_ =	shalt  }
0x75: {  	_ =	shalt  }
0x76: {  	_ =	shalt  }
0x77: {  	_ =	shalt  }
0x78: {  	_ =	shalt  }
0x79: {  	_ =	shalt  }
0x7a: {  	_ =	shalt  }
0x7b: {  	_ =	shalt  }
0x7c: {  	_ =	shalt  }
0x7d: {  	_ =	shalt  }
0x7e: {  	_ =	shalt  }
0x7f: {  	_ =	shalt  }
0x80: {  	_ =	shalt  }
0x81: {  	_ =	shalt  }
0x82: {  	_ =	shalt  }
0x83: {  	_ =	shalt  }
0x84: {  	_ =	shalt  }
0x85: {  	_ =	shalt  }
0x86: {  	_ =	shalt  }
0x87: {  	_ =	shalt  }
.Lfunc_end0:
.L_simem_size_0:
called_computation_lowered:
.L_overlay_start_0:
0x88: {  	s2 =	sld [smem:$0x3FD9]  }
0x89: {  	s3 =	sld [smem:$0x3FFE];
	_ =	sdelay $0x1  }
0x8a: {  	s1 =	srdreg.scid  }
0x8b: {  	s0 =	sand.u32 $0x1, s1  }
0x8c: {  	s16 =	sshll.u32 s0, $0xA;
	s2 =	sadd.s32 s3, s2  }
0x8d: {  	s2 =	sadd.s32 s2, s16  }
0x8e: {  	[smem:$0x3FC7] =	sst s2  }
0x8f: {  	_ = 	snop  }
0x90: {  	(tm) =	ssettm $0x1  }
0x91: {  	s17 =	sld [smem:$0x3FFB];
	_ =	sdelay $0x3  }
0x92: {  	_ =	strace s17  }
0x93: {  	s2 =	sld [smem:$0x3FFC];
	_ =	sdelay $0x3  }
0x94: {  	_ =	strace s2  }
0x95: {  	s2 =	sld [smem:$0x3FFD];
	_ =	sdelay $0x3  }
0x96: {  	_ =	strace s2  }
0x97: {  	_ =	strace $0x8FFFFFFF  }
0x98: {  	s18 =	sld [smem:$0x3FDB];
	_ =	sdelay $0x1  }
0x99: {  	s19 =	simm.s32 $_scs_section_size  }
0x9a: {  	s4 =	simm.s32 $_size__tile_overlayer_lowered;
	s5 =	simm.s32 $_tile_overlayer_lowered  }
0x9b: {  	s22 =	simm.s32 $0x1BFF;
	s21 =	sshll.u32 s5, $0x1;
	s2 =	sadd.s32 s19, s18  }
0x9c: {  	s6 =	simm.s32 $0x0;
	s20 =	sshll.u32 s4, $0x1;
	s4 =	sadd.s32 s21, s2  }
0x9d: {  	[timem:s6], [sflag:s22] =	dma.local [hbm:s4], s20  }
0x9e: {  	_ =	swait.ge [sflag:s22], s20  }
0x9f: {  	s3 =	ssub.s32 $0x0, s20;
	[sflag:s22] =	ssyncset.done $0x0  }
0xa0: {  	[sflag:s22] =	ssyncadd.s32 s3;
	_ =	sdelay $0x1  }
0xa1: {  	s23 =	simm.s32 $0x1B8B  }
0xa2: {  	_ =	swait.ge [sflag:s23], $0x1  }
0xa3: {  	[sflag:s23] =	ssyncset.done $0x0  }
0xa4: {  	s25 =	simm.s32 $0x1B8E;
	s24 =	sld [smem:$0x3FFE];
	[sflag:s23] =	ssyncadd.s32 $0xFFFFFFFF  }
0xa5: {  	s26 =	simm.s32 $execute0_lowered;
	[smem:$0x3FD2] =	sst s25  }
0xa6: {  	s4 =	sshll.u32 s26, $0x1;
	_ =	strace $0x80000046;
	[dreg:$0x1] =	wrdreg $0xFFFFFFFF  }
0xa7: {  	s28 =	simm.s32 $_size_execute0_lowered;
	s2 =	sadd.s32 s2, s4;
	[dreg:$0x0] =	wrdreg $0x0  }
0xa8: {  	s4 =	sshll.u32 s28, $0x1;
	[dreg:$0x2] =	wrdreg s2  }
0xa9: {  	[dreg:$0x3] =	wrdreg s4  }
0xaa: {  	[dreg:$0x4] =	wrdreg $0xC0  }
0xab: {  	_ =	task [dreg:s6], $0x5FFFF  }
0xac: {  	[dreg:$0x1] =	wrdreg $0xFFFFFFFF  }
0xad: {  	[dreg:$0x0] =	wrdreg $0x60  }
0xae: {  	[dreg:$0x2] =	wrdreg s24  }
0xaf: {  	[dreg:$0x3] =	wrdreg $0x9  }
0xb0: {  	_ =	task.clear_ibuf [dreg:s6], $0x4FFFF;
	_ =	strace $0x90000046  }
0xb1: {  	s29 =	simm.s32 $0x9;
	_ =	strace $0x80000048  }
0xb2: {  	_ =	swait.ge [sflag:s29], $0x1  }
0xb3: {  	[sflag:s29] =	ssyncadd.s32 $0xFFFFFFFF  }
0xb4: {  	_ =	strace $0x90000048  }
0xb5: {  	_ =	sfence  }
0xb6: {  	s30 =	sld [smem:$0x0];
	_ =	sdelay $0x2  }
0xb7: {  	s31 =	sshll.u32 s1, $0xD;
	s1 =	sshrl.u32 s1, $0x2  }
0xb8: {  	s3 =	sand.u32 $0x4000, s31;
	s1 =	sadd.s32 s1, s30  }
0xb9: {  	s0 =	sor.u32 s3, s0;
	s1 =	sshll.u32 s1, $0x11  }
0xba: {  	s0 =	sor.u32 s1, s0  }
0xbb: {  	s0 =	sadd.s32 $0x8F2B, s0  }
0xbc: {  	[sflag:s0] =	ssyncadd.remote.s32 $0x1  }
0xbd: {  	_ =	sfence.sel $0xFFFF  }
0xbe: {  	[dreg:$0x0] =	wrdreg $0xFFFFFFFF;
	(pc) =	sbr.abs _section_cstart, $3  }
0xbf: {  	[dreg:$0x1] =	wrdreg $0xFFFFFFFF  }
0xc0: {  	_ =	task.clear_ibuf [dreg:s6], $0x2FFFF;
	_ =	strace $0x9FFFFFFF  }
0xc1: {  	(tm) =	ssettm $0x7FFFFFFF  }
tec
execute0_lowered:
.L_overlay_start_1:
0x0: {  	(tag) =	ssettag $0x1  }
0x1: {  	v1 =	vlaneseq.u32  }
0x2: {  	v2 =	vor.u32 $0x10, v1  }
0x3: {  	[tilespmem:$0x1FC40] =	vst v2;
	v2 =	vor.u32 $0x20, v1  }
0x4: {  	[tilespmem:$0x1FC50] =	vst v2;
	v2 =	vor.u32 $0x30, v1  }
0x5: {  	[tilespmem:$0x1FC60] =	vst v2;
	v2 =	vor.u32 $0x40, v1  }
0x6: {  	[tilespmem:$0x1FC70] =	vst v2;
	v2 =	vor.u32 $0x50, v1  }
0x7: {  	[tilespmem:$0x1FC80] =	vst v2;
	v2 =	vor.u32 $0x60, v1  }
0x8: {  	[tilespmem:$0x1FC90] =	vst v2;
	v2 =	vor.u32 $0x70, v1  }
0x9: {  	[tilespmem:$0x1FCA0] =	vst v2;
	v2 =	vor.u32 $0x80, v1  }
0xa: {  	[tilespmem:$0x1FCB0] =	vst v2;
	v2 =	vor.u32 $0x90, v1  }
0xb: {  	[tilespmem:$0x1FCC0] =	vst v2;
	v2 =	vor.u32 $0xA0, v1  }
0xc: {  	[tilespmem:$0x1FCD0] =	vst v2;
	v2 =	vor.u32 $0xB0, v1  }
0xd: {  	[tilespmem:$0x1FCE0] =	vst v2;
	v2 =	vor.u32 $0xC0, v1  }
0xe: {  	[tilespmem:$0x1FCF0] =	vst v2;
	v2 =	vor.u32 $0xD0, v1  }
0xf: {  	[tilespmem:$0x1FD00] =	vst v2;
	v2 =	vor.u32 $0xE0, v1  }
0x10: {  	[tilespmem:$0x1FD10] =	vst v2;
	v2 =	vor.u32 $0xF0, v1  }
0x11: {  	[tilespmem:$0x1FD20] =	vst v2;
	v2 =	vor.u32 $0x100, v1  }
0x12: {  	[tilespmem:$0x1FD30] =	vst v2;
	v2 =	vor.u32 $0x110, v1  }
0x13: {  	[tilespmem:$0x1FD40] =	vst v2;
	v2 =	vor.u32 $0x120, v1  }
0x14: {  	[tilespmem:$0x1FD50] =	vst v2;
	v2 =	vor.u32 $0x130, v1  }
0x15: {  	[tilespmem:$0x1FD60] =	vst v2;
	v2 =	vor.u32 $0x140, v1  }
0x16: {  	[tilespmem:$0x1FD70] =	vst v2;
	v2 =	vor.u32 $0x150, v1  }
0x17: {  	[tilespmem:$0x1FD80] =	vst v2;
	v2 =	vor.u32 $0x160, v1  }
0x18: {  	[tilespmem:$0x1FD90] =	vst v2;
	v2 =	vor.u32 $0x170, v1  }
0x19: {  	[tilespmem:$0x1FDA0] =	vst v2;
	v2 =	vor.u32 $0x180, v1  }
0x1a: {  	[tilespmem:$0x1FDB0] =	vst v2;
	v2 =	vor.u32 $0x190, v1  }
0x1b: {  	[tilespmem:$0x1FDC0] =	vst v2;
	v2 =	vor.u32 $0x1A0, v1  }
0x1c: {  	[tilespmem:$0x1FDD0] =	vst v2;
	v2 =	vor.u32 $0x1B0, v1  }
0x1d: {  	[tilespmem:$0x1FDE0] =	vst v2;
	v2 =	vor.u32 $0x1C0, v1  }
0x1e: {  	[tilespmem:$0x1FDF0] =	vst v2;
	v2 =	vor.u32 $0x1D0, v1  }
0x1f: {  	[tilespmem:$0x1FE00] =	vst v2;
	v2 =	vor.u32 $0x1E0, v1  }
0x20: {  	[tilespmem:$0x1FE10] =	vst v2;
	v2 =	vor.u32 $0x1F0, v1  }
0x21: {  	[tilespmem:$0x1FE20] =	vst v2;
	v2 =	vor.u32 $0x200, v1  }
0x22: {  	[tilespmem:$0x1FE30] =	vst v2;
	v2 =	vor.u32 $0x210, v1  }
0x23: {  	[tilespmem:$0x1FE40] =	vst v2;
	v2 =	vor.u32 $0x220, v1  }
0x24: {  	[tilespmem:$0x1FE50] =	vst v2;
	v2 =	vor.u32 $0x230, v1  }
0x25: {  	[tilespmem:$0x1FE60] =	vst v2;
	v2 =	vor.u32 $0x240, v1  }
0x26: {  	[tilespmem:$0x1FE70] =	vst v2;
	v2 =	vor.u32 $0x250, v1  }
0x27: {  	[tilespmem:$0x1FE80] =	vst v2;
	v2 =	vor.u32 $0x260, v1  }
0x28: {  	[tilespmem:$0x1FE90] =	vst v2;
	v2 =	vor.u32 $0x270, v1  }
0x29: {  	[tilespmem:$0x1FEA0] =	vst v2;
	v2 =	vor.u32 $0x280, v1  }
0x2a: {  	[tilespmem:$0x1FEB0] =	vst v2;
	v2 =	vor.u32 $0x290, v1  }
0x2b: {  	[tilespmem:$0x1FEC0] =	vst v2;
	v2 =	vor.u32 $0x2A0, v1  }
0x2c: {  	[tilespmem:$0x1FED0] =	vst v2;
	v2 =	vor.u32 $0x2B0, v1  }
0x2d: {  	[tilespmem:$0x1FEE0] =	vst v2;
	v2 =	vor.u32 $0x2C0, v1  }
0x2e: {  	s7 =	rddreg [dreg:$0x0];
	s1 =	simm.s32 $0x0;
	[tilespmem:$0x1FEF0] =	vst v2;
	v2 =	vor.u32 $0x2D0, v1  }
0x2f: {  	[smem:$0x7FF] =	sst s1;
	[tilespmem:$0x1FF00] =	vst v2;
	v2 =	vor.u32 $0x2E0, v1  }
0x30: {  	s0 =	rddreg [dreg:$0x1];
	_ =	strace $0x80000047;
	[tilespmem:$0x1FF10] =	vst v2;
	v2 =	vor.u32 $0x2F0, v1  }
0x31: {  	[tilespmem:$0x1FF20] =	vst v2;
	v2 =	vor.u32 $0x300, v1  }
0x32: {  	[tilespmem:$0x1FF30] =	vst v2;
	v2 =	vor.u32 $0x310, v1  }
0x33: {  	[tilespmem:$0x1FF40] =	vst v2;
	v2 =	vor.u32 $0x320, v1  }
0x34: {  	[tilespmem:$0x1FF50] =	vst v2;
	v2 =	vor.u32 $0x330, v1  }
0x35: {  	[tilespmem:$0x1FF60] =	vst v2;
	v2 =	vor.u32 $0x340, v1  }
0x36: {  	[tilespmem:$0x1FF70] =	vst v2;
	v2 =	vor.u32 $0x350, v1  }
0x37: {  	s3 =	srdreg.scid;
	s2 =	stileid.u32;
	s10 =	simm.s32 $0x1;
	[tilespmem:$0x1FF80] =	vst v2;
	v2 =	vor.u32 $0x360, v1  }
0x38: {  	s11 =	simm.s32 $0x4000;
	s12 =	simm.s32 $0x2;
	s13 =	simm.s32 $0x4;
	[tilespmem:$0x1FF90] =	vst v2;
	v2 =	vor.u32 $0x370, v1  }
0x39: {  	s14 =	simm.s32 $0x6000;
	s15 =	simm.s32 $0x3;
	s3 =	sand.u32 $0x1, s3;
	[tilespmem:$0x1FFA0] =	vst v2;
	v2 =	vor.u32 $0x380, v1  }
.Ltmp0:
0x3a: {  	s4 =	sshll.u32 s2, $0xF;
	s5 =	sshll.u32 s3, $0xE;
	[tilespmem:$0x1FFB0] =	vst v2;
	v2 =	vor.u32 $0x390, v1;
	(pc) =	sbr.rel .LBB2_1-.Ltmp0, $4  }
0x3b: {  	s16 =	simm.s32 $0x0;
	s6 =	ssub.s32 $0x2, s3;
	s3 =	sor.u32 s5, s4;
	[tilespmem:$0x1FFC0] =	vst v2;
	v2 =	vor.u32 $0x3A0, v1  }
0x3c: {  	s31 =	sshrl.u32 s6, $0x1;
	s4 =	sadd.s32 $0x80600, s7;
	s8 =	sadd.s32 s3, s7;
	[tilespmem:$0x1FFD0] =	vst v2;
	v2 =	vor.u32 $0x3B0, v1  }
0x3d: {  	v0 =	vimm.s32 $0xFFFFFFFF;
	s9 =	ssub.s32 s6, s31;
	s7 =	sadd.s32 $0xE00, s7;
	s5 =	sadd.s32 $0x600, s8;
	[tilespmem:$0x1FFE0] =	vst v2;
	v2 =	vor.u32 $0x3C0, v1  }
0x3e: {  	vm0 =	vcmask $0x3F20;
	v4 =	vor.u32 $0x3D0, v1;
	s6 =	sadd.s32 $0xA00, s8;
	s8 =	smax.u32 s9, $0x1;
	s9 =	simm.s32 $0x2000;
	v1 =	vadd.s32 $0x3D8, v1;
	[tilespmem:$0x1FFF0] =	vst v2  }
.LBB2_12:
0x3f: {  	s16 =	sadd.s32 $0x1, s16  }
0x40: {  	_ =	swait.ge [sflag:s15], $0x2000;
	p0 =	sne.s32 s16, s8  }
.Ltmp1:
0x41: {  	[sflag:s15] =	ssyncset.done $0x0;
	(pc) =	sbr.rel @!p0 .LBB2_13-.Ltmp1, $4  }
0x42: {  	[sflag:s15] =	ssyncadd.s32 $0xFFFFE000  }
0x43: {  	_ =	swait.ge [sflag:s13], $0x2000  }
0x44: {  	[sflag:s13] =	ssyncset.done $0x0  }
0x45: {  	[sflag:s13] =	ssyncadd.s32 $0xFFFFE000  }
.LBB2_1:
0x46: {  	[tilespmem:s1], [sflag:$0x1] =	stream.linear.gather [hbm4b:s5+s1], $0x2000, $0x38;
	[tilespmem:$0x8000] =	vst v63  }
0x47: {  	s17 =	simm.s32 $0x0  }
0x48: {  	[tilespmem:s9], [sflag:$0x2] =	stream.linear.gather [hbm4b:s6+s1], $0x2000, $0x38;
	[tilespmem:$0x8000] =	vst v63  }
.LBB2_2:
0x49: {  	_ =	swait.ge [sflag:s10], $0x2000  }
0x4a: {  	p0 =	seq.s32 s17, $0x0;
	[sflag:s10] =	ssyncset.done $0x0  }
0x4b: {  	s18 =	simm.s32 @!p0 $0x3;
	[sflag:s10] =	ssyncadd.s32 $0xFFFFE000  }
0x4c: {  	_ =	swait.ge @!p0 [sflag:s18], $0x2000  }
0x4d: {  	v8 =	vld [tilespmem:$0x1FC70]  }
0x4e: {  	v9 =	vld [tilespmem:$0x1FC80]  }
0x4f: {  	v10 =	vld [tilespmem:$0x1FC90]  }
0x50: {  	v11 =	vld [tilespmem:$0x1FCA0]  }
0x51: {  	v12 =	vld [tilespmem:$0x1FCB0]  }
0x52: {  	v13 =	vld [tilespmem:$0x1FCC0]  }
0x53: {  	v14 =	vld [tilespmem:$0x1FCD0]  }
0x54: {  	v15 =	vld [tilespmem:$0x1FCE0]  }
0x55: {  	v16 =	vld [tilespmem:$0x1FCF0]  }
0x56: {  	v17 =	vld [tilespmem:$0x1FD00]  }
0x57: {  	v18 =	vld [tilespmem:$0x1FD10]  }
0x58: {  	v19 =	vld [tilespmem:$0x1FD20]  }
0x59: {  	v20 =	vld [tilespmem:$0x1FD30]  }
0x5a: {  	v21 =	vld [tilespmem:$0x1FD40]  }
0x5b: {  	v22 =	vld [tilespmem:$0x1FD50]  }
0x5c: {  	v23 =	vld [tilespmem:$0x1FD60]  }
0x5d: {  	v24 =	vld [tilespmem:$0x1FD70]  }
0x5e: {  	v25 =	vld [tilespmem:$0x1FD80]  }
0x5f: {  	v26 =	vld [tilespmem:$0x1FD90]  }
0x60: {  	v27 =	vld [tilespmem:$0x1FDA0]  }
0x61: {  	v28 =	vld [tilespmem:$0x1FDB0]  }
0x62: {  	v29 =	vld [tilespmem:$0x1FDC0]  }
0x63: {  	v30 =	vld [tilespmem:$0x1FDD0]  }
0x64: {  	v31 =	vld [tilespmem:$0x1FDE0]  }
0x65: {  	v32 =	vld [tilespmem:$0x1FDF0]  }
0x66: {  	v33 =	vld [tilespmem:$0x1FE00]  }
0x67: {  	v34 =	vld [tilespmem:$0x1FE10]  }
0x68: {  	v35 =	vld [tilespmem:$0x1FE20]  }
0x69: {  	v36 =	vld [tilespmem:$0x1FE30]  }
0x6a: {  	v37 =	vld [tilespmem:$0x1FE40]  }
0x6b: {  	v38 =	vld [tilespmem:$0x1FE50]  }
0x6c: {  	v39 =	vld [tilespmem:$0x1FE60]  }
0x6d: {  	v40 =	vld [tilespmem:$0x1FE70]  }
0x6e: {  	v41 =	vld [tilespmem:$0x1FE80]  }
0x6f: {  	v42 =	vld [tilespmem:$0x1FE90]  }
0x70: {  	v43 =	vld [tilespmem:$0x1FEA0]  }
0x71: {  	v44 =	vld [tilespmem:$0x1FEB0]  }
0x72: {  	v45 =	vld [tilespmem:$0x1FEC0]  }
0x73: {  	v46 =	vld [tilespmem:$0x1FED0]  }
0x74: {  	v47 =	vld [tilespmem:$0x1FEE0]  }
0x75: {  	v48 =	vld [tilespmem:$0x1FEF0]  }
0x76: {  	v49 =	vld [tilespmem:$0x1FF00]  }
0x77: {  	v50 =	vld [tilespmem:$0x1FF10]  }
0x78: {  	v51 =	vld [tilespmem:$0x1FF20]  }
0x79: {  	v52 =	vld [tilespmem:$0x1FF30]  }
0x7a: {  	v53 =	vld [tilespmem:$0x1FF40]  }
0x7b: {  	v54 =	vld [tilespmem:$0x1FF50]  }
0x7c: {  	v55 =	vld [tilespmem:$0x1FF60]  }
0x7d: {  	v56 =	vld [tilespmem:$0x1FF70]  }
0x7e: {  	v57 =	vld [tilespmem:$0x1FF80]  }
0x7f: {  	v58 =	vld [tilespmem:$0x1FF90]  }
0x80: {  	v59 =	vld [tilespmem:$0x1FFA0]  }
0x81: {  	v60 =	vld [tilespmem:$0x1FFB0]  }
0x82: {  	v61 =	vld [tilespmem:$0x1FFC0]  }
0x83: {  	v62 =	vld [tilespmem:$0x1FFD0]  }
0x84: {  	s19 =	simm.s32 $0x5000;
	[sflag:s18] =	ssyncset.done @!p0 $0x0;
	v63 =	vld [tilespmem:$0x1FFE0]  }
0x85: {  	s20 =	simm.s32 $0x1000;
	v5 =	vld [tilespmem:$0x1FFF0];
	[sflag:s18] =	ssyncadd.s32 @!p0 $0xFFFFE000;
	s18 =	simm.s32 $0x0  }
.LBB2_3:
0x86: {  	[tilespmem:s19+$0xFFFFF000] =	vst v0  }
0x87: {  	[tilespmem:s19+$0xFFFFF010] =	vst v0  }
0x88: {  	[tilespmem:s19+$0xFFFFF020] =	vst v0  }
0x89: {  	[tilespmem:s19+$0xFFFFF030] =	vst v0  }
0x8a: {  	[tilespmem:s19+$0xFFFFF040] =	vst v0  }
0x8b: {  	[tilespmem:s19+$0xFFFFF050] =	vst v0  }
0x8c: {  	[tilespmem:s19+$0xFFFFF060] =	vst v0  }
0x8d: {  	[tilespmem:s19+$0xFFFFF070] =	vst v0  }
0x8e: {  	[tilespmem:s19+$0xFFFFF400] =	vst v0  }
0x8f: {  	[tilespmem:s19+$0xFFFFF410] =	vst v0  }
0x90: {  	[tilespmem:s19+$0xFFFFF420] =	vst v0  }
0x91: {  	[tilespmem:s19+$0xFFFFF430] =	vst v0  }
0x92: {  	[tilespmem:s19+$0xFFFFF440] =	vst v0  }
0x93: {  	[tilespmem:s19+$0xFFFFF450] =	vst v0  }
0x94: {  	[tilespmem:s19+$0xFFFFF460] =	vst v0  }
0x95: {  	[tilespmem:s19+$0xFFFFF470] =	vst v0  }
0x96: {  	[tilespmem:s19+$0xFFFFF800] =	vst v0  }
0x97: {  	[tilespmem:s19+$0xFFFFF810] =	vst v0  }
0x98: {  	[tilespmem:s19+$0xFFFFF820] =	vst v0  }
0x99: {  	[tilespmem:s19+$0xFFFFF830] =	vst v0  }
0x9a: {  	[tilespmem:s19+$0xFFFFF840] =	vst v0  }
0x9b: {  	[tilespmem:s19+$0xFFFFF850] =	vst v0  }
0x9c: {  	[tilespmem:s19+$0xFFFFF860] =	vst v0  }
0x9d: {  	[tilespmem:s19+$0xFFFFF870] =	vst v0  }
0x9e: {  	[tilespmem:s19+$0xFFFFFC00] =	vst v0  }
0x9f: {  	[tilespmem:s19+$0xFFFFFC10] =	vst v0  }
0xa0: {  	[tilespmem:s19+$0xFFFFFC20] =	vst v0  }
0xa1: {  	[tilespmem:s19+$0xFFFFFC30] =	vst v0  }
0xa2: {  	[tilespmem:s19+$0xFFFFFC40] =	vst v0  }
0xa3: {  	[tilespmem:s19+$0xFFFFFC50] =	vst v0  }
0xa4: {  	[tilespmem:s19+$0xFFFFFC60] =	vst v0  }
0xa5: {  	[tilespmem:s19+$0xFFFFFC70] =	vst v0  }
0xa6: {  	[tilespmem:s19+$0x0] =	vst v0  }
0xa7: {  	[tilespmem:s19+$0x10] =	vst v0  }
0xa8: {  	[tilespmem:s19+$0x20] =	vst v0  }
0xa9: {  	[tilespmem:s19+$0x30] =	vst v0  }
0xaa: {  	[tilespmem:s19+$0x40] =	vst v0  }
0xab: {  	[tilespmem:s19+$0x50] =	vst v0  }
0xac: {  	[tilespmem:s19+$0x60] =	vst v0  }
0xad: {  	[tilespmem:s19+$0x70] =	vst v0  }
0xae: {  	[tilespmem:s19+$0x400] =	vst v0  }
0xaf: {  	[tilespmem:s19+$0x410] =	vst v0  }
0xb0: {  	[tilespmem:s19+$0x420] =	vst v0  }
0xb1: {  	[tilespmem:s19+$0x430] =	vst v0  }
0xb2: {  	[tilespmem:s19+$0x440] =	vst v0  }
0xb3: {  	[tilespmem:s19+$0x450] =	vst v0  }
0xb4: {  	[tilespmem:s19+$0x460] =	vst v0  }
0xb5: {  	[tilespmem:s19+$0x470] =	vst v0  }
0xb6: {  	[tilespmem:s19+$0x800] =	vst v0  }
0xb7: {  	[tilespmem:s19+$0x810] =	vst v0  }
0xb8: {  	[tilespmem:s19+$0x820] =	vst v0  }
0xb9: {  	[tilespmem:s19+$0x830] =	vst v0  }
0xba: {  	[tilespmem:s19+$0x840] =	vst v0  }
0xbb: {  	[tilespmem:s19+$0x850] =	vst v0  }
0xbc: {  	[tilespmem:s19+$0x860] =	vst v0  }
0xbd: {  	[tilespmem:s19+$0x870] =	vst v0  }
0xbe: {  	[tilespmem:s19+$0xC00] =	vst v0  }
0xbf: {  	[tilespmem:s19+$0xC10] =	vst v0  }
0xc0: {  	[tilespmem:s19+$0xC20] =	vst v0  }
0xc1: {  	[tilespmem:s19+$0xC30] =	vst v0  }
0xc2: {  	[tilespmem:s19+$0xC40] =	vst v0  }
0xc3: {  	[tilespmem:s19+$0xC50] =	vst v0  }
0xc4: {  	[tilespmem:s19+$0xC58] =	vst v0  }
0xc5: {  	v2 =	vld [tilespmem:s20+$0xFFFFF000];
	_ =	sdelay $0x2  }
0xc6: {  	v7 =	vmov v1;
	v1 =	vmov s18  }
0xc7: {  	v1 =	vshll.u32 v1, $0x7  }
0xc8: {  	v1 =	vand.u32 $0x380, v1;
	v3 =	vshll.u32 v2, $0x3  }
0xc9: {  	v6 =	vmovc v4;
	v1 =	vbroadcast v1, $0x0;
	v4 =	vand.u32 $0x7F, v2;
	v3 =	vand.u32 $0xFFFFFC00, v3  }
0xca: {  	vm1 =	vgt.s32 v2, $0xFFFFFFFF;
	v2 =	vor.u32 v3, v4  }
0xcb: {  	v2 =	vor.u32 v1, v2;
	_ =	sdelay $0x3  }
0xcc: {  	v3 =	vlaneseq.u32  }
0xcd: {  	[tilespmem:v2+s11+$0x0] =	vst.idx.msk vm1, v3  }
0xce: {  	v2 =	vld [tilespmem:s20+$0xFFFFF010];
	_ =	sdelay $0x4  }
0xcf: {  	v3 =	vshll.u32 v2, $0x3  }
0xd0: {  	v4 =	vand.u32 $0x7F, v2;
	v3 =	vand.u32 $0xFFFFFC00, v3  }
0xd1: {  	vm1 =	vgt.s32 v2, $0xFFFFFFFF;
	v2 =	vor.u32 v3, v4  }
0xd2: {  	v3 =	vld [tilespmem:$0x1FC40];
	v2 =	vor.u32 v1, v2;
	_ =	sdelay $0x4  }
0xd3: {  	[tilespmem:v2+s11+$0x0] =	vst.idx.msk vm1, v3  }
0xd4: {  	v2 =	vld [tilespmem:s20+$0xFFFFF020];
	_ =	sdelay $0x4  }
0xd5: {  	v3 =	vshll.u32 v2, $0x3  }
0xd6: {  	v4 =	vand.u32 $0x7F, v2;
	v3 =	vand.u32 $0xFFFFFC00, v3  }
0xd7: {  	vm1 =	vgt.s32 v2, $0xFFFFFFFF;
	v2 =	vor.u32 v3, v4  }
0xd8: {  	v3 =	vld [tilespmem:$0x1FC50];
	v2 =	vor.u32 v1, v2;
	_ =	sdelay $0x4  }
0xd9: {  	[tilespmem:v2+s11+$0x0] =	vst.idx.msk vm1, v3  }
0xda: {  	v2 =	vld [tilespmem:s20+$0xFFFFF030];
	_ =	sdelay $0x4  }
0xdb: {  	v3 =	vshll.u32 v2, $0x3  }
0xdc: {  	v4 =	vand.u32 $0x7F, v2;
	v3 =	vand.u32 $0xFFFFFC00, v3  }
0xdd: {  	vm1 =	vgt.s32 v2, $0xFFFFFFFF;
	v2 =	vor.u32 v3, v4  }
0xde: {  	v3 =	vld [tilespmem:$0x1FC60];
	v2 =	vor.u32 v1, v2;
	_ =	sdelay $0x4  }
0xdf: {  	[tilespmem:v2+s11+$0x0] =	vst.idx.msk vm1, v3  }
0xe0: {  	v2 =	vld [tilespmem:s20+$0xFFFFF040];
	_ =	sdelay $0x4  }
0xe1: {  	v3 =	vshll.u32 v2, $0x3  }
0xe2: {  	v4 =	vand.u32 $0x7F, v2;
	v3 =	vand.u32 $0xFFFFFC00, v3  }
0xe3: {  	vm1 =	vgt.s32 v2, $0xFFFFFFFF;
	v2 =	vor.u32 v3, v4  }
0xe4: {  	v2 =	vor.u32 v1, v2;
	_ =	sdelay $0x4  }
0xe5: {  	[tilespmem:v2+s11+$0x0] =	vst.idx.msk vm1, v8  }
0xe6: {  	v2 =	vld [tilespmem:s20+$0xFFFFF050];
	_ =	sdelay $0x4  }
0xe7: {  	v3 =	vshll.u32 v2, $0x3  }
0xe8: {  	v4 =	vand.u32 $0x7F, v2;
	v3 =	vand.u32 $0xFFFFFC00, v3  }
0xe9: {  	vm1 =	vgt.s32 v2, $0xFFFFFFFF;
	v2 =	vor.u32 v3, v4  }
0xea: {  	v2 =	vor.u32 v1, v2;
	_ =	sdelay $0x4  }
0xeb: {  	[tilespmem:v2+s11+$0x0] =	vst.idx.msk vm1, v9  }
0xec: {  	v2 =	vld [tilespmem:s20+$0xFFFFF060];
	_ =	sdelay $0x4  }
0xed: {  	v3 =	vshll.u32 v2, $0x3  }
0xee: {  	v4 =	vand.u32 $0x7F, v2;
	v3 =	vand.u32 $0xFFFFFC00, v3  }
0xef: {  	vm1 =	vgt.s32 v2, $0xFFFFFFFF;
	v2 =	vor.u32 v3, v4  }
0xf0: {  	v2 =	vor.u32 v1, v2;
	_ =	sdelay $0x4  }
0xf1: {  	[tilespmem:v2+s11+$0x0] =	vst.idx.msk vm1, v10  }
0xf2: {  	v2 =	vld [tilespmem:s20+$0xFFFFF070];
	_ =	sdelay $0x4  }
0xf3: {  	v3 =	vshll.u32 v2, $0x3  }
0xf4: {  	v4 =	vand.u32 $0x7F, v2;
	v3 =	vand.u32 $0xFFFFFC00, v3  }
0xf5: {  	vm1 =	vgt.s32 v2, $0xFFFFFFFF;
	v2 =	vor.u32 v3, v4  }
0xf6: {  	v2 =	vor.u32 v1, v2;
	_ =	sdelay $0x4  }
0xf7: {  	[tilespmem:v2+s11+$0x0] =	vst.idx.msk vm1, v11  }
0xf8: {  	v2 =	vld [tilespmem:s20+$0xFFFFF400];
	_ =	sdelay $0x4  }
0xf9: {  	v3 =	vshll.u32 v2, $0x3  }
0xfa: {  	v4 =	vand.u32 $0x7F, v2;
	v3 =	vand.u32 $0xFFFFFC00, v3  }
0xfb: {  	vm1 =	vgt.s32 v2, $0xFFFFFFFF;
	v2 =	vor.u32 v3, v4  }
0xfc: {  	v2 =	vor.u32 v1, v2;
	_ =	sdelay $0x4  }
0xfd: {  	[tilespmem:v2+s11+$0x0] =	vst.idx.msk vm1, v12  }
0xfe: {  	v2 =	vld [tilespmem:s20+$0xFFFFF410];
	_ =	sdelay $0x4  }
0xff: {  	v3 =	vshll.u32 v2, $0x3  }
0x100: {  	v4 =	vand.u32 $0x7F, v2;
	v3 =	vand.u32 $0xFFFFFC00, v3  }
0x101: {  	vm1 =	vgt.s32 v2, $0xFFFFFFFF;
	v2 =	vor.u32 v3, v4  }
0x102: {  	v2 =	vor.u32 v1, v2;
	_ =	sdelay $0x4  }
0x103: {  	[tilespmem:v2+s11+$0x0] =	vst.idx.msk vm1, v13  }
0x104: {  	v2 =	vld [tilespmem:s20+$0xFFFFF420];
	_ =	sdelay $0x4  }
0x105: {  	v3 =	vshll.u32 v2, $0x3  }
0x106: {  	v4 =	vand.u32 $0x7F, v2;
	v3 =	vand.u32 $0xFFFFFC00, v3  }
0x107: {  	vm1 =	vgt.s32 v2, $0xFFFFFFFF;
	v2 =	vor.u32 v3, v4  }
0x108: {  	v2 =	vor.u32 v1, v2;
	_ =	sdelay $0x4  }
0x109: {  	[tilespmem:v2+s11+$0x0] =	vst.idx.msk vm1, v14  }
0x10a: {  	v2 =	vld [tilespmem:s20+$0xFFFFF430];
	_ =	sdelay $0x4  }
0x10b: {  	v3 =	vshll.u32 v2, $0x3  }
0x10c: {  	v4 =	vand.u32 $0x7F, v2;
	v3 =	vand.u32 $0xFFFFFC00, v3  }
0x10d: {  	vm1 =	vgt.s32 v2, $0xFFFFFFFF;
	v2 =	vor.u32 v3, v4  }
0x10e: {  	v2 =	vor.u32 v1, v2;
	_ =	sdelay $0x4  }
0x10f: {  	[tilespmem:v2+s11+$0x0] =	vst.idx.msk vm1, v15  }
0x110: {  	v2 =	vld [tilespmem:s20+$0xFFFFF440];
	_ =	sdelay $0x4  }
0x111: {  	v3 =	vshll.u32 v2, $0x3  }
0x112: {  	v4 =	vand.u32 $0x7F, v2;
	v3 =	vand.u32 $0xFFFFFC00, v3  }
0x113: {  	vm1 =	vgt.s32 v2, $0xFFFFFFFF;
	v2 =	vor.u32 v3, v4  }
0x114: {  	v2 =	vor.u32 v1, v2;
	_ =	sdelay $0x4  }
0x115: {  	[tilespmem:v2+s11+$0x0] =	vst.idx.msk vm1, v16  }
0x116: {  	v2 =	vld [tilespmem:s20+$0xFFFFF450];
	_ =	sdelay $0x4  }
0x117: {  	v3 =	vshll.u32 v2, $0x3  }
0x118: {  	v4 =	vand.u32 $0x7F, v2;
	v3 =	vand.u32 $0xFFFFFC00, v3  }
0x119: {  	vm1 =	vgt.s32 v2, $0xFFFFFFFF;
	v2 =	vor.u32 v3, v4  }
0x11a: {  	v2 =	vor.u32 v1, v2;
	_ =	sdelay $0x4  }
0x11b: {  	[tilespmem:v2+s11+$0x0] =	vst.idx.msk vm1, v17  }
0x11c: {  	v2 =	vld [tilespmem:s20+$0xFFFFF460];
	_ =	sdelay $0x4  }
0x11d: {  	v3 =	vshll.u32 v2, $0x3  }
0x11e: {  	v4 =	vand.u32 $0x7F, v2;
	v3 =	vand.u32 $0xFFFFFC00, v3  }
0x11f: {  	vm1 =	vgt.s32 v2, $0xFFFFFFFF;
	v2 =	vor.u32 v3, v4  }
0x120: {  	v2 =	vor.u32 v1, v2;
	_ =	sdelay $0x4  }
0x121: {  	[tilespmem:v2+s11+$0x0] =	vst.idx.msk vm1, v18  }
0x122: {  	v2 =	vld [tilespmem:s20+$0xFFFFF470];
	_ =	sdelay $0x4  }
0x123: {  	v3 =	vshll.u32 v2, $0x3  }
0x124: {  	v4 =	vand.u32 $0x7F, v2;
	v3 =	vand.u32 $0xFFFFFC00, v3  }
0x125: {  	vm1 =	vgt.s32 v2, $0xFFFFFFFF;
	v2 =	vor.u32 v3, v4  }
0x126: {  	v2 =	vor.u32 v1, v2;
	_ =	sdelay $0x4  }
0x127: {  	[tilespmem:v2+s11+$0x0] =	vst.idx.msk vm1, v19  }
0x128: {  	v2 =	vld [tilespmem:s20+$0xFFFFF800];
	_ =	sdelay $0x4  }
0x129: {  	v3 =	vshll.u32 v2, $0x3  }
0x12a: {  	v4 =	vand.u32 $0x7F, v2;
	v3 =	vand.u32 $0xFFFFFC00, v3  }
0x12b: {  	vm1 =	vgt.s32 v2, $0xFFFFFFFF;
	v2 =	vor.u32 v3, v4  }
0x12c: {  	v2 =	vor.u32 v1, v2;
	_ =	sdelay $0x4  }
0x12d: {  	[tilespmem:v2+s11+$0x0] =	vst.idx.msk vm1, v20  }
0x12e: {  	v2 =	vld [tilespmem:s20+$0xFFFFF810];
	_ =	sdelay $0x4  }
0x12f: {  	v3 =	vshll.u32 v2, $0x3  }
0x130: {  	v4 =	vand.u32 $0x7F, v2;
	v3 =	vand.u32 $0xFFFFFC00, v3  }
0x131: {  	vm1 =	vgt.s32 v2, $0xFFFFFFFF;
	v2 =	vor.u32 v3, v4  }
0x132: {  	v2 =	vor.u32 v1, v2;
	_ =	sdelay $0x4  }
0x133: {  	[tilespmem:v2+s11+$0x0] =	vst.idx.msk vm1, v21  }
0x134: {  	v2 =	vld [tilespmem:s20+$0xFFFFF820];
	_ =	sdelay $0x4  }
0x135: {  	v3 =	vshll.u32 v2, $0x3  }
0x136: {  	v4 =	vand.u32 $0x7F, v2;
	v3 =	vand.u32 $0xFFFFFC00, v3  }
0x137: {  	vm1 =	vgt.s32 v2, $0xFFFFFFFF;
	v2 =	vor.u32 v3, v4  }
0x138: {  	v2 =	vor.u32 v1, v2;
	_ =	sdelay $0x4  }
0x139: {  	[tilespmem:v2+s11+$0x0] =	vst.idx.msk vm1, v22  }
0x13a: {  	v2 =	vld [tilespmem:s20+$0xFFFFF830];
	_ =	sdelay $0x4  }
0x13b: {  	v3 =	vshll.u32 v2, $0x3  }
0x13c: {  	v4 =	vand.u32 $0x7F, v2;
	v3 =	vand.u32 $0xFFFFFC00, v3  }
0x13d: {  	vm1 =	vgt.s32 v2, $0xFFFFFFFF;
	v2 =	vor.u32 v3, v4  }
0x13e: {  	v2 =	vor.u32 v1, v2;
	_ =	sdelay $0x4  }
0x13f: {  	[tilespmem:v2+s11+$0x0] =	vst.idx.msk vm1, v23  }
0x140: {  	v2 =	vld [tilespmem:s20+$0xFFFFF840];
	_ =	sdelay $0x4  }
0x141: {  	v3 =	vshll.u32 v2, $0x3  }
0x142: {  	v4 =	vand.u32 $0x7F, v2;
	v3 =	vand.u32 $0xFFFFFC00, v3  }
0x143: {  	vm1 =	vgt.s32 v2, $0xFFFFFFFF;
	v2 =	vor.u32 v3, v4  }
0x144: {  	v2 =	vor.u32 v1, v2;
	_ =	sdelay $0x4  }
0x145: {  	[tilespmem:v2+s11+$0x0] =	vst.idx.msk vm1, v24  }
0x146: {  	v2 =	vld [tilespmem:s20+$0xFFFFF850];
	_ =	sdelay $0x4  }
0x147: {  	v3 =	vshll.u32 v2, $0x3  }
0x148: {  	v4 =	vand.u32 $0x7F, v2;
	v3 =	vand.u32 $0xFFFFFC00, v3  }
0x149: {  	vm1 =	vgt.s32 v2, $0xFFFFFFFF;
	v2 =	vor.u32 v3, v4  }
0x14a: {  	v2 =	vor.u32 v1, v2;
	_ =	sdelay $0x4  }
0x14b: {  	[tilespmem:v2+s11+$0x0] =	vst.idx.msk vm1, v25  }
0x14c: {  	v2 =	vld [tilespmem:s20+$0xFFFFF860];
	_ =	sdelay $0x4  }
0x14d: {  	v3 =	vshll.u32 v2, $0x3  }
0x14e: {  	v4 =	vand.u32 $0x7F, v2;
	v3 =	vand.u32 $0xFFFFFC00, v3  }
0x14f: {  	vm1 =	vgt.s32 v2, $0xFFFFFFFF;
	v2 =	vor.u32 v3, v4  }
0x150: {  	v2 =	vor.u32 v1, v2;
	_ =	sdelay $0x4  }
0x151: {  	[tilespmem:v2+s11+$0x0] =	vst.idx.msk vm1, v26  }
0x152: {  	v2 =	vld [tilespmem:s20+$0xFFFFF870];
	_ =	sdelay $0x4  }
0x153: {  	v3 =	vshll.u32 v2, $0x3  }
0x154: {  	v4 =	vand.u32 $0x7F, v2;
	v3 =	vand.u32 $0xFFFFFC00, v3  }
0x155: {  	vm1 =	vgt.s32 v2, $0xFFFFFFFF;
	v2 =	vor.u32 v3, v4  }
0x156: {  	v2 =	vor.u32 v1, v2;
	_ =	sdelay $0x4  }
0x157: {  	[tilespmem:v2+s11+$0x0] =	vst.idx.msk vm1, v27  }
0x158: {  	v2 =	vld [tilespmem:s20+$0xFFFFFC00];
	_ =	sdelay $0x4  }
0x159: {  	v3 =	vshll.u32 v2, $0x3  }
0x15a: {  	v4 =	vand.u32 $0x7F, v2;
	v3 =	vand.u32 $0xFFFFFC00, v3  }
0x15b: {  	vm1 =	vgt.s32 v2, $0xFFFFFFFF;
	v2 =	vor.u32 v3, v4  }
0x15c: {  	v2 =	vor.u32 v1, v2;
	_ =	sdelay $0x4  }
0x15d: {  	[tilespmem:v2+s11+$0x0] =	vst.idx.msk vm1, v28  }
0x15e: {  	v2 =	vld [tilespmem:s20+$0xFFFFFC10];
	_ =	sdelay $0x4  }
0x15f: {  	v3 =	vshll.u32 v2, $0x3  }
0x160: {  	v4 =	vand.u32 $0x7F, v2;
	v3 =	vand.u32 $0xFFFFFC00, v3  }
0x161: {  	vm1 =	vgt.s32 v2, $0xFFFFFFFF;
	v2 =	vor.u32 v3, v4  }
0x162: {  	v2 =	vor.u32 v1, v2;
	_ =	sdelay $0x4  }
0x163: {  	[tilespmem:v2+s11+$0x0] =	vst.idx.msk vm1, v29  }
0x164: {  	v2 =	vld [tilespmem:s20+$0xFFFFFC20];
	_ =	sdelay $0x4  }
0x165: {  	v3 =	vshll.u32 v2, $0x3  }
0x166: {  	v4 =	vand.u32 $0x7F, v2;
	v3 =	vand.u32 $0xFFFFFC00, v3  }
0x167: {  	vm1 =	vgt.s32 v2, $0xFFFFFFFF;
	v2 =	vor.u32 v3, v4  }
0x168: {  	v2 =	vor.u32 v1, v2;
	_ =	sdelay $0x4  }
0x169: {  	[tilespmem:v2+s11+$0x0] =	vst.idx.msk vm1, v30  }
0x16a: {  	v2 =	vld [tilespmem:s20+$0xFFFFFC30];
	_ =	sdelay $0x4  }
0x16b: {  	v3 =	vshll.u32 v2, $0x3  }
0x16c: {  	v4 =	vand.u32 $0x7F, v2;
	v3 =	vand.u32 $0xFFFFFC00, v3  }
0x16d: {  	vm1 =	vgt.s32 v2, $0xFFFFFFFF;
	v2 =	vor.u32 v3, v4  }
0x16e: {  	v2 =	vor.u32 v1, v2;
	_ =	sdelay $0x4  }
0x16f: {  	[tilespmem:v2+s11+$0x0] =	vst.idx.msk vm1, v31  }
0x170: {  	v2 =	vld [tilespmem:s20+$0xFFFFFC40];
	_ =	sdelay $0x4  }
0x171: {  	v3 =	vshll.u32 v2, $0x3  }
0x172: {  	v4 =	vand.u32 $0x7F, v2;
	v3 =	vand.u32 $0xFFFFFC00, v3  }
0x173: {  	vm1 =	vgt.s32 v2, $0xFFFFFFFF;
	v2 =	vor.u32 v3, v4  }
0x174: {  	v2 =	vor.u32 v1, v2;
	_ =	sdelay $0x4  }
0x175: {  	[tilespmem:v2+s11+$0x0] =	vst.idx.msk vm1, v32  }
0x176: {  	v2 =	vld [tilespmem:s20+$0xFFFFFC50];
	_ =	sdelay $0x4  }
0x177: {  	v3 =	vshll.u32 v2, $0x3  }
0x178: {  	v4 =	vand.u32 $0x7F, v2;
	v3 =	vand.u32 $0xFFFFFC00, v3  }
0x179: {  	vm1 =	vgt.s32 v2, $0xFFFFFFFF;
	v2 =	vor.u32 v3, v4  }
0x17a: {  	v2 =	vor.u32 v1, v2;
	_ =	sdelay $0x4  }
0x17b: {  	[tilespmem:v2+s11+$0x0] =	vst.idx.msk vm1, v33  }
0x17c: {  	v2 =	vld [tilespmem:s20+$0xFFFFFC60];
	_ =	sdelay $0x4  }
0x17d: {  	v3 =	vshll.u32 v2, $0x3  }
0x17e: {  	v4 =	vand.u32 $0x7F, v2;
	v3 =	vand.u32 $0xFFFFFC00, v3  }
0x17f: {  	vm1 =	vgt.s32 v2, $0xFFFFFFFF;
	v2 =	vor.u32 v3, v4  }
0x180: {  	v2 =	vor.u32 v1, v2;
	_ =	sdelay $0x4  }
0x181: {  	[tilespmem:v2+s11+$0x0] =	vst.idx.msk vm1, v34  }
0x182: {  	v2 =	vld [tilespmem:s20+$0xFFFFFC70];
	_ =	sdelay $0x4  }
0x183: {  	v3 =	vshll.u32 v2, $0x3  }
0x184: {  	v4 =	vand.u32 $0x7F, v2;
	v3 =	vand.u32 $0xFFFFFC00, v3  }
0x185: {  	vm1 =	vgt.s32 v2, $0xFFFFFFFF;
	v2 =	vor.u32 v3, v4  }
0x186: {  	v2 =	vor.u32 v1, v2;
	_ =	sdelay $0x4  }
0x187: {  	[tilespmem:v2+s11+$0x0] =	vst.idx.msk vm1, v35  }
0x188: {  	v2 =	vld [tilespmem:s20+$0x0];
	_ =	sdelay $0x4  }
0x189: {  	v3 =	vshll.u32 v2, $0x3  }
0x18a: {  	v4 =	vand.u32 $0x7F, v2;
	v3 =	vand.u32 $0xFFFFFC00, v3  }
0x18b: {  	vm1 =	vgt.s32 v2, $0xFFFFFFFF;
	v2 =	vor.u32 v3, v4  }
0x18c: {  	v2 =	vor.u32 v1, v2;
	_ =	sdelay $0x4  }
0x18d: {  	[tilespmem:v2+s11+$0x0] =	vst.idx.msk vm1, v36  }
0x18e: {  	v2 =	vld [tilespmem:s20+$0x10];
	_ =	sdelay $0x4  }
0x18f: {  	v3 =	vshll.u32 v2, $0x3  }
0x190: {  	v4 =	vand.u32 $0x7F, v2;
	v3 =	vand.u32 $0xFFFFFC00, v3  }
0x191: {  	vm1 =	vgt.s32 v2, $0xFFFFFFFF;
	v2 =	vor.u32 v3, v4  }
0x192: {  	v2 =	vor.u32 v1, v2;
	_ =	sdelay $0x4  }
0x193: {  	[tilespmem:v2+s11+$0x0] =	vst.idx.msk vm1, v37  }
0x194: {  	v2 =	vld [tilespmem:s20+$0x20];
	_ =	sdelay $0x4  }
0x195: {  	v3 =	vshll.u32 v2, $0x3  }
0x196: {  	v4 =	vand.u32 $0x7F, v2;
	v3 =	vand.u32 $0xFFFFFC00, v3  }
0x197: {  	vm1 =	vgt.s32 v2, $0xFFFFFFFF;
	v2 =	vor.u32 v3, v4  }
0x198: {  	v2 =	vor.u32 v1, v2;
	_ =	sdelay $0x4  }
0x199: {  	[tilespmem:v2+s11+$0x0] =	vst.idx.msk vm1, v38  }
0x19a: {  	v2 =	vld [tilespmem:s20+$0x30];
	_ =	sdelay $0x4  }
0x19b: {  	v3 =	vshll.u32 v2, $0x3  }
0x19c: {  	v4 =	vand.u32 $0x7F, v2;
	v3 =	vand.u32 $0xFFFFFC00, v3  }
0x19d: {  	vm1 =	vgt.s32 v2, $0xFFFFFFFF;
	v2 =	vor.u32 v3, v4  }
0x19e: {  	v2 =	vor.u32 v1, v2;
	_ =	sdelay $0x4  }
0x19f: {  	[tilespmem:v2+s11+$0x0] =	vst.idx.msk vm1, v39  }
0x1a0: {  	v2 =	vld [tilespmem:s20+$0x40];
	_ =	sdelay $0x4  }
0x1a1: {  	v3 =	vshll.u32 v2, $0x3  }
0x1a2: {  	v4 =	vand.u32 $0x7F, v2;
	v3 =	vand.u32 $0xFFFFFC00, v3  }
0x1a3: {  	vm1 =	vgt.s32 v2, $0xFFFFFFFF;
	v2 =	vor.u32 v3, v4  }
0x1a4: {  	v2 =	vor.u32 v1, v2;
	_ =	sdelay $0x4  }
0x1a5: {  	[tilespmem:v2+s11+$0x0] =	vst.idx.msk vm1, v40  }
0x1a6: {  	v2 =	vld [tilespmem:s20+$0x50];
	_ =	sdelay $0x4  }
0x1a7: {  	v3 =	vshll.u32 v2, $0x3  }
0x1a8: {  	v4 =	vand.u32 $0x7F, v2;
	v3 =	vand.u32 $0xFFFFFC00, v3  }
0x1a9: {  	vm1 =	vgt.s32 v2, $0xFFFFFFFF;
	v2 =	vor.u32 v3, v4  }
0x1aa: {  	v2 =	vor.u32 v1, v2;
	_ =	sdelay $0x4  }
0x1ab: {  	[tilespmem:v2+s11+$0x0] =	vst.idx.msk vm1, v41  }
0x1ac: {  	v2 =	vld [tilespmem:s20+$0x60];
	_ =	sdelay $0x4  }
0x1ad: {  	v3 =	vshll.u32 v2, $0x3  }
0x1ae: {  	v4 =	vand.u32 $0x7F, v2;
	v3 =	vand.u32 $0xFFFFFC00, v3  }
0x1af: {  	vm1 =	vgt.s32 v2, $0xFFFFFFFF;
	v2 =	vor.u32 v3, v4  }
0x1b0: {  	v2 =	vor.u32 v1, v2;
	_ =	sdelay $0x4  }
0x1b1: {  	[tilespmem:v2+s11+$0x0] =	vst.idx.msk vm1, v42  }
0x1b2: {  	v2 =	vld [tilespmem:s20+$0x70];
	_ =	sdelay $0x4  }
0x1b3: {  	v3 =	vshll.u32 v2, $0x3  }
0x1b4: {  	v4 =	vand.u32 $0x7F, v2;
	v3 =	vand.u32 $0xFFFFFC00, v3  }
0x1b5: {  	vm1 =	vgt.s32 v2, $0xFFFFFFFF;
	v2 =	vor.u32 v3, v4  }
0x1b6: {  	v2 =	vor.u32 v1, v2;
	_ =	sdelay $0x4  }
0x1b7: {  	[tilespmem:v2+s11+$0x0] =	vst.idx.msk vm1, v43  }
0x1b8: {  	v2 =	vld [tilespmem:s20+$0x400];
	_ =	sdelay $0x4  }
0x1b9: {  	v3 =	vshll.u32 v2, $0x3  }
0x1ba: {  	v4 =	vand.u32 $0x7F, v2;
	v3 =	vand.u32 $0xFFFFFC00, v3  }
0x1bb: {  	vm1 =	vgt.s32 v2, $0xFFFFFFFF;
	v2 =	vor.u32 v3, v4  }
0x1bc: {  	v2 =	vor.u32 v1, v2;
	_ =	sdelay $0x4  }
0x1bd: {  	[tilespmem:v2+s11+$0x0] =	vst.idx.msk vm1, v44  }
0x1be: {  	v2 =	vld [tilespmem:s20+$0x410];
	_ =	sdelay $0x4  }
0x1bf: {  	v3 =	vshll.u32 v2, $0x3  }
0x1c0: {  	v4 =	vand.u32 $0x7F, v2;
	v3 =	vand.u32 $0xFFFFFC00, v3  }
0x1c1: {  	vm1 =	vgt.s32 v2, $0xFFFFFFFF;
	v2 =	vor.u32 v3, v4  }
0x1c2: {  	v2 =	vor.u32 v1, v2;
	_ =	sdelay $0x4  }
0x1c3: {  	[tilespmem:v2+s11+$0x0] =	vst.idx.msk vm1, v45  }
0x1c4: {  	v2 =	vld [tilespmem:s20+$0x420];
	_ =	sdelay $0x4  }
0x1c5: {  	v3 =	vshll.u32 v2, $0x3  }
0x1c6: {  	v4 =	vand.u32 $0x7F, v2;
	v3 =	vand.u32 $0xFFFFFC00, v3  }
0x1c7: {  	vm1 =	vgt.s32 v2, $0xFFFFFFFF;
	v2 =	vor.u32 v3, v4  }
0x1c8: {  	v2 =	vor.u32 v1, v2;
	_ =	sdelay $0x4  }
0x1c9: {  	[tilespmem:v2+s11+$0x0] =	vst.idx.msk vm1, v46  }
0x1ca: {  	v2 =	vld [tilespmem:s20+$0x430];
	_ =	sdelay $0x4  }
0x1cb: {  	v3 =	vshll.u32 v2, $0x3  }
0x1cc: {  	v4 =	vand.u32 $0x7F, v2;
	v3 =	vand.u32 $0xFFFFFC00, v3  }
0x1cd: {  	vm1 =	vgt.s32 v2, $0xFFFFFFFF;
	v2 =	vor.u32 v3, v4  }
0x1ce: {  	v2 =	vor.u32 v1, v2;
	_ =	sdelay $0x4  }
0x1cf: {  	[tilespmem:v2+s11+$0x0] =	vst.idx.msk vm1, v47  }
0x1d0: {  	v2 =	vld [tilespmem:s20+$0x440];
	_ =	sdelay $0x4  }
0x1d1: {  	v3 =	vshll.u32 v2, $0x3  }
0x1d2: {  	v4 =	vand.u32 $0x7F, v2;
	v3 =	vand.u32 $0xFFFFFC00, v3  }
0x1d3: {  	vm1 =	vgt.s32 v2, $0xFFFFFFFF;
	v2 =	vor.u32 v3, v4  }
0x1d4: {  	v2 =	vor.u32 v1, v2;
	_ =	sdelay $0x4  }
0x1d5: {  	[tilespmem:v2+s11+$0x0] =	vst.idx.msk vm1, v48  }
0x1d6: {  	v2 =	vld [tilespmem:s20+$0x450];
	_ =	sdelay $0x4  }
0x1d7: {  	v3 =	vshll.u32 v2, $0x3  }
0x1d8: {  	v4 =	vand.u32 $0x7F, v2;
	v3 =	vand.u32 $0xFFFFFC00, v3  }
0x1d9: {  	vm1 =	vgt.s32 v2, $0xFFFFFFFF;
	v2 =	vor.u32 v3, v4  }
0x1da: {  	v2 =	vor.u32 v1, v2;
	_ =	sdelay $0x4  }
0x1db: {  	[tilespmem:v2+s11+$0x0] =	vst.idx.msk vm1, v49  }
0x1dc: {  	v2 =	vld [tilespmem:s20+$0x460];
	_ =	sdelay $0x4  }
0x1dd: {  	v3 =	vshll.u32 v2, $0x3  }
0x1de: {  	v4 =	vand.u32 $0x7F, v2;
	v3 =	vand.u32 $0xFFFFFC00, v3  }
0x1df: {  	vm1 =	vgt.s32 v2, $0xFFFFFFFF;
	v2 =	vor.u32 v3, v4  }
0x1e0: {  	v2 =	vor.u32 v1, v2;
	_ =	sdelay $0x4  }
0x1e1: {  	[tilespmem:v2+s11+$0x0] =	vst.idx.msk vm1, v50  }
0x1e2: {  	v2 =	vld [tilespmem:s20+$0x470];
	_ =	sdelay $0x4  }
0x1e3: {  	v3 =	vshll.u32 v2, $0x3  }
0x1e4: {  	v4 =	vand.u32 $0x7F, v2;
	v3 =	vand.u32 $0xFFFFFC00, v3  }
0x1e5: {  	vm1 =	vgt.s32 v2, $0xFFFFFFFF;
	v2 =	vor.u32 v3, v4  }
0x1e6: {  	v2 =	vor.u32 v1, v2;
	_ =	sdelay $0x4  }
0x1e7: {  	[tilespmem:v2+s11+$0x0] =	vst.idx.msk vm1, v51  }
0x1e8: {  	v2 =	vld [tilespmem:s20+$0x800];
	_ =	sdelay $0x4  }
0x1e9: {  	v3 =	vshll.u32 v2, $0x3  }
0x1ea: {  	v4 =	vand.u32 $0x7F, v2;
	v3 =	vand.u32 $0xFFFFFC00, v3  }
0x1eb: {  	vm1 =	vgt.s32 v2, $0xFFFFFFFF;
	v2 =	vor.u32 v3, v4  }
0x1ec: {  	v2 =	vor.u32 v1, v2;
	_ =	sdelay $0x4  }
0x1ed: {  	[tilespmem:v2+s11+$0x0] =	vst.idx.msk vm1, v52  }
0x1ee: {  	v2 =	vld [tilespmem:s20+$0x810];
	_ =	sdelay $0x4  }
0x1ef: {  	v3 =	vshll.u32 v2, $0x3  }
0x1f0: {  	v4 =	vand.u32 $0x7F, v2;
	v3 =	vand.u32 $0xFFFFFC00, v3  }
0x1f1: {  	vm1 =	vgt.s32 v2, $0xFFFFFFFF;
	v2 =	vor.u32 v3, v4  }
0x1f2: {  	v2 =	vor.u32 v1, v2;
	_ =	sdelay $0x4  }
0x1f3: {  	[tilespmem:v2+s11+$0x0] =	vst.idx.msk vm1, v53  }
0x1f4: {  	v2 =	vld [tilespmem:s20+$0x820];
	_ =	sdelay $0x4  }
0x1f5: {  	v3 =	vshll.u32 v2, $0x3  }
0x1f6: {  	v4 =	vand.u32 $0x7F, v2;
	v3 =	vand.u32 $0xFFFFFC00, v3  }
0x1f7: {  	vm1 =	vgt.s32 v2, $0xFFFFFFFF;
	v2 =	vor.u32 v3, v4  }
0x1f8: {  	v2 =	vor.u32 v1, v2;
	_ =	sdelay $0x4  }
0x1f9: {  	[tilespmem:v2+s11+$0x0] =	vst.idx.msk vm1, v54  }
0x1fa: {  	v2 =	vld [tilespmem:s20+$0x830];
	_ =	sdelay $0x4  }
0x1fb: {  	v3 =	vshll.u32 v2, $0x3  }
0x1fc: {  	v4 =	vand.u32 $0x7F, v2;
	v3 =	vand.u32 $0xFFFFFC00, v3  }
0x1fd: {  	vm1 =	vgt.s32 v2, $0xFFFFFFFF;
	v2 =	vor.u32 v3, v4  }
0x1fe: {  	v2 =	vor.u32 v1, v2;
	_ =	sdelay $0x4  }
0x1ff: {  	[tilespmem:v2+s11+$0x0] =	vst.idx.msk vm1, v55  }
0x200: {  	v2 =	vld [tilespmem:s20+$0x840];
	_ =	sdelay $0x4  }
0x201: {  	v3 =	vshll.u32 v2, $0x3  }
0x202: {  	v4 =	vand.u32 $0x7F, v2;
	v3 =	vand.u32 $0xFFFFFC00, v3  }
0x203: {  	vm1 =	vgt.s32 v2, $0xFFFFFFFF;
	v2 =	vor.u32 v3, v4  }
0x204: {  	v2 =	vor.u32 v1, v2;
	_ =	sdelay $0x4  }
0x205: {  	[tilespmem:v2+s11+$0x0] =	vst.idx.msk vm1, v56  }
0x206: {  	v2 =	vld [tilespmem:s20+$0x850];
	_ =	sdelay $0x4  }
0x207: {  	v3 =	vshll.u32 v2, $0x3  }
0x208: {  	v4 =	vand.u32 $0x7F, v2;
	v3 =	vand.u32 $0xFFFFFC00, v3  }
0x209: {  	vm1 =	vgt.s32 v2, $0xFFFFFFFF;
	v2 =	vor.u32 v3, v4  }
0x20a: {  	v2 =	vor.u32 v1, v2;
	_ =	sdelay $0x4  }
0x20b: {  	[tilespmem:v2+s11+$0x0] =	vst.idx.msk vm1, v57  }
0x20c: {  	v2 =	vld [tilespmem:s20+$0x860];
	_ =	sdelay $0x4  }
0x20d: {  	v3 =	vshll.u32 v2, $0x3  }
0x20e: {  	v4 =	vand.u32 $0x7F, v2;
	v3 =	vand.u32 $0xFFFFFC00, v3  }
0x20f: {  	vm1 =	vgt.s32 v2, $0xFFFFFFFF;
	v2 =	vor.u32 v3, v4  }
0x210: {  	v2 =	vor.u32 v1, v2;
	_ =	sdelay $0x4  }
0x211: {  	[tilespmem:v2+s11+$0x0] =	vst.idx.msk vm1, v58  }
0x212: {  	v2 =	vld [tilespmem:s20+$0x870];
	_ =	sdelay $0x4  }
0x213: {  	v3 =	vshll.u32 v2, $0x3  }
0x214: {  	v4 =	vand.u32 $0x7F, v2;
	v3 =	vand.u32 $0xFFFFFC00, v3  }
0x215: {  	vm1 =	vgt.s32 v2, $0xFFFFFFFF;
	v2 =	vor.u32 v3, v4  }
0x216: {  	v2 =	vor.u32 v1, v2;
	_ =	sdelay $0x4  }
0x217: {  	[tilespmem:v2+s11+$0x0] =	vst.idx.msk vm1, v59  }
0x218: {  	v2 =	vld [tilespmem:s20+$0xC00];
	_ =	sdelay $0x4  }
0x219: {  	v3 =	vshll.u32 v2, $0x3  }
0x21a: {  	v4 =	vand.u32 $0x7F, v2;
	v3 =	vand.u32 $0xFFFFFC00, v3  }
0x21b: {  	vm1 =	vgt.s32 v2, $0xFFFFFFFF;
	v2 =	vor.u32 v3, v4  }
0x21c: {  	v2 =	vor.u32 v1, v2;
	_ =	sdelay $0x4  }
0x21d: {  	[tilespmem:v2+s11+$0x0] =	vst.idx.msk vm1, v60  }
0x21e: {  	v2 =	vld [tilespmem:s20+$0xC10];
	_ =	sdelay $0x4  }
0x21f: {  	v3 =	vshll.u32 v2, $0x3  }
0x220: {  	v4 =	vand.u32 $0x7F, v2;
	v3 =	vand.u32 $0xFFFFFC00, v3  }
0x221: {  	vm1 =	vgt.s32 v2, $0xFFFFFFFF;
	v2 =	vor.u32 v3, v4  }
0x222: {  	v2 =	vor.u32 v1, v2;
	_ =	sdelay $0x4  }
0x223: {  	[tilespmem:v2+s11+$0x0] =	vst.idx.msk vm1, v61  }
0x224: {  	v2 =	vld [tilespmem:s20+$0xC20];
	_ =	sdelay $0x4  }
0x225: {  	v3 =	vshll.u32 v2, $0x3  }
0x226: {  	v4 =	vand.u32 $0x7F, v2;
	v3 =	vand.u32 $0xFFFFFC00, v3  }
0x227: {  	vm1 =	vgt.s32 v2, $0xFFFFFFFF;
	v2 =	vor.u32 v3, v4  }
0x228: {  	v2 =	vor.u32 v1, v2;
	_ =	sdelay $0x4  }
0x229: {  	[tilespmem:v2+s11+$0x0] =	vst.idx.msk vm1, v62  }
0x22a: {  	v2 =	vld [tilespmem:s20+$0xC30];
	_ =	sdelay $0x4  }
0x22b: {  	v3 =	vshll.u32 v2, $0x3  }
0x22c: {  	v4 =	vand.u32 $0x7F, v2;
	v3 =	vand.u32 $0xFFFFFC00, v3  }
0x22d: {  	vm1 =	vgt.s32 v2, $0xFFFFFFFF;
	v2 =	vor.u32 v3, v4  }
0x22e: {  	v2 =	vor.u32 v1, v2;
	_ =	sdelay $0x4  }
0x22f: {  	[tilespmem:v2+s11+$0x0] =	vst.idx.msk vm1, v63  }
0x230: {  	v2 =	vld [tilespmem:s20+$0xC40];
	_ =	sdelay $0x4  }
0x231: {  	v3 =	vshll.u32 v2, $0x3  }
0x232: {  	v4 =	vand.u32 $0x7F, v2;
	v3 =	vand.u32 $0xFFFFFC00, v3  }
0x233: {  	vm1 =	vgt.s32 v2, $0xFFFFFFFF;
	v2 =	vor.u32 v3, v4  }
0x234: {  	v2 =	vor.u32 v1, v2;
	_ =	sdelay $0x4  }
0x235: {  	[tilespmem:v2+s11+$0x0] =	vst.idx.msk vm1, v5  }
0x236: {  	v2 =	vld [tilespmem:s20+$0xC50];
	_ =	sdelay $0x4  }
0x237: {  	v3 =	vshll.u32 v2, $0x3  }
0x238: {  	v4 =	vand.u32 $0x7F, v2;
	v3 =	vand.u32 $0xFFFFFC00, v3  }
0x239: {  	vm1 =	vgt.s32 v2, $0xFFFFFFFF;
	v2 =	vor.u32 v3, v4  }
0x23a: {  	v2 =	vor.u32 v1, v2;
	_ =	sdelay $0x4  }
0x23b: {  	[tilespmem:v2+s11+$0x0] =	vst.idx.msk vm1, v6  }
0x23c: {  	v2 =	vld [tilespmem:s20+$0xC58];
	_ =	sdelay $0x4  }
0x23d: {  	v3 =	vshll.u32 v2, $0x3  }
0x23e: {  	vm1 =	vgt.s32 v2, $0xFFFFFFFF;
	v2 =	vand.u32 $0x7F, v2;
	v3 =	vand.u32 $0xFFFFFC00, v3  }
0x23f: {  	vm1 =	vmand vm1, vm0;
	v2 =	vor.u32 v3, v2  }
0x240: {  	p1 =	sne.s32 s18, $0x7;
	v1 =	vor.u32 v1, v2  }
.Ltmp2:
0x241: {  	_ = 	snop;
	(pc) =	sbr.rel @p1 .LBB2_3-.Ltmp2, $2  }
0x242: {  	_ =	sdelay $0x2  }
0x243: {  	s18 =	sadd.s32 $0x1, s18;
	s19 =	sadd.s32 $0x80, s19;
	v4 =	vmov v6;
	s20 =	sadd.s32 $0x80, s20;
	[tilespmem:v1+s11+$0x0] =	vst.idx.msk vm1, v7;
	v1 =	vmov v7  }
0x244: {  	p1 =	sne.s32 s17, $0x7  }
.Ltmp3:
0x245: {  	_ = 	snop;
	(pc) =	sbr.rel @p1 .LBB2_6-.Ltmp3, $4  }
0x246: {  	s18 =	sshll.u32 s17, $0xB  }
0x247: {  	s18 =	sor.u32 s3, s18  }
0x248: {  	s19 =	sadd.s32 s4, s18  }
0x249: {  	[hbm4b:s19+s1] =	stream.linear.scatter [tilespmem:s11], [sflag:$0x3], $0x2000, $0x38;
	[tilespmem:$0x8000] =	vst v63  }
.Ltmp4:
0x24a: {  	(pc) =	sbr.rel .LBB2_7-.Ltmp4, $4  }
0x24b: {  	_ = 	snop  }
0x24c: {  	_ =	swait.ge [sflag:s12], $0x2000  }
0x24d: {  	[sflag:s12] =	ssyncset.done $0x0  }
0x24e: {  	[sflag:s12] =	ssyncadd.s32 $0xFFFFE000  }
.LBB2_6:
.Ltmp5:
0x24f: {  	s19 =	sadd.s32 s18, s7;
	(pc) =	sbr.rel @p0 .LBB2_8-.Ltmp5, $4  }
0x250: {  	[tilespmem:s1], [sflag:$0x1] =	stream.linear.gather [hbm4b:s19+s1], $0x2000, $0x38;
	[tilespmem:$0x8000] =	vst v63  }
0x251: {  	_ =	swait.ge [sflag:s12], $0x2000  }
0x252: {  	[sflag:s12] =	ssyncset.done $0x0  }
0x253: {  	[sflag:s12] =	ssyncadd.s32 $0xFFFFE000  }
.LBB2_7:
0x254: {  	_ =	swait.ge [sflag:s13], $0x2000  }
0x255: {  	[sflag:s13] =	ssyncset.done $0x0  }
0x256: {  	[sflag:s13] =	ssyncadd.s32 $0xFFFFE000  }
.LBB2_8:
0x257: {  	v8 =	vld [tilespmem:$0x1FC70]  }
0x258: {  	v9 =	vld [tilespmem:$0x1FC80]  }
0x259: {  	v10 =	vld [tilespmem:$0x1FC90]  }
0x25a: {  	v11 =	vld [tilespmem:$0x1FCA0]  }
0x25b: {  	v12 =	vld [tilespmem:$0x1FCB0]  }
0x25c: {  	v13 =	vld [tilespmem:$0x1FCC0]  }
0x25d: {  	v14 =	vld [tilespmem:$0x1FCD0]  }
0x25e: {  	v15 =	vld [tilespmem:$0x1FCE0]  }
0x25f: {  	v16 =	vld [tilespmem:$0x1FCF0]  }
0x260: {  	v17 =	vld [tilespmem:$0x1FD00]  }
0x261: {  	v18 =	vld [tilespmem:$0x1FD10]  }
0x262: {  	v19 =	vld [tilespmem:$0x1FD20]  }
0x263: {  	v20 =	vld [tilespmem:$0x1FD30]  }
0x264: {  	v21 =	vld [tilespmem:$0x1FD40]  }
0x265: {  	v22 =	vld [tilespmem:$0x1FD50]  }
0x266: {  	v23 =	vld [tilespmem:$0x1FD60]  }
0x267: {  	v24 =	vld [tilespmem:$0x1FD70]  }
0x268: {  	v25 =	vld [tilespmem:$0x1FD80]  }
0x269: {  	v26 =	vld [tilespmem:$0x1FD90]  }
0x26a: {  	v27 =	vld [tilespmem:$0x1FDA0]  }
0x26b: {  	v28 =	vld [tilespmem:$0x1FDB0]  }
0x26c: {  	v29 =	vld [tilespmem:$0x1FDC0]  }
0x26d: {  	v30 =	vld [tilespmem:$0x1FDD0]  }
0x26e: {  	v31 =	vld [tilespmem:$0x1FDE0]  }
0x26f: {  	v32 =	vld [tilespmem:$0x1FDF0]  }
0x270: {  	v33 =	vld [tilespmem:$0x1FE00]  }
0x271: {  	v34 =	vld [tilespmem:$0x1FE10]  }
0x272: {  	v35 =	vld [tilespmem:$0x1FE20]  }
0x273: {  	v36 =	vld [tilespmem:$0x1FE30]  }
0x274: {  	v37 =	vld [tilespmem:$0x1FE40]  }
0x275: {  	v38 =	vld [tilespmem:$0x1FE50]  }
0x276: {  	v39 =	vld [tilespmem:$0x1FE60]  }
0x277: {  	v40 =	vld [tilespmem:$0x1FE70]  }
0x278: {  	v41 =	vld [tilespmem:$0x1FE80]  }
0x279: {  	v42 =	vld [tilespmem:$0x1FE90]  }
0x27a: {  	v43 =	vld [tilespmem:$0x1FEA0]  }
0x27b: {  	v44 =	vld [tilespmem:$0x1FEB0]  }
0x27c: {  	v45 =	vld [tilespmem:$0x1FEC0]  }
0x27d: {  	v46 =	vld [tilespmem:$0x1FED0]  }
0x27e: {  	v47 =	vld [tilespmem:$0x1FEE0]  }
0x27f: {  	v48 =	vld [tilespmem:$0x1FEF0]  }
0x280: {  	v49 =	vld [tilespmem:$0x1FF00]  }
0x281: {  	v50 =	vld [tilespmem:$0x1FF10]  }
0x282: {  	v51 =	vld [tilespmem:$0x1FF20]  }
0x283: {  	v52 =	vld [tilespmem:$0x1FF30]  }
0x284: {  	v53 =	vld [tilespmem:$0x1FF40]  }
0x285: {  	v54 =	vld [tilespmem:$0x1FF50]  }
0x286: {  	v55 =	vld [tilespmem:$0x1FF60]  }
0x287: {  	v56 =	vld [tilespmem:$0x1FF70]  }
0x288: {  	v57 =	vld [tilespmem:$0x1FF80]  }
0x289: {  	v58 =	vld [tilespmem:$0x1FF90]  }
0x28a: {  	v59 =	vld [tilespmem:$0x1FFA0]  }
0x28b: {  	v60 =	vld [tilespmem:$0x1FFB0]  }
0x28c: {  	v61 =	vld [tilespmem:$0x1FFC0]  }
0x28d: {  	v62 =	vld [tilespmem:$0x1FFD0]  }
0x28e: {  	v63 =	vld [tilespmem:$0x1FFE0]  }
0x28f: {  	s19 =	simm.s32 $0x0;
	s20 =	simm.s32 $0x7000;
	s21 =	simm.s32 $0x3000;
	v5 =	vld [tilespmem:$0x1FFF0]  }
.LBB2_9:
0x290: {  	[tilespmem:s20+$0xFFFFF000] =	vst v0  }
0x291: {  	[tilespmem:s20+$0xFFFFF010] =	vst v0  }
0x292: {  	[tilespmem:s20+$0xFFFFF020] =	vst v0  }
0x293: {  	[tilespmem:s20+$0xFFFFF030] =	vst v0  }
0x294: {  	[tilespmem:s20+$0xFFFFF040] =	vst v0  }
0x295: {  	[tilespmem:s20+$0xFFFFF050] =	vst v0  }
0x296: {  	[tilespmem:s20+$0xFFFFF060] =	vst v0  }
0x297: {  	[tilespmem:s20+$0xFFFFF070] =	vst v0  }
0x298: {  	[tilespmem:s20+$0xFFFFF400] =	vst v0  }
0x299: {  	[tilespmem:s20+$0xFFFFF410] =	vst v0  }
0x29a: {  	[tilespmem:s20+$0xFFFFF420] =	vst v0  }
0x29b: {  	[tilespmem:s20+$0xFFFFF430] =	vst v0  }
0x29c: {  	[tilespmem:s20+$0xFFFFF440] =	vst v0  }
0x29d: {  	[tilespmem:s20+$0xFFFFF450] =	vst v0  }
0x29e: {  	[tilespmem:s20+$0xFFFFF460] =	vst v0  }
0x29f: {  	[tilespmem:s20+$0xFFFFF470] =	vst v0  }
0x2a0: {  	[tilespmem:s20+$0xFFFFF800] =	vst v0  }
0x2a1: {  	[tilespmem:s20+$0xFFFFF810] =	vst v0  }
0x2a2: {  	[tilespmem:s20+$0xFFFFF820] =	vst v0  }
0x2a3: {  	[tilespmem:s20+$0xFFFFF830] =	vst v0  }
0x2a4: {  	[tilespmem:s20+$0xFFFFF840] =	vst v0  }
0x2a5: {  	[tilespmem:s20+$0xFFFFF850] =	vst v0  }
0x2a6: {  	[tilespmem:s20+$0xFFFFF860] =	vst v0  }
0x2a7: {  	[tilespmem:s20+$0xFFFFF870] =	vst v0  }
0x2a8: {  	[tilespmem:s20+$0xFFFFFC00] =	vst v0  }
0x2a9: {  	[tilespmem:s20+$0xFFFFFC10] =	vst v0  }
0x2aa: {  	[tilespmem:s20+$0xFFFFFC20] =	vst v0  }
0x2ab: {  	[tilespmem:s20+$0xFFFFFC30] =	vst v0  }
0x2ac: {  	[tilespmem:s20+$0xFFFFFC40] =	vst v0  }
0x2ad: {  	[tilespmem:s20+$0xFFFFFC50] =	vst v0  }
0x2ae: {  	[tilespmem:s20+$0xFFFFFC60] =	vst v0  }
0x2af: {  	[tilespmem:s20+$0xFFFFFC70] =	vst v0  }
0x2b0: {  	[tilespmem:s20+$0x0] =	vst v0  }
0x2b1: {  	[tilespmem:s20+$0x10] =	vst v0  }
0x2b2: {  	[tilespmem:s20+$0x20] =	vst v0  }
0x2b3: {  	[tilespmem:s20+$0x30] =	vst v0  }
0x2b4: {  	[tilespmem:s20+$0x40] =	vst v0  }
0x2b5: {  	[tilespmem:s20+$0x50] =	vst v0  }
0x2b6: {  	[tilespmem:s20+$0x60] =	vst v0  }
0x2b7: {  	[tilespmem:s20+$0x70] =	vst v0  }
0x2b8: {  	[tilespmem:s20+$0x400] =	vst v0  }
0x2b9: {  	[tilespmem:s20+$0x410] =	vst v0  }
0x2ba: {  	[tilespmem:s20+$0x420] =	vst v0  }
0x2bb: {  	[tilespmem:s20+$0x430] =	vst v0  }
0x2bc: {  	[tilespmem:s20+$0x440] =	vst v0  }
0x2bd: {  	[tilespmem:s20+$0x450] =	vst v0  }
0x2be: {  	[tilespmem:s20+$0x460] =	vst v0  }
0x2bf: {  	[tilespmem:s20+$0x470] =	vst v0  }
0x2c0: {  	[tilespmem:s20+$0x800] =	vst v0  }
0x2c1: {  	[tilespmem:s20+$0x810] =	vst v0  }
0x2c2: {  	[tilespmem:s20+$0x820] =	vst v0  }
0x2c3: {  	[tilespmem:s20+$0x830] =	vst v0  }
0x2c4: {  	[tilespmem:s20+$0x840] =	vst v0  }
0x2c5: {  	[tilespmem:s20+$0x850] =	vst v0  }
0x2c6: {  	[tilespmem:s20+$0x860] =	vst v0  }
0x2c7: {  	[tilespmem:s20+$0x870] =	vst v0  }
0x2c8: {  	[tilespmem:s20+$0xC00] =	vst v0  }
0x2c9: {  	[tilespmem:s20+$0xC10] =	vst v0  }
0x2ca: {  	[tilespmem:s20+$0xC20] =	vst v0  }
0x2cb: {  	[tilespmem:s20+$0xC30] =	vst v0  }
0x2cc: {  	[tilespmem:s20+$0xC40] =	vst v0  }
0x2cd: {  	[tilespmem:s20+$0xC50] =	vst v0  }
0x2ce: {  	[tilespmem:s20+$0xC58] =	vst v0  }
0x2cf: {  	v2 =	vld [tilespmem:s21+$0xFFFFF000];
	_ =	sdelay $0x2  }
0x2d0: {  	v1 =	vmov s19  }
0x2d1: {  	v1 =	vshll.u32 v1, $0x7  }
0x2d2: {  	v1 =	vand.u32 $0x380, v1;
	v3 =	vshll.u32 v2, $0x3  }
0x2d3: {  	v1 =	vbroadcast v1, $0x0;
	v4 =	vand.u32 $0x7F, v2;
	v3 =	vand.u32 $0xFFFFFC00, v3  }
0x2d4: {  	vm1 =	vgt.s32 v2, $0xFFFFFFFF;
	v2 =	vor.u32 v3, v4  }
0x2d5: {  	v2 =	vor.u32 v1, v2;
	_ =	sdelay $0x3  }
0x2d6: {  	v3 =	vlaneseq.u32  }
0x2d7: {  	[tilespmem:v2+s14+$0x0] =	vst.idx.msk vm1, v3  }
0x2d8: {  	v2 =	vld [tilespmem:s21+$0xFFFFF010];
	_ =	sdelay $0x4  }
0x2d9: {  	v3 =	vshll.u32 v2, $0x3  }
0x2da: {  	v4 =	vand.u32 $0x7F, v2;
	v3 =	vand.u32 $0xFFFFFC00, v3  }
0x2db: {  	vm1 =	vgt.s32 v2, $0xFFFFFFFF;
	v2 =	vor.u32 v3, v4  }
0x2dc: {  	v3 =	vld [tilespmem:$0x1FC40];
	v2 =	vor.u32 v1, v2;
	_ =	sdelay $0x4  }
0x2dd: {  	[tilespmem:v2+s14+$0x0] =	vst.idx.msk vm1, v3  }
0x2de: {  	v2 =	vld [tilespmem:s21+$0xFFFFF020];
	_ =	sdelay $0x4  }
0x2df: {  	v3 =	vshll.u32 v2, $0x3  }
0x2e0: {  	v4 =	vand.u32 $0x7F, v2;
	v3 =	vand.u32 $0xFFFFFC00, v3  }
0x2e1: {  	vm1 =	vgt.s32 v2, $0xFFFFFFFF;
	v2 =	vor.u32 v3, v4  }
0x2e2: {  	v3 =	vld [tilespmem:$0x1FC50];
	v2 =	vor.u32 v1, v2;
	_ =	sdelay $0x4  }
0x2e3: {  	[tilespmem:v2+s14+$0x0] =	vst.idx.msk vm1, v3  }
0x2e4: {  	v2 =	vld [tilespmem:s21+$0xFFFFF030];
	_ =	sdelay $0x4  }
0x2e5: {  	v3 =	vshll.u32 v2, $0x3  }
0x2e6: {  	v4 =	vand.u32 $0x7F, v2;
	v3 =	vand.u32 $0xFFFFFC00, v3  }
0x2e7: {  	vm1 =	vgt.s32 v2, $0xFFFFFFFF;
	v2 =	vor.u32 v3, v4  }
0x2e8: {  	v3 =	vld [tilespmem:$0x1FC60];
	v2 =	vor.u32 v1, v2;
	_ =	sdelay $0x4  }
0x2e9: {  	[tilespmem:v2+s14+$0x0] =	vst.idx.msk vm1, v3  }
0x2ea: {  	v2 =	vld [tilespmem:s21+$0xFFFFF040];
	_ =	sdelay $0x4  }
0x2eb: {  	v3 =	vshll.u32 v2, $0x3  }
0x2ec: {  	v4 =	vand.u32 $0x7F, v2;
	v3 =	vand.u32 $0xFFFFFC00, v3  }
0x2ed: {  	vm1 =	vgt.s32 v2, $0xFFFFFFFF;
	v2 =	vor.u32 v3, v4  }
0x2ee: {  	v2 =	vor.u32 v1, v2;
	_ =	sdelay $0x4  }
0x2ef: {  	[tilespmem:v2+s14+$0x0] =	vst.idx.msk vm1, v8  }
0x2f0: {  	v2 =	vld [tilespmem:s21+$0xFFFFF050];
	_ =	sdelay $0x4  }
0x2f1: {  	v3 =	vshll.u32 v2, $0x3  }
0x2f2: {  	v4 =	vand.u32 $0x7F, v2;
	v3 =	vand.u32 $0xFFFFFC00, v3  }
0x2f3: {  	vm1 =	vgt.s32 v2, $0xFFFFFFFF;
	v2 =	vor.u32 v3, v4  }
0x2f4: {  	v2 =	vor.u32 v1, v2;
	_ =	sdelay $0x4  }
0x2f5: {  	[tilespmem:v2+s14+$0x0] =	vst.idx.msk vm1, v9  }
0x2f6: {  	v2 =	vld [tilespmem:s21+$0xFFFFF060];
	_ =	sdelay $0x4  }
0x2f7: {  	v3 =	vshll.u32 v2, $0x3  }
0x2f8: {  	v4 =	vand.u32 $0x7F, v2;
	v3 =	vand.u32 $0xFFFFFC00, v3  }
0x2f9: {  	vm1 =	vgt.s32 v2, $0xFFFFFFFF;
	v2 =	vor.u32 v3, v4  }
0x2fa: {  	v2 =	vor.u32 v1, v2;
	_ =	sdelay $0x4  }
0x2fb: {  	[tilespmem:v2+s14+$0x0] =	vst.idx.msk vm1, v10  }
0x2fc: {  	v2 =	vld [tilespmem:s21+$0xFFFFF070];
	_ =	sdelay $0x4  }
0x2fd: {  	v3 =	vshll.u32 v2, $0x3  }
0x2fe: {  	v4 =	vand.u32 $0x7F, v2;
	v3 =	vand.u32 $0xFFFFFC00, v3  }
0x2ff: {  	vm1 =	vgt.s32 v2, $0xFFFFFFFF;
	v2 =	vor.u32 v3, v4  }
0x300: {  	v2 =	vor.u32 v1, v2;
	_ =	sdelay $0x4  }
0x301: {  	[tilespmem:v2+s14+$0x0] =	vst.idx.msk vm1, v11  }
0x302: {  	v2 =	vld [tilespmem:s21+$0xFFFFF400];
	_ =	sdelay $0x4  }
0x303: {  	v3 =	vshll.u32 v2, $0x3  }
0x304: {  	v4 =	vand.u32 $0x7F, v2;
	v3 =	vand.u32 $0xFFFFFC00, v3  }
0x305: {  	vm1 =	vgt.s32 v2, $0xFFFFFFFF;
	v2 =	vor.u32 v3, v4  }
0x306: {  	v2 =	vor.u32 v1, v2;
	_ =	sdelay $0x4  }
0x307: {  	[tilespmem:v2+s14+$0x0] =	vst.idx.msk vm1, v12  }
0x308: {  	v2 =	vld [tilespmem:s21+$0xFFFFF410];
	_ =	sdelay $0x4  }
0x309: {  	v3 =	vshll.u32 v2, $0x3  }
0x30a: {  	v4 =	vand.u32 $0x7F, v2;
	v3 =	vand.u32 $0xFFFFFC00, v3  }
0x30b: {  	vm1 =	vgt.s32 v2, $0xFFFFFFFF;
	v2 =	vor.u32 v3, v4  }
0x30c: {  	v2 =	vor.u32 v1, v2;
	_ =	sdelay $0x4  }
0x30d: {  	[tilespmem:v2+s14+$0x0] =	vst.idx.msk vm1, v13  }
0x30e: {  	v2 =	vld [tilespmem:s21+$0xFFFFF420];
	_ =	sdelay $0x4  }
0x30f: {  	v3 =	vshll.u32 v2, $0x3  }
0x310: {  	v4 =	vand.u32 $0x7F, v2;
	v3 =	vand.u32 $0xFFFFFC00, v3  }
0x311: {  	vm1 =	vgt.s32 v2, $0xFFFFFFFF;
	v2 =	vor.u32 v3, v4  }
0x312: {  	v2 =	vor.u32 v1, v2;
	_ =	sdelay $0x4  }
0x313: {  	[tilespmem:v2+s14+$0x0] =	vst.idx.msk vm1, v14  }
0x314: {  	v2 =	vld [tilespmem:s21+$0xFFFFF430];
	_ =	sdelay $0x4  }
0x315: {  	v3 =	vshll.u32 v2, $0x3  }
0x316: {  	v4 =	vand.u32 $0x7F, v2;
	v3 =	vand.u32 $0xFFFFFC00, v3  }
0x317: {  	vm1 =	vgt.s32 v2, $0xFFFFFFFF;
	v2 =	vor.u32 v3, v4  }
0x318: {  	v2 =	vor.u32 v1, v2;
	_ =	sdelay $0x4  }
0x319: {  	[tilespmem:v2+s14+$0x0] =	vst.idx.msk vm1, v15  }
0x31a: {  	v2 =	vld [tilespmem:s21+$0xFFFFF440];
	_ =	sdelay $0x4  }
0x31b: {  	v3 =	vshll.u32 v2, $0x3  }
0x31c: {  	v4 =	vand.u32 $0x7F, v2;
	v3 =	vand.u32 $0xFFFFFC00, v3  }
0x31d: {  	vm1 =	vgt.s32 v2, $0xFFFFFFFF;
	v2 =	vor.u32 v3, v4  }
0x31e: {  	v2 =	vor.u32 v1, v2;
	_ =	sdelay $0x4  }
0x31f: {  	[tilespmem:v2+s14+$0x0] =	vst.idx.msk vm1, v16  }
0x320: {  	v2 =	vld [tilespmem:s21+$0xFFFFF450];
	_ =	sdelay $0x4  }
0x321: {  	v3 =	vshll.u32 v2, $0x3  }
0x322: {  	v4 =	vand.u32 $0x7F, v2;
	v3 =	vand.u32 $0xFFFFFC00, v3  }
0x323: {  	vm1 =	vgt.s32 v2, $0xFFFFFFFF;
	v2 =	vor.u32 v3, v4  }
0x324: {  	v2 =	vor.u32 v1, v2;
	_ =	sdelay $0x4  }
0x325: {  	[tilespmem:v2+s14+$0x0] =	vst.idx.msk vm1, v17  }
0x326: {  	v2 =	vld [tilespmem:s21+$0xFFFFF460];
	_ =	sdelay $0x4  }
0x327: {  	v3 =	vshll.u32 v2, $0x3  }
0x328: {  	v4 =	vand.u32 $0x7F, v2;
	v3 =	vand.u32 $0xFFFFFC00, v3  }
0x329: {  	vm1 =	vgt.s32 v2, $0xFFFFFFFF;
	v2 =	vor.u32 v3, v4  }
0x32a: {  	v2 =	vor.u32 v1, v2;
	_ =	sdelay $0x4  }
0x32b: {  	[tilespmem:v2+s14+$0x0] =	vst.idx.msk vm1, v18  }
0x32c: {  	v2 =	vld [tilespmem:s21+$0xFFFFF470];
	_ =	sdelay $0x4  }
0x32d: {  	v3 =	vshll.u32 v2, $0x3  }
0x32e: {  	v4 =	vand.u32 $0x7F, v2;
	v3 =	vand.u32 $0xFFFFFC00, v3  }
0x32f: {  	vm1 =	vgt.s32 v2, $0xFFFFFFFF;
	v2 =	vor.u32 v3, v4  }
0x330: {  	v2 =	vor.u32 v1, v2;
	_ =	sdelay $0x4  }
0x331: {  	[tilespmem:v2+s14+$0x0] =	vst.idx.msk vm1, v19  }
0x332: {  	v2 =	vld [tilespmem:s21+$0xFFFFF800];
	_ =	sdelay $0x4  }
0x333: {  	v3 =	vshll.u32 v2, $0x3  }
0x334: {  	v4 =	vand.u32 $0x7F, v2;
	v3 =	vand.u32 $0xFFFFFC00, v3  }
0x335: {  	vm1 =	vgt.s32 v2, $0xFFFFFFFF;
	v2 =	vor.u32 v3, v4  }
0x336: {  	v2 =	vor.u32 v1, v2;
	_ =	sdelay $0x4  }
0x337: {  	[tilespmem:v2+s14+$0x0] =	vst.idx.msk vm1, v20  }
0x338: {  	v2 =	vld [tilespmem:s21+$0xFFFFF810];
	_ =	sdelay $0x4  }
0x339: {  	v3 =	vshll.u32 v2, $0x3  }
0x33a: {  	v4 =	vand.u32 $0x7F, v2;
	v3 =	vand.u32 $0xFFFFFC00, v3  }
0x33b: {  	vm1 =	vgt.s32 v2, $0xFFFFFFFF;
	v2 =	vor.u32 v3, v4  }
0x33c: {  	v2 =	vor.u32 v1, v2;
	_ =	sdelay $0x4  }
0x33d: {  	[tilespmem:v2+s14+$0x0] =	vst.idx.msk vm1, v21  }
0x33e: {  	v2 =	vld [tilespmem:s21+$0xFFFFF820];
	_ =	sdelay $0x4  }
0x33f: {  	v3 =	vshll.u32 v2, $0x3  }
0x340: {  	v4 =	vand.u32 $0x7F, v2;
	v3 =	vand.u32 $0xFFFFFC00, v3  }
0x341: {  	vm1 =	vgt.s32 v2, $0xFFFFFFFF;
	v2 =	vor.u32 v3, v4  }
0x342: {  	v2 =	vor.u32 v1, v2;
	_ =	sdelay $0x4  }
0x343: {  	[tilespmem:v2+s14+$0x0] =	vst.idx.msk vm1, v22  }
0x344: {  	v2 =	vld [tilespmem:s21+$0xFFFFF830];
	_ =	sdelay $0x4  }
0x345: {  	v3 =	vshll.u32 v2, $0x3  }
0x346: {  	v4 =	vand.u32 $0x7F, v2;
	v3 =	vand.u32 $0xFFFFFC00, v3  }
0x347: {  	vm1 =	vgt.s32 v2, $0xFFFFFFFF;
	v2 =	vor.u32 v3, v4  }
0x348: {  	v2 =	vor.u32 v1, v2;
	_ =	sdelay $0x4  }
0x349: {  	[tilespmem:v2+s14+$0x0] =	vst.idx.msk vm1, v23  }
0x34a: {  	v2 =	vld [tilespmem:s21+$0xFFFFF840];
	_ =	sdelay $0x4  }
0x34b: {  	v3 =	vshll.u32 v2, $0x3  }
0x34c: {  	v4 =	vand.u32 $0x7F, v2;
	v3 =	vand.u32 $0xFFFFFC00, v3  }
0x34d: {  	vm1 =	vgt.s32 v2, $0xFFFFFFFF;
	v2 =	vor.u32 v3, v4  }
0x34e: {  	v2 =	vor.u32 v1, v2;
	_ =	sdelay $0x4  }
0x34f: {  	[tilespmem:v2+s14+$0x0] =	vst.idx.msk vm1, v24  }
0x350: {  	v2 =	vld [tilespmem:s21+$0xFFFFF850];
	_ =	sdelay $0x4  }
0x351: {  	v3 =	vshll.u32 v2, $0x3  }
0x352: {  	v4 =	vand.u32 $0x7F, v2;
	v3 =	vand.u32 $0xFFFFFC00, v3  }
0x353: {  	vm1 =	vgt.s32 v2, $0xFFFFFFFF;
	v2 =	vor.u32 v3, v4  }
0x354: {  	v2 =	vor.u32 v1, v2;
	_ =	sdelay $0x4  }
0x355: {  	[tilespmem:v2+s14+$0x0] =	vst.idx.msk vm1, v25  }
0x356: {  	v2 =	vld [tilespmem:s21+$0xFFFFF860];
	_ =	sdelay $0x4  }
0x357: {  	v3 =	vshll.u32 v2, $0x3  }
0x358: {  	v4 =	vand.u32 $0x7F, v2;
	v3 =	vand.u32 $0xFFFFFC00, v3  }
0x359: {  	vm1 =	vgt.s32 v2, $0xFFFFFFFF;
	v2 =	vor.u32 v3, v4  }
0x35a: {  	v2 =	vor.u32 v1, v2;
	_ =	sdelay $0x4  }
0x35b: {  	[tilespmem:v2+s14+$0x0] =	vst.idx.msk vm1, v26  }
0x35c: {  	v2 =	vld [tilespmem:s21+$0xFFFFF870];
	_ =	sdelay $0x4  }
0x35d: {  	v3 =	vshll.u32 v2, $0x3  }
0x35e: {  	v4 =	vand.u32 $0x7F, v2;
	v3 =	vand.u32 $0xFFFFFC00, v3  }
0x35f: {  	vm1 =	vgt.s32 v2, $0xFFFFFFFF;
	v2 =	vor.u32 v3, v4  }
0x360: {  	v2 =	vor.u32 v1, v2;
	_ =	sdelay $0x4  }
0x361: {  	[tilespmem:v2+s14+$0x0] =	vst.idx.msk vm1, v27  }
0x362: {  	v2 =	vld [tilespmem:s21+$0xFFFFFC00];
	_ =	sdelay $0x4  }
0x363: {  	v3 =	vshll.u32 v2, $0x3  }
0x364: {  	v4 =	vand.u32 $0x7F, v2;
	v3 =	vand.u32 $0xFFFFFC00, v3  }
0x365: {  	vm1 =	vgt.s32 v2, $0xFFFFFFFF;
	v2 =	vor.u32 v3, v4  }
0x366: {  	v2 =	vor.u32 v1, v2;
	_ =	sdelay $0x4  }
0x367: {  	[tilespmem:v2+s14+$0x0] =	vst.idx.msk vm1, v28  }
0x368: {  	v2 =	vld [tilespmem:s21+$0xFFFFFC10];
	_ =	sdelay $0x4  }
0x369: {  	v3 =	vshll.u32 v2, $0x3  }
0x36a: {  	v4 =	vand.u32 $0x7F, v2;
	v3 =	vand.u32 $0xFFFFFC00, v3  }
0x36b: {  	vm1 =	vgt.s32 v2, $0xFFFFFFFF;
	v2 =	vor.u32 v3, v4  }
0x36c: {  	v2 =	vor.u32 v1, v2;
	_ =	sdelay $0x4  }
0x36d: {  	[tilespmem:v2+s14+$0x0] =	vst.idx.msk vm1, v29  }
0x36e: {  	v2 =	vld [tilespmem:s21+$0xFFFFFC20];
	_ =	sdelay $0x4  }
0x36f: {  	v3 =	vshll.u32 v2, $0x3  }
0x370: {  	v4 =	vand.u32 $0x7F, v2;
	v3 =	vand.u32 $0xFFFFFC00, v3  }
0x371: {  	vm1 =	vgt.s32 v2, $0xFFFFFFFF;
	v2 =	vor.u32 v3, v4  }
0x372: {  	v2 =	vor.u32 v1, v2;
	_ =	sdelay $0x4  }
0x373: {  	[tilespmem:v2+s14+$0x0] =	vst.idx.msk vm1, v30  }
0x374: {  	v2 =	vld [tilespmem:s21+$0xFFFFFC30];
	_ =	sdelay $0x4  }
0x375: {  	v3 =	vshll.u32 v2, $0x3  }
0x376: {  	v4 =	vand.u32 $0x7F, v2;
	v3 =	vand.u32 $0xFFFFFC00, v3  }
0x377: {  	vm1 =	vgt.s32 v2, $0xFFFFFFFF;
	v2 =	vor.u32 v3, v4  }
0x378: {  	v2 =	vor.u32 v1, v2;
	_ =	sdelay $0x4  }
0x379: {  	[tilespmem:v2+s14+$0x0] =	vst.idx.msk vm1, v31  }
0x37a: {  	v2 =	vld [tilespmem:s21+$0xFFFFFC40];
	_ =	sdelay $0x4  }
0x37b: {  	v3 =	vshll.u32 v2, $0x3  }
0x37c: {  	v4 =	vand.u32 $0x7F, v2;
	v3 =	vand.u32 $0xFFFFFC00, v3  }
0x37d: {  	vm1 =	vgt.s32 v2, $0xFFFFFFFF;
	v2 =	vor.u32 v3, v4  }
0x37e: {  	v2 =	vor.u32 v1, v2;
	_ =	sdelay $0x4  }
0x37f: {  	[tilespmem:v2+s14+$0x0] =	vst.idx.msk vm1, v32  }
0x380: {  	v2 =	vld [tilespmem:s21+$0xFFFFFC50];
	_ =	sdelay $0x4  }
0x381: {  	v3 =	vshll.u32 v2, $0x3  }
0x382: {  	v4 =	vand.u32 $0x7F, v2;
	v3 =	vand.u32 $0xFFFFFC00, v3  }
0x383: {  	vm1 =	vgt.s32 v2, $0xFFFFFFFF;
	v2 =	vor.u32 v3, v4  }
0x384: {  	v2 =	vor.u32 v1, v2;
	_ =	sdelay $0x4  }
0x385: {  	[tilespmem:v2+s14+$0x0] =	vst.idx.msk vm1, v33  }
0x386: {  	v2 =	vld [tilespmem:s21+$0xFFFFFC60];
	_ =	sdelay $0x4  }
0x387: {  	v3 =	vshll.u32 v2, $0x3  }
0x388: {  	v4 =	vand.u32 $0x7F, v2;
	v3 =	vand.u32 $0xFFFFFC00, v3  }
0x389: {  	vm1 =	vgt.s32 v2, $0xFFFFFFFF;
	v2 =	vor.u32 v3, v4  }
0x38a: {  	v2 =	vor.u32 v1, v2;
	_ =	sdelay $0x4  }
0x38b: {  	[tilespmem:v2+s14+$0x0] =	vst.idx.msk vm1, v34  }
0x38c: {  	v2 =	vld [tilespmem:s21+$0xFFFFFC70];
	_ =	sdelay $0x4  }
0x38d: {  	v3 =	vshll.u32 v2, $0x3  }
0x38e: {  	v4 =	vand.u32 $0x7F, v2;
	v3 =	vand.u32 $0xFFFFFC00, v3  }
0x38f: {  	vm1 =	vgt.s32 v2, $0xFFFFFFFF;
	v2 =	vor.u32 v3, v4  }
0x390: {  	v2 =	vor.u32 v1, v2;
	_ =	sdelay $0x4  }
0x391: {  	[tilespmem:v2+s14+$0x0] =	vst.idx.msk vm1, v35  }
0x392: {  	v2 =	vld [tilespmem:s21+$0x0];
	_ =	sdelay $0x4  }
0x393: {  	v3 =	vshll.u32 v2, $0x3  }
0x394: {  	v4 =	vand.u32 $0x7F, v2;
	v3 =	vand.u32 $0xFFFFFC00, v3  }
0x395: {  	vm1 =	vgt.s32 v2, $0xFFFFFFFF;
	v2 =	vor.u32 v3, v4  }
0x396: {  	v2 =	vor.u32 v1, v2;
	_ =	sdelay $0x4  }
0x397: {  	[tilespmem:v2+s14+$0x0] =	vst.idx.msk vm1, v36  }
0x398: {  	v2 =	vld [tilespmem:s21+$0x10];
	_ =	sdelay $0x4  }
0x399: {  	v3 =	vshll.u32 v2, $0x3  }
0x39a: {  	v4 =	vand.u32 $0x7F, v2;
	v3 =	vand.u32 $0xFFFFFC00, v3  }
0x39b: {  	vm1 =	vgt.s32 v2, $0xFFFFFFFF;
	v2 =	vor.u32 v3, v4  }
0x39c: {  	v2 =	vor.u32 v1, v2;
	_ =	sdelay $0x4  }
0x39d: {  	[tilespmem:v2+s14+$0x0] =	vst.idx.msk vm1, v37  }
0x39e: {  	v2 =	vld [tilespmem:s21+$0x20];
	_ =	sdelay $0x4  }
0x39f: {  	v3 =	vshll.u32 v2, $0x3  }
0x3a0: {  	v4 =	vand.u32 $0x7F, v2;
	v3 =	vand.u32 $0xFFFFFC00, v3  }
0x3a1: {  	vm1 =	vgt.s32 v2, $0xFFFFFFFF;
	v2 =	vor.u32 v3, v4  }
0x3a2: {  	v2 =	vor.u32 v1, v2;
	_ =	sdelay $0x4  }
0x3a3: {  	[tilespmem:v2+s14+$0x0] =	vst.idx.msk vm1, v38  }
0x3a4: {  	v2 =	vld [tilespmem:s21+$0x30];
	_ =	sdelay $0x4  }
0x3a5: {  	v3 =	vshll.u32 v2, $0x3  }
0x3a6: {  	v4 =	vand.u32 $0x7F, v2;
	v3 =	vand.u32 $0xFFFFFC00, v3  }
0x3a7: {  	vm1 =	vgt.s32 v2, $0xFFFFFFFF;
	v2 =	vor.u32 v3, v4  }
0x3a8: {  	v2 =	vor.u32 v1, v2;
	_ =	sdelay $0x4  }
0x3a9: {  	[tilespmem:v2+s14+$0x0] =	vst.idx.msk vm1, v39  }
0x3aa: {  	v2 =	vld [tilespmem:s21+$0x40];
	_ =	sdelay $0x4  }
0x3ab: {  	v3 =	vshll.u32 v2, $0x3  }
0x3ac: {  	v4 =	vand.u32 $0x7F, v2;
	v3 =	vand.u32 $0xFFFFFC00, v3  }
0x3ad: {  	vm1 =	vgt.s32 v2, $0xFFFFFFFF;
	v2 =	vor.u32 v3, v4  }
0x3ae: {  	v2 =	vor.u32 v1, v2;
	_ =	sdelay $0x4  }
0x3af: {  	[tilespmem:v2+s14+$0x0] =	vst.idx.msk vm1, v40  }
0x3b0: {  	v2 =	vld [tilespmem:s21+$0x50];
	_ =	sdelay $0x4  }
0x3b1: {  	v3 =	vshll.u32 v2, $0x3  }
0x3b2: {  	v4 =	vand.u32 $0x7F, v2;
	v3 =	vand.u32 $0xFFFFFC00, v3  }
0x3b3: {  	vm1 =	vgt.s32 v2, $0xFFFFFFFF;
	v2 =	vor.u32 v3, v4  }
0x3b4: {  	v2 =	vor.u32 v1, v2;
	_ =	sdelay $0x4  }
0x3b5: {  	[tilespmem:v2+s14+$0x0] =	vst.idx.msk vm1, v41  }
0x3b6: {  	v2 =	vld [tilespmem:s21+$0x60];
	_ =	sdelay $0x4  }
0x3b7: {  	v3 =	vshll.u32 v2, $0x3  }
0x3b8: {  	v4 =	vand.u32 $0x7F, v2;
	v3 =	vand.u32 $0xFFFFFC00, v3  }
0x3b9: {  	vm1 =	vgt.s32 v2, $0xFFFFFFFF;
	v2 =	vor.u32 v3, v4  }
0x3ba: {  	v2 =	vor.u32 v1, v2;
	_ =	sdelay $0x4  }
0x3bb: {  	[tilespmem:v2+s14+$0x0] =	vst.idx.msk vm1, v42  }
0x3bc: {  	v2 =	vld [tilespmem:s21+$0x70];
	_ =	sdelay $0x4  }
0x3bd: {  	v3 =	vshll.u32 v2, $0x3  }
0x3be: {  	v4 =	vand.u32 $0x7F, v2;
	v3 =	vand.u32 $0xFFFFFC00, v3  }
0x3bf: {  	vm1 =	vgt.s32 v2, $0xFFFFFFFF;
	v2 =	vor.u32 v3, v4  }
0x3c0: {  	v2 =	vor.u32 v1, v2;
	_ =	sdelay $0x4  }
0x3c1: {  	[tilespmem:v2+s14+$0x0] =	vst.idx.msk vm1, v43  }
0x3c2: {  	v2 =	vld [tilespmem:s21+$0x400];
	_ =	sdelay $0x4  }
0x3c3: {  	v3 =	vshll.u32 v2, $0x3  }
0x3c4: {  	v4 =	vand.u32 $0x7F, v2;
	v3 =	vand.u32 $0xFFFFFC00, v3  }
0x3c5: {  	vm1 =	vgt.s32 v2, $0xFFFFFFFF;
	v2 =	vor.u32 v3, v4  }
0x3c6: {  	v2 =	vor.u32 v1, v2;
	_ =	sdelay $0x4  }
0x3c7: {  	[tilespmem:v2+s14+$0x0] =	vst.idx.msk vm1, v44  }
0x3c8: {  	v2 =	vld [tilespmem:s21+$0x410];
	_ =	sdelay $0x4  }
0x3c9: {  	v3 =	vshll.u32 v2, $0x3  }
0x3ca: {  	v4 =	vand.u32 $0x7F, v2;
	v3 =	vand.u32 $0xFFFFFC00, v3  }
0x3cb: {  	vm1 =	vgt.s32 v2, $0xFFFFFFFF;
	v2 =	vor.u32 v3, v4  }
0x3cc: {  	v2 =	vor.u32 v1, v2;
	_ =	sdelay $0x4  }
0x3cd: {  	[tilespmem:v2+s14+$0x0] =	vst.idx.msk vm1, v45  }
0x3ce: {  	v2 =	vld [tilespmem:s21+$0x420];
	_ =	sdelay $0x4  }
0x3cf: {  	v3 =	vshll.u32 v2, $0x3  }
0x3d0: {  	v4 =	vand.u32 $0x7F, v2;
	v3 =	vand.u32 $0xFFFFFC00, v3  }
0x3d1: {  	vm1 =	vgt.s32 v2, $0xFFFFFFFF;
	v2 =	vor.u32 v3, v4  }
0x3d2: {  	v2 =	vor.u32 v1, v2;
	_ =	sdelay $0x4  }
0x3d3: {  	[tilespmem:v2+s14+$0x0] =	vst.idx.msk vm1, v46  }
0x3d4: {  	v2 =	vld [tilespmem:s21+$0x430];
	_ =	sdelay $0x4  }
0x3d5: {  	v3 =	vshll.u32 v2, $0x3  }
0x3d6: {  	v4 =	vand.u32 $0x7F, v2;
	v3 =	vand.u32 $0xFFFFFC00, v3  }
0x3d7: {  	vm1 =	vgt.s32 v2, $0xFFFFFFFF;
	v2 =	vor.u32 v3, v4  }
0x3d8: {  	v2 =	vor.u32 v1, v2;
	_ =	sdelay $0x4  }
0x3d9: {  	[tilespmem:v2+s14+$0x0] =	vst.idx.msk vm1, v47  }
0x3da: {  	v2 =	vld [tilespmem:s21+$0x440];
	_ =	sdelay $0x4  }
0x3db: {  	v3 =	vshll.u32 v2, $0x3  }
0x3dc: {  	v4 =	vand.u32 $0x7F, v2;
	v3 =	vand.u32 $0xFFFFFC00, v3  }
0x3dd: {  	vm1 =	vgt.s32 v2, $0xFFFFFFFF;
	v2 =	vor.u32 v3, v4  }
0x3de: {  	v2 =	vor.u32 v1, v2;
	_ =	sdelay $0x4  }
0x3df: {  	[tilespmem:v2+s14+$0x0] =	vst.idx.msk vm1, v48  }
0x3e0: {  	v2 =	vld [tilespmem:s21+$0x450];
	_ =	sdelay $0x4  }
0x3e1: {  	v3 =	vshll.u32 v2, $0x3  }
0x3e2: {  	v4 =	vand.u32 $0x7F, v2;
	v3 =	vand.u32 $0xFFFFFC00, v3  }
0x3e3: {  	vm1 =	vgt.s32 v2, $0xFFFFFFFF;
	v2 =	vor.u32 v3, v4  }
0x3e4: {  	v2 =	vor.u32 v1, v2;
	_ =	sdelay $0x4  }
0x3e5: {  	[tilespmem:v2+s14+$0x0] =	vst.idx.msk vm1, v49  }
0x3e6: {  	v2 =	vld [tilespmem:s21+$0x460];
	_ =	sdelay $0x4  }
0x3e7: {  	v3 =	vshll.u32 v2, $0x3  }
0x3e8: {  	v4 =	vand.u32 $0x7F, v2;
	v3 =	vand.u32 $0xFFFFFC00, v3  }
0x3e9: {  	vm1 =	vgt.s32 v2, $0xFFFFFFFF;
	v2 =	vor.u32 v3, v4  }
0x3ea: {  	v2 =	vor.u32 v1, v2;
	_ =	sdelay $0x4  }
0x3eb: {  	[tilespmem:v2+s14+$0x0] =	vst.idx.msk vm1, v50  }
0x3ec: {  	v2 =	vld [tilespmem:s21+$0x470];
	_ =	sdelay $0x4  }
0x3ed: {  	v3 =	vshll.u32 v2, $0x3  }
0x3ee: {  	v4 =	vand.u32 $0x7F, v2;
	v3 =	vand.u32 $0xFFFFFC00, v3  }
0x3ef: {  	vm1 =	vgt.s32 v2, $0xFFFFFFFF;
	v2 =	vor.u32 v3, v4  }
0x3f0: {  	v2 =	vor.u32 v1, v2;
	_ =	sdelay $0x4  }
0x3f1: {  	[tilespmem:v2+s14+$0x0] =	vst.idx.msk vm1, v51  }
0x3f2: {  	v2 =	vld [tilespmem:s21+$0x800];
	_ =	sdelay $0x4  }
0x3f3: {  	v3 =	vshll.u32 v2, $0x3  }
0x3f4: {  	v4 =	vand.u32 $0x7F, v2;
	v3 =	vand.u32 $0xFFFFFC00, v3  }
0x3f5: {  	vm1 =	vgt.s32 v2, $0xFFFFFFFF;
	v2 =	vor.u32 v3, v4  }
0x3f6: {  	v2 =	vor.u32 v1, v2;
	_ =	sdelay $0x4  }
0x3f7: {  	[tilespmem:v2+s14+$0x0] =	vst.idx.msk vm1, v52  }
0x3f8: {  	v2 =	vld [tilespmem:s21+$0x810];
	_ =	sdelay $0x4  }
0x3f9: {  	v3 =	vshll.u32 v2, $0x3  }
0x3fa: {  	v4 =	vand.u32 $0x7F, v2;
	v3 =	vand.u32 $0xFFFFFC00, v3  }
0x3fb: {  	vm1 =	vgt.s32 v2, $0xFFFFFFFF;
	v2 =	vor.u32 v3, v4  }
0x3fc: {  	v2 =	vor.u32 v1, v2;
	_ =	sdelay $0x4  }
0x3fd: {  	[tilespmem:v2+s14+$0x0] =	vst.idx.msk vm1, v53  }
0x3fe: {  	v2 =	vld [tilespmem:s21+$0x820];
	_ =	sdelay $0x4  }
0x3ff: {  	v3 =	vshll.u32 v2, $0x3  }
0x400: {  	v4 =	vand.u32 $0x7F, v2;
	v3 =	vand.u32 $0xFFFFFC00, v3  }
0x401: {  	vm1 =	vgt.s32 v2, $0xFFFFFFFF;
	v2 =	vor.u32 v3, v4  }
0x402: {  	v2 =	vor.u32 v1, v2;
	_ =	sdelay $0x4  }
0x403: {  	[tilespmem:v2+s14+$0x0] =	vst.idx.msk vm1, v54  }
0x404: {  	v2 =	vld [tilespmem:s21+$0x830];
	_ =	sdelay $0x4  }
0x405: {  	v3 =	vshll.u32 v2, $0x3  }
0x406: {  	v4 =	vand.u32 $0x7F, v2;
	v3 =	vand.u32 $0xFFFFFC00, v3  }
0x407: {  	vm1 =	vgt.s32 v2, $0xFFFFFFFF;
	v2 =	vor.u32 v3, v4  }
0x408: {  	v2 =	vor.u32 v1, v2;
	_ =	sdelay $0x4  }
0x409: {  	[tilespmem:v2+s14+$0x0] =	vst.idx.msk vm1, v55  }
0x40a: {  	v2 =	vld [tilespmem:s21+$0x840];
	_ =	sdelay $0x4  }
0x40b: {  	v3 =	vshll.u32 v2, $0x3  }
0x40c: {  	v4 =	vand.u32 $0x7F, v2;
	v3 =	vand.u32 $0xFFFFFC00, v3  }
0x40d: {  	vm1 =	vgt.s32 v2, $0xFFFFFFFF;
	v2 =	vor.u32 v3, v4  }
0x40e: {  	v2 =	vor.u32 v1, v2;
	_ =	sdelay $0x4  }
0x40f: {  	[tilespmem:v2+s14+$0x0] =	vst.idx.msk vm1, v56  }
0x410: {  	v2 =	vld [tilespmem:s21+$0x850];
	_ =	sdelay $0x4  }
0x411: {  	v3 =	vshll.u32 v2, $0x3  }
0x412: {  	v4 =	vand.u32 $0x7F, v2;
	v3 =	vand.u32 $0xFFFFFC00, v3  }
0x413: {  	vm1 =	vgt.s32 v2, $0xFFFFFFFF;
	v2 =	vor.u32 v3, v4  }
0x414: {  	v2 =	vor.u32 v1, v2;
	_ =	sdelay $0x4  }
0x415: {  	[tilespmem:v2+s14+$0x0] =	vst.idx.msk vm1, v57  }
0x416: {  	v2 =	vld [tilespmem:s21+$0x860];
	_ =	sdelay $0x4  }
0x417: {  	v3 =	vshll.u32 v2, $0x3  }
0x418: {  	v4 =	vand.u32 $0x7F, v2;
	v3 =	vand.u32 $0xFFFFFC00, v3  }
0x419: {  	vm1 =	vgt.s32 v2, $0xFFFFFFFF;
	v2 =	vor.u32 v3, v4  }
0x41a: {  	v2 =	vor.u32 v1, v2;
	_ =	sdelay $0x4  }
0x41b: {  	[tilespmem:v2+s14+$0x0] =	vst.idx.msk vm1, v58  }
0x41c: {  	v2 =	vld [tilespmem:s21+$0x870];
	_ =	sdelay $0x4  }
0x41d: {  	v3 =	vshll.u32 v2, $0x3  }
0x41e: {  	v4 =	vand.u32 $0x7F, v2;
	v3 =	vand.u32 $0xFFFFFC00, v3  }
0x41f: {  	vm1 =	vgt.s32 v2, $0xFFFFFFFF;
	v2 =	vor.u32 v3, v4  }
0x420: {  	v2 =	vor.u32 v1, v2;
	_ =	sdelay $0x4  }
0x421: {  	[tilespmem:v2+s14+$0x0] =	vst.idx.msk vm1, v59  }
0x422: {  	v2 =	vld [tilespmem:s21+$0xC00];
	_ =	sdelay $0x4  }
0x423: {  	v3 =	vshll.u32 v2, $0x3  }
0x424: {  	v4 =	vand.u32 $0x7F, v2;
	v3 =	vand.u32 $0xFFFFFC00, v3  }
0x425: {  	vm1 =	vgt.s32 v2, $0xFFFFFFFF;
	v2 =	vor.u32 v3, v4  }
0x426: {  	v2 =	vor.u32 v1, v2;
	_ =	sdelay $0x4  }
0x427: {  	[tilespmem:v2+s14+$0x0] =	vst.idx.msk vm1, v60  }
0x428: {  	v2 =	vld [tilespmem:s21+$0xC10];
	_ =	sdelay $0x4  }
0x429: {  	v3 =	vshll.u32 v2, $0x3  }
0x42a: {  	v4 =	vand.u32 $0x7F, v2;
	v3 =	vand.u32 $0xFFFFFC00, v3  }
0x42b: {  	vm1 =	vgt.s32 v2, $0xFFFFFFFF;
	v2 =	vor.u32 v3, v4  }
0x42c: {  	v2 =	vor.u32 v1, v2;
	_ =	sdelay $0x4  }
0x42d: {  	[tilespmem:v2+s14+$0x0] =	vst.idx.msk vm1, v61  }
0x42e: {  	v2 =	vld [tilespmem:s21+$0xC20];
	_ =	sdelay $0x4  }
0x42f: {  	v3 =	vshll.u32 v2, $0x3  }
0x430: {  	v4 =	vand.u32 $0x7F, v2;
	v3 =	vand.u32 $0xFFFFFC00, v3  }
0x431: {  	vm1 =	vgt.s32 v2, $0xFFFFFFFF;
	v2 =	vor.u32 v3, v4  }
0x432: {  	v2 =	vor.u32 v1, v2;
	_ =	sdelay $0x4  }
0x433: {  	[tilespmem:v2+s14+$0x0] =	vst.idx.msk vm1, v62  }
0x434: {  	v2 =	vld [tilespmem:s21+$0xC30];
	_ =	sdelay $0x4  }
0x435: {  	v3 =	vshll.u32 v2, $0x3  }
0x436: {  	v4 =	vand.u32 $0x7F, v2;
	v3 =	vand.u32 $0xFFFFFC00, v3  }
0x437: {  	vm1 =	vgt.s32 v2, $0xFFFFFFFF;
	v2 =	vor.u32 v3, v4  }
0x438: {  	v2 =	vor.u32 v1, v2;
	_ =	sdelay $0x4  }
0x439: {  	[tilespmem:v2+s14+$0x0] =	vst.idx.msk vm1, v63  }
0x43a: {  	v2 =	vld [tilespmem:s21+$0xC40];
	_ =	sdelay $0x4  }
0x43b: {  	v3 =	vshll.u32 v2, $0x3  }
0x43c: {  	v4 =	vand.u32 $0x7F, v2;
	v3 =	vand.u32 $0xFFFFFC00, v3  }
0x43d: {  	vm1 =	vgt.s32 v2, $0xFFFFFFFF;
	v2 =	vor.u32 v3, v4  }
0x43e: {  	v2 =	vor.u32 v1, v2;
	_ =	sdelay $0x4  }
0x43f: {  	[tilespmem:v2+s14+$0x0] =	vst.idx.msk vm1, v5  }
0x440: {  	v2 =	vld [tilespmem:s21+$0xC50];
	_ =	sdelay $0x4  }
0x441: {  	v3 =	vshll.u32 v2, $0x3  }
0x442: {  	v4 =	vand.u32 $0x7F, v2;
	v3 =	vand.u32 $0xFFFFFC00, v3  }
0x443: {  	vm1 =	vgt.s32 v2, $0xFFFFFFFF;
	v2 =	vor.u32 v3, v4  }
0x444: {  	v2 =	vor.u32 v1, v2;
	_ =	sdelay $0x4  }
0x445: {  	[tilespmem:v2+s14+$0x0] =	vst.idx.msk vm1, v6  }
0x446: {  	v2 =	vld [tilespmem:s21+$0xC58];
	_ =	sdelay $0x4  }
0x447: {  	v3 =	vshll.u32 v2, $0x3  }
0x448: {  	vm1 =	vgt.s32 v2, $0xFFFFFFFF;
	v2 =	vand.u32 $0x7F, v2;
	v3 =	vand.u32 $0xFFFFFC00, v3  }
0x449: {  	vm1 =	vmand vm1, vm0;
	v2 =	vor.u32 v3, v2  }
0x44a: {  	p0 =	sne.s32 s19, $0x7;
	v1 =	vor.u32 v1, v2  }
.Ltmp6:
0x44b: {  	_ = 	snop;
	(pc) =	sbr.rel @p0 .LBB2_9-.Ltmp6, $2  }
0x44c: {  	_ =	sdelay $0x2  }
0x44d: {  	s19 =	sadd.s32 $0x1, s19;
	s20 =	sadd.s32 $0x80, s20;
	s21 =	sadd.s32 $0x80, s21;
	[tilespmem:v1+s14+$0x0] =	vst.idx.msk vm1, v7  }
0x44e: {  	p0 =	seq.s32 s17, $0x7  }
.Ltmp7:
0x44f: {  	_ = 	snop;
	(pc) =	sbr.rel @p0 .LBB2_12-.Ltmp7, $4  }
0x450: {  	_ = 	snop  }
0x451: {  	s18 =	sor.u32 $0x400, s18  }
0x452: {  	s19 =	sadd.s32 s4, s18  }
0x453: {  	v4 =	vmov v6;
	v1 =	vmov v7;
	[hbm4b:s19+s1] =	stream.linear.scatter [tilespmem:s14], [sflag:$0x4], $0x2000, $0x38;
	[tilespmem:$0x8000] =	vst v63  }
.Ltmp8:
0x454: {  	(pc) =	sbr.rel .LBB2_2-.Ltmp8, $3  }
0x455: {  	_ =	sdelay $0x1  }
0x456: {  	s18 =	sadd.s32 s18, s7;
	s17 =	sadd.s32 $0x1, s17  }
0x457: {  	[tilespmem:s9], [sflag:$0x2] =	stream.linear.gather [hbm4b:s18+s1], $0x2000, $0x38;
	[tilespmem:$0x8000] =	vst v63  }
.LBB2_13:
0x458: {  	_ =	sfence.sel $0x180000  }
0x459: {  	[bflag:$0x0] =	sbarrier.arrive $0xFFFF  }
0x45a: {  	p0 =	sne.s32 s2, $0x0;
	_ =	strace $0x90000047  }
0x45b: {  	s0 =	sadd.s32 @!p0 $0x100000, s0;
	[bflag:$0x2] =	sbarrier.arrive $0xFFFF  }
0x45c: {  	[sflag:s0] =	ssyncadd.tile.s32 @!p0 $0x1;
	_ =	shalt  }
.Lfunc_end2:
_tile_overlayer_lowered:
.L_overlay_start_2:
0x45d: {  	(tag) =	ssettag $0x2  }
0x45e: {  	s0 =	rddreg [dreg:$0x0];
	s2 =	stileid.u32  }
0x45f: {  	s1 =	rddreg [dreg:$0x1];
	p0 =	sne.s32 s2, $0x0  }
0x460: {  	s3 =	rddreg [dreg:$0x2];
	[bflag:$0x3] =	sbarrier.arrive $0xFFFF;
	s2 =	simm.s32 @!p0 $0x1C05  }
0x461: {  	[timem:s3], [sflag:s2] =	dma.local @!p0 [hbm:s0], s1  }
0x462: {  	s0 =	simm.s32 @!p0 $0x5  }
0x463: {  	_ =	swait.ge @!p0 [sflag:s0], s1  }
0x464: {  	s1 =	ssub.s32 @!p0 $0x0, s1;
	[sflag:s0] =	ssyncset.done @!p0 $0x0  }
0x465: {  	[sflag:s0] =	ssyncadd.s32 @!p0 s1  }
0x466: {  	[bflag:$0x3] =	sbarrier.arrive $0xFFFF  }
0x467: {  	_ =	shalt  }

</sc_bundles>
